<compile_context>
chip_gen: v7x
topology: tpu7x:2x2x1
jax: 0.10.2.dev20260603
libtpu: 0.0.44.dev20260713+nightly
codegen_flags: <defaults>
</compile_context>

<pallas_src>
import functools

import jax
import jax.numpy as jnp
from jax import lax
from jax.experimental import pallas as pl
from jax.experimental.pallas import tpu as pltpu
from jax.experimental.pallas import tpu_sc as plsc

N = 10000
E = 320000
D = 128
NP = 10240

NC = 2
NS = 16
NW = NC * NS
EPW = E // NW
K = 125
ITERS = EPW // K
RPW = NP // NS
HR = NP // D

_mesh = plsc.VectorSubcoreMesh(
    core_axis_name="c", subcore_axis_name="s", num_cores=NC, num_subcores=NS
)


@functools.partial(
    pl.kernel,
    out_type=jax.ShapeDtypeStruct((NC, HR, D), jnp.float32),
    mesh=_mesh,
    compiler_params=pltpu.CompilerParams(needs_layout_passes=False),
    scratch_types=[
        pltpu.VMEM((EPW,), jnp.int32),
        pltpu.VMEM((HR, D), jnp.float32),
        pltpu.VMEM((1, HR), jnp.int32),
        pltpu.VMEM_SHARED((HR, D), jnp.float32),
    ],
)
def _sc_degree(dst_hbm, iota_hbm, zeros_hbm, out_hbm, idx_v, hist_v, iota_v, deg_sh):
    c = lax.axis_index("c")
    s = lax.axis_index("s")
    wid = s * NC + c
    e0 = pl.multiple_of(wid * EPW, 8)
    pltpu.sync_copy(dst_hbm.at[pl.ds(e0, EPW)], idx_v)
    z0 = pl.multiple_of(s * RPW, 8)
    pltpu.sync_copy(zeros_hbm.at[pl.ds(z0, HR)], hist_v)
    pltpu.sync_copy(iota_hbm, iota_v)

    @pl.when(s == 0)
    def _():
        pltpu.sync_copy(zeros_hbm.at[pl.ds(0, HR)], deg_sh)

    def body(v, carry):
        idx16 = idx_v[pl.ds(v * 16, 16)]
        row = jnp.right_shift(idx16, 7)
        col = jnp.bitwise_and(idx16, 127)
        cnt, last = plsc.scan_count(idx16)
        plsc.addupdate_scatter(hist_v, [row, col], cnt.astype(jnp.float32), mask=last)
        return carry

    lax.fori_loop(0, EPW // 16, body, 0)
    plsc.subcore_barrier()
    pltpu.sync_copy(hist_v, deg_sh.at[iota_v.at[0]], add=True)
    plsc.subcore_barrier()

    @pl.when(s == 0)
    def _():
        pltpu.sync_copy(deg_sh, out_hbm.at[c])


BC = 8
NB = ITERS // BC
IB = 2
NBUF = 2


@functools.partial(
    pl.kernel,
    out_type=jax.ShapeDtypeStruct((NC, NP, D), jnp.float32),
    mesh=_mesh,
    scratch_types=[
        pltpu.VMEM((IB, BC, K), jnp.int32),
        pltpu.VMEM((IB, BC, K), jnp.int32),
        [pltpu.VMEM((K, D), jnp.float32)] * NBUF,
        [pltpu.SemaphoreType.DMA] * NBUF,
        [pltpu.SemaphoreType.DMA] * NBUF,
        pltpu.VMEM_SHARED((NP, D), jnp.float32),
        pltpu.SemaphoreType.DMA,
    ],
)
def _sc_aggregate(
    z_hbm, src2d_hbm, dst2d_hbm, zerosd_hbm, out_hbm,
    sring, dring, rows, gsems, ssems, acc_sh, isem
):
    c = lax.axis_index("c")
    s = lax.axis_index("s")
    wid = s * NC + c
    chunk0 = pl.multiple_of(wid * ITERS, 8)
    row0 = pl.multiple_of(s * RPW, 8)

    def fire_idx(b, sl):
        blk = pl.multiple_of(chunk0 + b * BC, 8)
        pltpu.async_copy(src2d_hbm.at[pl.ds(blk, BC)], sring.at[sl], isem)
        pltpu.async_copy(dst2d_hbm.at[pl.ds(blk, BC)], dring.at[sl], isem)

    def drain_idx():
        pltpu.make_async_copy(src2d_hbm.at[pl.ds(chunk0, BC)], sring.at[0], isem).wait()
        pltpu.make_async_copy(dst2d_hbm.at[pl.ds(chunk0, BC)], dring.at[0], isem).wait()

    def wait_scatter(q):
        pltpu.make_async_copy(rows[q], acc_sh.at[dring.at[0, 0]], ssems[q]).wait()

    def wait_gather(q):
        pltpu.make_async_copy(z_hbm.at[sring.at[0, 0]], rows[q], gsems[q]).wait()

    pltpu.sync_copy(zerosd_hbm.at[pl.ds(row0, RPW)], acc_sh.at[pl.ds(row0, RPW)])
    fire_idx(0, 0)
    fire_idx(1, 1)
    plsc.subcore_barrier()
    drain_idx()
    pltpu.async_copy(z_hbm.at[sring.at[0, 0]], rows[0], gsems[0])

    def block_body(b, carry):
        sl = lax.rem(b, IB)
        nsl = lax.rem(b + 1, IB)

        @pl.when(b + 1 < NB)
        def _():
            drain_idx()

        for r in range(BC):
            q = r % NBUF
            nq = (r + 1) % NBUF

            if r < NBUF - 1:
                @pl.when(b > 0)
                def _():
                    wait_scatter(nq)
            else:
                wait_scatter(nq)
            if r < BC - 1:
                pltpu.async_copy(z_hbm.at[sring.at[sl, r + 1]], rows[nq], gsems[nq])
            else:
                pltpu.async_copy(z_hbm.at[sring.at[nsl, 0]], rows[nq], gsems[nq])
            wait_gather(q)
            pltpu.async_copy(rows[q], acc_sh.at[dring.at[sl, r]], ssems[q], add=True)

        @pl.when(b + 2 < NB)
        def _():
            fire_idx(b + 2, sl)

        return carry

    lax.fori_loop(0, NB, block_body, 0)
    for j in range(ITERS - NBUF + 1, ITERS):
        wait_scatter(j % NBUF)
    wait_gather(ITERS % NBUF)
    plsc.subcore_barrier()
    pltpu.sync_copy(acc_sh.at[pl.ds(row0, RPW)], out_hbm.at[c, pl.ds(row0, RPW)])


BR = 2048

_DOT = dict(precision=lax.Precision.HIGHEST, preferred_element_type=jnp.float32)


def _gelu(x):
    return 0.5 * x * (1.0 + lax.erf(x * 0.7071067811865476))


def _tc_proj_body(degcol, latent, wp, bp, w1, z1_out, dinv_out):
    deg = jnp.sum(degcol[...], axis=0) + 1.0
    dinv = lax.rsqrt(deg)
    x0 = _gelu(jnp.dot(latent[...], wp[...], **_DOT) + bp[...])
    z1_out[...] = jnp.dot(x0, w1[...], **_DOT) * dinv
    dinv_out[...] = jnp.broadcast_to(dinv, (BR, D))


def _tc_proj(degcol, latent, wp, bp, w1):
    return pl.pallas_call(
        _tc_proj_body,
        grid=(NP // BR,),
        in_specs=[
            pl.BlockSpec((NC, BR, 1), lambda i: (0, i, 0)),
            pl.BlockSpec((BR, D), lambda i: (i, 0)),
            pl.BlockSpec((D, D), lambda i: (0, 0)),
            pl.BlockSpec((1, D), lambda i: (0, 0)),
            pl.BlockSpec((D, D), lambda i: (0, 0)),
        ],
        out_specs=[
            pl.BlockSpec((BR, D), lambda i: (i, 0)),
            pl.BlockSpec((BR, D), lambda i: (i, 0)),
        ],
        out_shape=[
            jax.ShapeDtypeStruct((NP, D), jnp.float32),
            jax.ShapeDtypeStruct((NP, D), jnp.float32),
        ],
    )(degcol, latent, wp, bp, w1)


def _tc_combine_body(acc, z, dinv, b, w_next, znext_out):
    x = dinv[...] * (acc[0] + acc[1] + z[...]) + b[...]
    znext_out[...] = jnp.dot(x, w_next[...], **_DOT) * dinv[...]


def _tc_combine(acc, z, dinv, b, w_next):
    return pl.pallas_call(
        _tc_combine_body,
        grid=(NP // BR,),
        in_specs=[
            pl.BlockSpec((NC, BR, D), lambda i: (0, i, 0)),
            pl.BlockSpec((BR, D), lambda i: (i, 0)),
            pl.BlockSpec((BR, D), lambda i: (i, 0)),
            pl.BlockSpec((1, D), lambda i: (0, 0)),
            pl.BlockSpec((D, D), lambda i: (0, 0)),
        ],
        out_specs=pl.BlockSpec((BR, D), lambda i: (i, 0)),
        out_shape=jax.ShapeDtypeStruct((NP, D), jnp.float32),
    )(acc, z, dinv, b, w_next)


def _tc_final_body(acc, z, dinv, b, out):
    out[...] = dinv[...] * (acc[0] + acc[1] + z[...]) + b[...]


def _tc_final(acc, z, dinv, b):
    return pl.pallas_call(
        _tc_final_body,
        grid=(NP // BR,),
        in_specs=[
            pl.BlockSpec((NC, BR, D), lambda i: (0, i, 0)),
            pl.BlockSpec((BR, D), lambda i: (i, 0)),
            pl.BlockSpec((BR, D), lambda i: (i, 0)),
            pl.BlockSpec((1, D), lambda i: (0, 0)),
        ],
        out_specs=pl.BlockSpec((BR, D), lambda i: (i, 0)),
        out_shape=jax.ShapeDtypeStruct((NP, D), jnp.float32),
    )(acc, z, dinv, b)


def kernel(latent, edge_index, Wp, bp, W1, b1, W2, b2, W3, b3):
    src2d = edge_index[0].reshape(E // K, K)
    dst2d = edge_index[1].reshape(E // K, K)
    dstflat = edge_index[1]
    iota_hr = jnp.arange(HR, dtype=jnp.int32).reshape(1, HR)
    zerosd = jnp.zeros((NP, D), jnp.float32)
    latp = jnp.pad(latent, ((0, NP - N), (0, 0)))
    bp2, b12, b22, b32 = (b.reshape(1, D) for b in (bp, b1, b2, b3))

    degpart = _sc_degree(dstflat, iota_hr, zerosd)
    degcol = degpart.reshape(NC, NP, 1)
    z1, dinv = _tc_proj(degcol, latp, Wp, bp2, W1)
    acc1 = _sc_aggregate(z1, src2d, dst2d, zerosd)
    z2 = _tc_combine(acc1, z1, dinv, b12, W2)
    acc2 = _sc_aggregate(z2, src2d, dst2d, zerosd)
    z3 = _tc_combine(acc2, z2, dinv, b22, W3)
    acc3 = _sc_aggregate(z3, src2d, dst2d, zerosd)
    return _tc_final(acc3, z3, dinv, b32)[:N]

# --- scband reference (transcript-rebuilt; emitter-appended) ---
"""Pipeline reference for scband-modern-graph-decoder-13597866459745 (READ-ONLY COPY).

The authoritative reference and input builder live on the scoring server;
editing this copy changes nothing except your own understanding.
"""

import jax, jax.numpy as jnp
import numpy as np

N = 10000
E = 320000
D = 128


def setup_inputs(seed: int = 0) -> dict:
    key = jax.random.key(seed)
    ks = jax.random.split(key, 12)
    s = 0.05
    inp = {}
    inp["latent"] = jax.random.normal(ks[0], (N, D), dtype=jnp.float32)
    inp["edge_index"] = jax.random.randint(ks[1], (2, E), 0, N, dtype=jnp.int32)
    inp["Wp"] = jax.random.normal(ks[2], (D, D), dtype=jnp.float32) * s
    inp["bp"] = jnp.zeros((D,), dtype=jnp.float32)
    inp["W1"] = jax.random.normal(ks[3], (D, D), dtype=jnp.float32) * s
    inp["b1"] = jnp.zeros((D,), dtype=jnp.float32)
    inp["W2"] = jax.random.normal(ks[4], (D, D), dtype=jnp.float32) * s
    inp["b2"] = jnp.zeros((D,), dtype=jnp.float32)
    inp["W3"] = jax.random.normal(ks[5], (D, D), dtype=jnp.float32) * s
    inp["b3"] = jnp.zeros((D,), dtype=jnp.float32)
    return inp


def gcn_layer(x, edge_index, W, b):
    # GCNConv semantics: linear transform, then symmetric-normalized
    # aggregation with self-loops, then bias.
    n = x.shape[0]
    x = x @ W
    src = edge_index[0]
    dst = edge_index[1]
    loop = jnp.arange(n, dtype=src.dtype)
    src2 = jnp.concatenate([src, loop])
    dst2 = jnp.concatenate([dst, loop])
    deg = jnp.zeros((n,), dtype=x.dtype).at[dst2].add(1.0)
    dinv = jnp.where(deg > 0, 1.0 / jnp.sqrt(deg), 0.0)
    norm = dinv[src2] * dinv[dst2]
    msgs = x[src2] * norm[:, None]
    out = jax.ops.segment_sum(msgs, dst2, num_segments=n)
    return out + b


def reference(latent, edge_index, Wp, bp, W1, b1, W2, b2, W3, b3):
    x = latent @ Wp + bp
    x = jax.nn.gelu(x, approximate=False)
    x = gcn_layer(x, edge_index, W1, b1)
    x = gcn_layer(x, edge_index, W2, b2)
    x = gcn_layer(x, edge_index, W3, b3)
    return x

if __name__ == "__main__":
    import jax
    _d = setup_inputs()
    print(jax.jit(kernel)(*tuple(_d.values())))

</pallas_src>

<mosaic_0001>
#map = affine_map<(d0, d1) -> (0, 0)>
#map1 = affine_map<(d0, d1) -> (0, 0, 0)>
module attributes {stable_mosaic.version = 14 : i64} {
  func.func @_sc_aggregate(%arg0: i32, %arg1: i32, %arg2: memref<10240x128xf32, #tpu.memory_space<hbm>>, %arg3: memref<2560x125xi32, #tpu.memory_space<hbm>>, %arg4: memref<2560x125xi32, #tpu.memory_space<hbm>>, %arg5: memref<10240x128xf32, #tpu.memory_space<hbm>>, %arg6: memref<2x10240x128xf32, #tpu.memory_space<hbm>>, %arg7: memref<2x8x125xi32, #tpu.memory_space<vmem>>, %arg8: memref<2x8x125xi32, #tpu.memory_space<vmem>>, %arg9: memref<125x128xf32, #tpu.memory_space<vmem>>, %arg10: memref<125x128xf32, #tpu.memory_space<vmem>>, %arg11: memref<!tpu.dma_semaphore, #tpu.memory_space<semaphore_mem>>, %arg12: memref<!tpu.dma_semaphore, #tpu.memory_space<semaphore_mem>>, %arg13: memref<!tpu.dma_semaphore, #tpu.memory_space<semaphore_mem>>, %arg14: memref<!tpu.dma_semaphore, #tpu.memory_space<semaphore_mem>>, %arg15: memref<10240x128xf32, #tpu.memory_space<vmem_shared>>, %arg16: memref<!tpu.dma_semaphore, #tpu.memory_space<semaphore_mem>>) attributes {dimension_semantics = [#tpu.dimension_semantics<core_parallel>, #tpu.dimension_semantics<subcore_parallel>], iteration_bounds = array<i64: 2, 16>, scalar_prefetch = 0 : i64, scratch_operands = 10 : i64, tpu.core_type = #tpu.core_type<sc_vector_subcore>, window_params = [{transform_indices = #map}, {transform_indices = #map}, {transform_indices = #map}, {transform_indices = #map}, {transform_indices = #map1}]} {
    %mul3A = arith.constant 2 : i32
    %mul3A_0 = arith.muli %arg1, %mul3A : i32
    %add3A = arith.addi %mul3A_0, %arg0 : i32
    %mul3A_1 = arith.constant 80 : i32
    %mul3A_2 = arith.muli %add3A, %mul3A_1 : i32
    %multiple_of3A = tpu.assume_multiple %mul3A_2, 8 : i32
    %mul3A_3 = arith.constant 640 : i32
    %mul3A_4 = arith.muli %arg1, %mul3A_3 : i32
    %multiple_of3A_5 = tpu.assume_multiple %mul3A_4, 8 : i32
    "tpu.region"() ({
      %run_scoped3A = tpu.sem_alloc : memref<!tpu.dma_semaphore, #tpu.memory_space<semaphore_mem>>
      %dma_start3A_118 = arith.constant 0 : i32
      %dma_start3A_119 = tpu.memref_slice %arg15[%multiple_of3A_5, %dma_start3A_118] : memref<10240x128xf32, #tpu.memory_space<vmem_shared>> -> memref<640x128xf32, #tpu.memory_space<vmem_shared>>
      %dma_start3A_120 = arith.constant 0 : i32
      %dma_start3A_121 = tpu.memref_slice %arg5[%multiple_of3A_5, %dma_start3A_120] : memref<10240x128xf32, #tpu.memory_space<hbm>> -> memref<640x128xf32, #tpu.memory_space<hbm>>
      tpu.enqueue_dma source(%dma_start3A_121 : memref<640x128xf32, #tpu.memory_space<hbm>>) target(%dma_start3A_119 : memref<640x128xf32, #tpu.memory_space<vmem_shared>>) target_semaphore(%run_scoped3A : memref<!tpu.dma_semaphore, #tpu.memory_space<semaphore_mem>>)
      %dma_wait3A_122 = arith.constant 0 : i32
      %dma_wait3A_123 = tpu.memref_slice %arg15[%multiple_of3A_5, %dma_wait3A_122] : memref<10240x128xf32, #tpu.memory_space<vmem_shared>> -> memref<640x128xf32, #tpu.memory_space<vmem_shared>>
      %dma_wait3A_124 = arith.constant 0 : i32
      %dma_wait3A_125 = tpu.memref_slice %arg5[%multiple_of3A_5, %dma_wait3A_124] : memref<10240x128xf32, #tpu.memory_space<hbm>> -> memref<640x128xf32, #tpu.memory_space<hbm>>
      tpu.wait_dma2 semaphore(%run_scoped3A : memref<!tpu.dma_semaphore, #tpu.memory_space<semaphore_mem>>) src(%dma_wait3A_125 : memref<640x128xf32, #tpu.memory_space<hbm>>) dst(%dma_wait3A_123 : memref<640x128xf32, #tpu.memory_space<vmem_shared>>)
      tpu.yield
    }) : () -> ()
    %add3A_6 = arith.constant 0 : i32
    %add3A_7 = arith.addi %multiple_of3A, %add3A_6 : i32
    %multiple_of3A_8 = tpu.assume_multiple %add3A_7, 8 : i32
    %dma_start3A = arith.constant 0 : i32
    %dma_start3A_9 = arith.constant 0 : i32
    %dma_start3A_10 = arith.constant 0 : i32
    %dma_start3A_11 = tpu.memref_slice %arg7[%dma_start3A, %dma_start3A_9, %dma_start3A_10] : memref<2x8x125xi32, #tpu.memory_space<vmem>> -> memref<1x8x125xi32, #tpu.memory_space<vmem>>
    %dma_start3A_12 = tpu.memref_squeeze %dma_start3A_11 : memref<1x8x125xi32, #tpu.memory_space<vmem>> -> memref<8x125xi32, #tpu.memory_space<vmem>>
    %dma_start3A_13 = arith.constant 0 : i32
    %dma_start3A_14 = tpu.memref_slice %arg3[%multiple_of3A_8, %dma_start3A_13] : memref<2560x125xi32, #tpu.memory_space<hbm>> -> memref<8x125xi32, #tpu.memory_space<hbm>>
    %dma_start3A_15 = arith.constant 0 : i32
    %dma_start3A_16 = arith.constant 0 : i32
    %dma_start3A_17 = tpu.memref_slice %arg7[%dma_start3A, %dma_start3A_15, %dma_start3A_16] : memref<2x8x125xi32, #tpu.memory_space<vmem>> -> memref<1x8x125xi32, #tpu.memory_space<vmem>>
    %dma_start3A_18 = tpu.memref_squeeze %dma_start3A_17 : memref<1x8x125xi32, #tpu.memory_space<vmem>> -> memref<8x125xi32, #tpu.memory_space<vmem>>
    %dma_start3A_19 = arith.constant 0 : i32
    %dma_start3A_20 = tpu.memref_slice %arg3[%multiple_of3A_8, %dma_start3A_19] : memref<2560x125xi32, #tpu.memory_space<hbm>> -> memref<8x125xi32, #tpu.memory_space<hbm>>
    tpu.enqueue_dma source(%dma_start3A_20 : memref<8x125xi32, #tpu.memory_space<hbm>>) target(%dma_start3A_18 : memref<8x125xi32, #tpu.memory_space<vmem>>) target_semaphore(%arg16 : memref<!tpu.dma_semaphore, #tpu.memory_space<semaphore_mem>>)
    %dma_start3A_21 = arith.constant 0 : i32
    %dma_start3A_22 = arith.constant 0 : i32
    %dma_start3A_23 = arith.constant 0 : i32
    %dma_start3A_24 = tpu.memref_slice %arg8[%dma_start3A_21, %dma_start3A_22, %dma_start3A_23] : memref<2x8x125xi32, #tpu.memory_space<vmem>> -> memref<1x8x125xi32, #tpu.memory_space<vmem>>
    %dma_start3A_25 = tpu.memref_squeeze %dma_start3A_24 : memref<1x8x125xi32, #tpu.memory_space<vmem>> -> memref<8x125xi32, #tpu.memory_space<vmem>>
    %dma_start3A_26 = arith.constant 0 : i32
    %dma_start3A_27 = tpu.memref_slice %arg4[%multiple_of3A_8, %dma_start3A_26] : memref<2560x125xi32, #tpu.memory_space<hbm>> -> memref<8x125xi32, #tpu.memory_space<hbm>>
    %dma_start3A_28 = arith.constant 0 : i32
    %dma_start3A_29 = arith.constant 0 : i32
    %dma_start3A_30 = tpu.memref_slice %arg8[%dma_start3A_21, %dma_start3A_28, %dma_start3A_29] : memref<2x8x125xi32, #tpu.memory_space<vmem>> -> memref<1x8x125xi32, #tpu.memory_space<vmem>>
    %dma_start3A_31 = tpu.memref_squeeze %dma_start3A_30 : memref<1x8x125xi32, #tpu.memory_space<vmem>> -> memref<8x125xi32, #tpu.memory_space<vmem>>
    %dma_start3A_32 = arith.constant 0 : i32
    %dma_start3A_33 = tpu.memref_slice %arg4[%multiple_of3A_8, %dma_start3A_32] : memref<2560x125xi32, #tpu.memory_space<hbm>> -> memref<8x125xi32, #tpu.memory_space<hbm>>
    tpu.enqueue_dma source(%dma_start3A_33 : memref<8x125xi32, #tpu.memory_space<hbm>>) target(%dma_start3A_31 : memref<8x125xi32, #tpu.memory_space<vmem>>) target_semaphore(%arg16 : memref<!tpu.dma_semaphore, #tpu.memory_space<semaphore_mem>>)
    %add3A_34 = arith.constant 8 : i32
    %add3A_35 = arith.addi %multiple_of3A, %add3A_34 : i32
    %multiple_of3A_36 = tpu.assume_multiple %add3A_35, 8 : i32
    %dma_start3A_37 = arith.constant 1 : i32
    %dma_start3A_38 = arith.constant 0 : i32
    %dma_start3A_39 = arith.constant 0 : i32
    %dma_start3A_40 = tpu.memref_slice %arg7[%dma_start3A_37, %dma_start3A_38, %dma_start3A_39] : memref<2x8x125xi32, #tpu.memory_space<vmem>> -> memref<1x8x125xi32, #tpu.memory_space<vmem>>
    %dma_start3A_41 = tpu.memref_squeeze %dma_start3A_40 : memref<1x8x125xi32, #tpu.memory_space<vmem>> -> memref<8x125xi32, #tpu.memory_space<vmem>>
    %dma_start3A_42 = arith.constant 0 : i32
    %dma_start3A_43 = tpu.memref_slice %arg3[%multiple_of3A_36, %dma_start3A_42] : memref<2560x125xi32, #tpu.memory_space<hbm>> -> memref<8x125xi32, #tpu.memory_space<hbm>>
    %dma_start3A_44 = arith.constant 0 : i32
    %dma_start3A_45 = arith.constant 0 : i32
    %dma_start3A_46 = tpu.memref_slice %arg7[%dma_start3A_37, %dma_start3A_44, %dma_start3A_45] : memref<2x8x125xi32, #tpu.memory_space<vmem>> -> memref<1x8x125xi32, #tpu.memory_space<vmem>>
    %dma_start3A_47 = tpu.memref_squeeze %dma_start3A_46 : memref<1x8x125xi32, #tpu.memory_space<vmem>> -> memref<8x125xi32, #tpu.memory_space<vmem>>
    %dma_start3A_48 = arith.constant 0 : i32
    %dma_start3A_49 = tpu.memref_slice %arg3[%multiple_of3A_36, %dma_start3A_48] : memref<2560x125xi32, #tpu.memory_space<hbm>> -> memref<8x125xi32, #tpu.memory_space<hbm>>
    tpu.enqueue_dma source(%dma_start3A_49 : memref<8x125xi32, #tpu.memory_space<hbm>>) target(%dma_start3A_47 : memref<8x125xi32, #tpu.memory_space<vmem>>) target_semaphore(%arg16 : memref<!tpu.dma_semaphore, #tpu.memory_space<semaphore_mem>>)
    %dma_start3A_50 = arith.constant 1 : i32
    %dma_start3A_51 = arith.constant 0 : i32
    %dma_start3A_52 = arith.constant 0 : i32
    %dma_start3A_53 = tpu.memref_slice %arg8[%dma_start3A_50, %dma_start3A_51, %dma_start3A_52] : memref<2x8x125xi32, #tpu.memory_space<vmem>> -> memref<1x8x125xi32, #tpu.memory_space<vmem>>
    %dma_start3A_54 = tpu.memref_squeeze %dma_start3A_53 : memref<1x8x125xi32, #tpu.memory_space<vmem>> -> memref<8x125xi32, #tpu.memory_space<vmem>>
    %dma_start3A_55 = arith.constant 0 : i32
    %dma_start3A_56 = tpu.memref_slice %arg4[%multiple_of3A_36, %dma_start3A_55] : memref<2560x125xi32, #tpu.memory_space<hbm>> -> memref<8x125xi32, #tpu.memory_space<hbm>>
    %dma_start3A_57 = arith.constant 0 : i32
    %dma_start3A_58 = arith.constant 0 : i32
    %dma_start3A_59 = tpu.memref_slice %arg8[%dma_start3A_50, %dma_start3A_57, %dma_start3A_58] : memref<2x8x125xi32, #tpu.memory_space<vmem>> -> memref<1x8x125xi32, #tpu.memory_space<vmem>>
    %dma_start3A_60 = tpu.memref_squeeze %dma_start3A_59 : memref<1x8x125xi32, #tpu.memory_space<vmem>> -> memref<8x125xi32, #tpu.memory_space<vmem>>
    %dma_start3A_61 = arith.constant 0 : i32
    %dma_start3A_62 = tpu.memref_slice %arg4[%multiple_of3A_36, %dma_start3A_61] : memref<2560x125xi32, #tpu.memory_space<hbm>> -> memref<8x125xi32, #tpu.memory_space<hbm>>
    tpu.enqueue_dma source(%dma_start3A_62 : memref<8x125xi32, #tpu.memory_space<hbm>>) target(%dma_start3A_60 : memref<8x125xi32, #tpu.memory_space<vmem>>) target_semaphore(%arg16 : memref<!tpu.dma_semaphore, #tpu.memory_space<semaphore_mem>>)
    %barrier3A = arith.constant 0 : index
    tpu.barrier barrier_id(%barrier3A)
    %dma_wait3A = arith.constant 0 : i32
    %dma_wait3A_63 = arith.constant 0 : i32
    %dma_wait3A_64 = arith.constant 0 : i32
    %dma_wait3A_65 = tpu.memref_slice %arg7[%dma_wait3A, %dma_wait3A_63, %dma_wait3A_64] : memref<2x8x125xi32, #tpu.memory_space<vmem>> -> memref<1x8x125xi32, #tpu.memory_space<vmem>>
    %dma_wait3A_66 = tpu.memref_squeeze %dma_wait3A_65 : memref<1x8x125xi32, #tpu.memory_space<vmem>> -> memref<8x125xi32, #tpu.memory_space<vmem>>
    %dma_wait3A_67 = arith.constant 0 : i32
    %dma_wait3A_68 = tpu.memref_slice %arg3[%multiple_of3A, %dma_wait3A_67] : memref<2560x125xi32, #tpu.memory_space<hbm>> -> memref<8x125xi32, #tpu.memory_space<hbm>>
    %dma_wait3A_69 = arith.constant 0 : i32
    %dma_wait3A_70 = arith.constant 0 : i32
    %dma_wait3A_71 = tpu.memref_slice %arg7[%dma_wait3A, %dma_wait3A_69, %dma_wait3A_70] : memref<2x8x125xi32, #tpu.memory_space<vmem>> -> memref<1x8x125xi32, #tpu.memory_space<vmem>>
    %dma_wait3A_72 = tpu.memref_squeeze %dma_wait3A_71 : memref<1x8x125xi32, #tpu.memory_space<vmem>> -> memref<8x125xi32, #tpu.memory_space<vmem>>
    %dma_wait3A_73 = arith.constant 0 : i32
    %dma_wait3A_74 = tpu.memref_slice %arg3[%multiple_of3A, %dma_wait3A_73] : memref<2560x125xi32, #tpu.memory_space<hbm>> -> memref<8x125xi32, #tpu.memory_space<hbm>>
    tpu.wait_dma2 semaphore(%arg16 : memref<!tpu.dma_semaphore, #tpu.memory_space<semaphore_mem>>) src(%dma_wait3A_74 : memref<8x125xi32, #tpu.memory_space<hbm>>) dst(%dma_wait3A_72 : memref<8x125xi32, #tpu.memory_space<vmem>>)
    %dma_wait3A_75 = arith.constant 0 : i32
    %dma_wait3A_76 = arith.constant 0 : i32
    %dma_wait3A_77 = arith.constant 0 : i32
    %dma_wait3A_78 = tpu.memref_slice %arg8[%dma_wait3A_75, %dma_wait3A_76, %dma_wait3A_77] : memref<2x8x125xi32, #tpu.memory_space<vmem>> -> memref<1x8x125xi32, #tpu.memory_space<vmem>>
    %dma_wait3A_79 = tpu.memref_squeeze %dma_wait3A_78 : memref<1x8x125xi32, #tpu.memory_space<vmem>> -> memref<8x125xi32, #tpu.memory_space<vmem>>
    %dma_wait3A_80 = arith.constant 0 : i32
    %dma_wait3A_81 = tpu.memref_slice %arg4[%multiple_of3A, %dma_wait3A_80] : memref<2560x125xi32, #tpu.memory_space<hbm>> -> memref<8x125xi32, #tpu.memory_space<hbm>>
    %dma_wait3A_82 = arith.constant 0 : i32
    %dma_wait3A_83 = arith.constant 0 : i32
    %dma_wait3A_84 = tpu.memref_slice %arg8[%dma_wait3A_75, %dma_wait3A_82, %dma_wait3A_83] : memref<2x8x125xi32, #tpu.memory_space<vmem>> -> memref<1x8x125xi32, #tpu.memory_space<vmem>>
    %dma_wait3A_85 = tpu.memref_squeeze %dma_wait3A_84 : memref<1x8x125xi32, #tpu.memory_space<vmem>> -> memref<8x125xi32, #tpu.memory_space<vmem>>
    %dma_wait3A_86 = arith.constant 0 : i32
    %dma_wait3A_87 = tpu.memref_slice %arg4[%multiple_of3A, %dma_wait3A_86] : memref<2560x125xi32, #tpu.memory_space<hbm>> -> memref<8x125xi32, #tpu.memory_space<hbm>>
    tpu.wait_dma2 semaphore(%arg16 : memref<!tpu.dma_semaphore, #tpu.memory_space<semaphore_mem>>) src(%dma_wait3A_87 : memref<8x125xi32, #tpu.memory_space<hbm>>) dst(%dma_wait3A_85 : memref<8x125xi32, #tpu.memory_space<vmem>>)
    %dma_start3A_88 = arith.constant 0 : i32
    %dma_start3A_89 = arith.constant 0 : i32
    %dma_start3A_90 = arith.constant 0 : i32
    %dma_start3A_91 = tpu.memref_slice %arg7[%dma_start3A_88, %dma_start3A_89, %dma_start3A_90] : memref<2x8x125xi32, #tpu.memory_space<vmem>> -> memref<1x1x125xi32, #tpu.memory_space<vmem>>
    %dma_start3A_92 = tpu.memref_squeeze %dma_start3A_91 : memref<1x1x125xi32, #tpu.memory_space<vmem>> -> memref<125xi32, #tpu.memory_space<vmem>>
    %dma_start3A_93 = arith.constant 0 : i32
    %dma_start3A_94 = arith.constant 0 : i32
    %dma_start3A_95 = tpu.memref_slice %arg2[%dma_start3A_93, %dma_start3A_94] : memref<10240x128xf32, #tpu.memory_space<hbm>> -> memref<10240x128xf32, #tpu.memory_space<hbm>>
    tpu.enqueue_indirect_dma source(%dma_start3A_95 : memref<10240x128xf32, #tpu.memory_space<hbm>>) target(%arg9 : memref<125x128xf32, #tpu.memory_space<vmem>>) offsets(%dma_start3A_92 : memref<125xi32, #tpu.memory_space<vmem>>) semaphore(%arg11 : memref<!tpu.dma_semaphore, #tpu.memory_space<semaphore_mem>>)
    %scan3A = arith.constant 0 : i32
    %scan3A_96 = arith.constant 0 : i32
    %scan3A_97 = arith.constant 10 : i32
    %scan3A_98 = arith.addi %scan3A_96, %scan3A_97 : i32
    %scan3A_99 = arith.constant 1 : i32
    scf.for %scan3A_118 = %scan3A_96 to %scan3A_98 step %scan3A_99  : i32 {
      %rem3A = arith.constant 2 : i32
      %rem3A_119 = arith.remsi %scan3A_118, %rem3A : i32
      %add3A_120 = arith.constant 1 : i32
      %add3A_121 = arith.addi %scan3A_118, %add3A_120 : i32
      %rem3A_122 = arith.constant 2 : i32
      %rem3A_123 = arith.remsi %add3A_121, %rem3A_122 : i32
      %add3A_124 = arith.constant 1 : i32
      %add3A_125 = arith.addi %scan3A_118, %add3A_124 : i32
      %lt3A = arith.constant 10 : i32
      %lt3A_126 = arith.cmpi slt, %add3A_125, %lt3A : i32
      %convert_element_type3A = arith.extui %lt3A_126 : i1 to i32
      %cond3A = arith.constant 0 : i32
      %cond3A_127 = arith.cmpi ne, %convert_element_type3A, %cond3A : i32
      scf.if %cond3A_127 {
        %dma_wait3A_371 = arith.constant 0 : i32
        %dma_wait3A_372 = arith.constant 0 : i32
        %dma_wait3A_373 = arith.constant 0 : i32
        %dma_wait3A_374 = tpu.memref_slice %arg7[%dma_wait3A_371, %dma_wait3A_372, %dma_wait3A_373] : memref<2x8x125xi32, #tpu.memory_space<vmem>> -> memref<1x8x125xi32, #tpu.memory_space<vmem>>
        %dma_wait3A_375 = tpu.memref_squeeze %dma_wait3A_374 : memref<1x8x125xi32, #tpu.memory_space<vmem>> -> memref<8x125xi32, #tpu.memory_space<vmem>>
        %dma_wait3A_376 = arith.constant 0 : i32
        %dma_wait3A_377 = tpu.memref_slice %arg3[%multiple_of3A, %dma_wait3A_376] : memref<2560x125xi32, #tpu.memory_space<hbm>> -> memref<8x125xi32, #tpu.memory_space<hbm>>
        %dma_wait3A_378 = arith.constant 0 : i32
        %dma_wait3A_379 = arith.constant 0 : i32
        %dma_wait3A_380 = tpu.memref_slice %arg7[%dma_wait3A_371, %dma_wait3A_378, %dma_wait3A_379] : memref<2x8x125xi32, #tpu.memory_space<vmem>> -> memref<1x8x125xi32, #tpu.memory_space<vmem>>
        %dma_wait3A_381 = tpu.memref_squeeze %dma_wait3A_380 : memref<1x8x125xi32, #tpu.memory_space<vmem>> -> memref<8x125xi32, #tpu.memory_space<vmem>>
        %dma_wait3A_382 = arith.constant 0 : i32
        %dma_wait3A_383 = tpu.memref_slice %arg3[%multiple_of3A, %dma_wait3A_382] : memref<2560x125xi32, #tpu.memory_space<hbm>> -> memref<8x125xi32, #tpu.memory_space<hbm>>
        tpu.wait_dma2 semaphore(%arg16 : memref<!tpu.dma_semaphore, #tpu.memory_space<semaphore_mem>>) src(%dma_wait3A_383 : memref<8x125xi32, #tpu.memory_space<hbm>>) dst(%dma_wait3A_381 : memref<8x125xi32, #tpu.memory_space<vmem>>)
        %dma_wait3A_384 = arith.constant 0 : i32
        %dma_wait3A_385 = arith.constant 0 : i32
        %dma_wait3A_386 = arith.constant 0 : i32
        %dma_wait3A_387 = tpu.memref_slice %arg8[%dma_wait3A_384, %dma_wait3A_385, %dma_wait3A_386] : memref<2x8x125xi32, #tpu.memory_space<vmem>> -> memref<1x8x125xi32, #tpu.memory_space<vmem>>
        %dma_wait3A_388 = tpu.memref_squeeze %dma_wait3A_387 : memref<1x8x125xi32, #tpu.memory_space<vmem>> -> memref<8x125xi32, #tpu.memory_space<vmem>>
        %dma_wait3A_389 = arith.constant 0 : i32
        %dma_wait3A_390 = tpu.memref_slice %arg4[%multiple_of3A, %dma_wait3A_389] : memref<2560x125xi32, #tpu.memory_space<hbm>> -> memref<8x125xi32, #tpu.memory_space<hbm>>
        %dma_wait3A_391 = arith.constant 0 : i32
        %dma_wait3A_392 = arith.constant 0 : i32
        %dma_wait3A_393 = tpu.memref_slice %arg8[%dma_wait3A_384, %dma_wait3A_391, %dma_wait3A_392] : memref<2x8x125xi32, #tpu.memory_space<vmem>> -> memref<1x8x125xi32, #tpu.memory_space<vmem>>
        %dma_wait3A_394 = tpu.memref_squeeze %dma_wait3A_393 : memref<1x8x125xi32, #tpu.memory_space<vmem>> -> memref<8x125xi32, #tpu.memory_space<vmem>>
        %dma_wait3A_395 = arith.constant 0 : i32
        %dma_wait3A_396 = tpu.memref_slice %arg4[%multiple_of3A, %dma_wait3A_395] : memref<2560x125xi32, #tpu.memory_space<hbm>> -> memref<8x125xi32, #tpu.memory_space<hbm>>
        tpu.wait_dma2 semaphore(%arg16 : memref<!tpu.dma_semaphore, #tpu.memory_space<semaphore_mem>>) src(%dma_wait3A_396 : memref<8x125xi32, #tpu.memory_space<hbm>>) dst(%dma_wait3A_394 : memref<8x125xi32, #tpu.memory_space<vmem>>)
      } else {
      }
      %gt3A = arith.constant 0 : i32
      %gt3A_128 = arith.cmpi sgt, %scan3A_118, %gt3A : i32
      %convert_element_type3A_129 = arith.extui %gt3A_128 : i1 to i32
      %cond3A_130 = arith.constant 0 : i32
      %cond3A_131 = arith.cmpi ne, %convert_element_type3A_129, %cond3A_130 : i32
      scf.if %cond3A_131 {
        %dma_wait3A_371 = arith.constant 0 : i32
        %dma_wait3A_372 = arith.constant 0 : i32
        %dma_wait3A_373 = arith.constant 0 : i32
        %dma_wait3A_374 = tpu.memref_slice %arg8[%dma_wait3A_371, %dma_wait3A_372, %dma_wait3A_373] : memref<2x8x125xi32, #tpu.memory_space<vmem>> -> memref<1x1x125xi32, #tpu.memory_space<vmem>>
        %dma_wait3A_375 = tpu.memref_squeeze %dma_wait3A_374 : memref<1x1x125xi32, #tpu.memory_space<vmem>> -> memref<125xi32, #tpu.memory_space<vmem>>
        %dma_wait3A_376 = arith.constant 0 : i32
        %dma_wait3A_377 = arith.constant 0 : i32
        %dma_wait3A_378 = tpu.memref_slice %arg15[%dma_wait3A_376, %dma_wait3A_377] : memref<10240x128xf32, #tpu.memory_space<vmem_shared>> -> memref<10240x128xf32, #tpu.memory_space<vmem_shared>>
        tpu.wait_indirect_dma semaphore(%arg14 : memref<!tpu.dma_semaphore, #tpu.memory_space<semaphore_mem>>) src(%arg10 : memref<125x128xf32, #tpu.memory_space<vmem>>) dst(%dma_wait3A_378 : memref<10240x128xf32, #tpu.memory_space<vmem_shared>>)
      } else {
      }
      %dma_start3A_132 = arith.constant 1 : i32
      %dma_start3A_133 = arith.constant 0 : i32
      %dma_start3A_134 = tpu.memref_slice %arg7[%rem3A_119, %dma_start3A_132, %dma_start3A_133] : memref<2x8x125xi32, #tpu.memory_space<vmem>> -> memref<1x1x125xi32, #tpu.memory_space<vmem>>
      %dma_start3A_135 = tpu.memref_squeeze %dma_start3A_134 : memref<1x1x125xi32, #tpu.memory_space<vmem>> -> memref<125xi32, #tpu.memory_space<vmem>>
      %dma_start3A_136 = arith.constant 0 : i32
      %dma_start3A_137 = arith.constant 0 : i32
      %dma_start3A_138 = tpu.memref_slice %arg2[%dma_start3A_136, %dma_start3A_137] : memref<10240x128xf32, #tpu.memory_space<hbm>> -> memref<10240x128xf32, #tpu.memory_space<hbm>>
      tpu.enqueue_indirect_dma source(%dma_start3A_138 : memref<10240x128xf32, #tpu.memory_space<hbm>>) target(%arg10 : memref<125x128xf32, #tpu.memory_space<vmem>>) offsets(%dma_start3A_135 : memref<125xi32, #tpu.memory_space<vmem>>) semaphore(%arg12 : memref<!tpu.dma_semaphore, #tpu.memory_space<semaphore_mem>>)
      %dma_wait3A_139 = arith.constant 0 : i32
      %dma_wait3A_140 = arith.constant 0 : i32
      %dma_wait3A_141 = arith.constant 0 : i32
      %dma_wait3A_142 = tpu.memref_slice %arg7[%dma_wait3A_139, %dma_wait3A_140, %dma_wait3A_141] : memref<2x8x125xi32, #tpu.memory_space<vmem>> -> memref<1x1x125xi32, #tpu.memory_space<vmem>>
      %dma_wait3A_143 = tpu.memref_squeeze %dma_wait3A_142 : memref<1x1x125xi32, #tpu.memory_space<vmem>> -> memref<125xi32, #tpu.memory_space<vmem>>
      %dma_wait3A_144 = arith.constant 0 : i32
      %dma_wait3A_145 = arith.constant 0 : i32
      %dma_wait3A_146 = tpu.memref_slice %arg2[%dma_wait3A_144, %dma_wait3A_145] : memref<10240x128xf32, #tpu.memory_space<hbm>> -> memref<10240x128xf32, #tpu.memory_space<hbm>>
      tpu.wait_indirect_dma semaphore(%arg11 : memref<!tpu.dma_semaphore, #tpu.memory_space<semaphore_mem>>) src(%dma_wait3A_146 : memref<10240x128xf32, #tpu.memory_space<hbm>>) dst(%arg9 : memref<125x128xf32, #tpu.memory_space<vmem>>)
      %dma_start3A_147 = arith.constant 0 : i32
      %dma_start3A_148 = arith.constant 0 : i32
      %dma_start3A_149 = tpu.memref_slice %arg8[%rem3A_119, %dma_start3A_147, %dma_start3A_148] : memref<2x8x125xi32, #tpu.memory_space<vmem>> -> memref<1x1x125xi32, #tpu.memory_space<vmem>>
      %dma_start3A_150 = tpu.memref_squeeze %dma_start3A_149 : memref<1x1x125xi32, #tpu.memory_space<vmem>> -> memref<125xi32, #tpu.memory_space<vmem>>
      %dma_start3A_151 = arith.constant 0 : i32
      %dma_start3A_152 = arith.constant 0 : i32
      %dma_start3A_153 = tpu.memref_slice %arg15[%dma_start3A_151, %dma_start3A_152] : memref<10240x128xf32, #tpu.memory_space<vmem_shared>> -> memref<10240x128xf32, #tpu.memory_space<vmem_shared>>
      tpu.enqueue_indirect_dma source(%arg9 : memref<125x128xf32, #tpu.memory_space<vmem>>) target(%dma_start3A_153 : memref<10240x128xf32, #tpu.memory_space<vmem_shared>>) offsets(%dma_start3A_150 : memref<125xi32, #tpu.memory_space<vmem>>) semaphore(%arg13 : memref<!tpu.dma_semaphore, #tpu.memory_space<semaphore_mem>>) {add = true}
      %dma_wait3A_154 = arith.constant 0 : i32
      %dma_wait3A_155 = arith.constant 0 : i32
      %dma_wait3A_156 = arith.constant 0 : i32
      %dma_wait3A_157 = tpu.memref_slice %arg8[%dma_wait3A_154, %dma_wait3A_155, %dma_wait3A_156] : memref<2x8x125xi32, #tpu.memory_space<vmem>> -> memref<1x1x125xi32, #tpu.memory_space<vmem>>
      %dma_wait3A_158 = tpu.memref_squeeze %dma_wait3A_157 : memref<1x1x125xi32, #tpu.memory_space<vmem>> -> memref<125xi32, #tpu.memory_space<vmem>>
      %dma_wait3A_159 = arith.constant 0 : i32
      %dma_wait3A_160 = arith.constant 0 : i32
      %dma_wait3A_161 = tpu.memref_slice %arg15[%dma_wait3A_159, %dma_wait3A_160] : memref<10240x128xf32, #tpu.memory_space<vmem_shared>> -> memref<10240x128xf32, #tpu.memory_space<vmem_shared>>
      tpu.wait_indirect_dma semaphore(%arg13 : memref<!tpu.dma_semaphore, #tpu.memory_space<semaphore_mem>>) src(%arg9 : memref<125x128xf32, #tpu.memory_space<vmem>>) dst(%dma_wait3A_161 : memref<10240x128xf32, #tpu.memory_space<vmem_shared>>)
      %dma_start3A_162 = arith.constant 2 : i32
      %dma_start3A_163 = arith.constant 0 : i32
      %dma_start3A_164 = tpu.memref_slice %arg7[%rem3A_119, %dma_start3A_162, %dma_start3A_163] : memref<2x8x125xi32, #tpu.memory_space<vmem>> -> memref<1x1x125xi32, #tpu.memory_space<vmem>>
      %dma_start3A_165 = tpu.memref_squeeze %dma_start3A_164 : memref<1x1x125xi32, #tpu.memory_space<vmem>> -> memref<125xi32, #tpu.memory_space<vmem>>
      %dma_start3A_166 = arith.constant 0 : i32
      %dma_start3A_167 = arith.constant 0 : i32
      %dma_start3A_168 = tpu.memref_slice %arg2[%dma_start3A_166, %dma_start3A_167] : memref<10240x128xf32, #tpu.memory_space<hbm>> -> memref<10240x128xf32, #tpu.memory_space<hbm>>
      tpu.enqueue_indirect_dma source(%dma_start3A_168 : memref<10240x128xf32, #tpu.memory_space<hbm>>) target(%arg9 : memref<125x128xf32, #tpu.memory_space<vmem>>) offsets(%dma_start3A_165 : memref<125xi32, #tpu.memory_space<vmem>>) semaphore(%arg11 : memref<!tpu.dma_semaphore, #tpu.memory_space<semaphore_mem>>)
      %dma_wait3A_169 = arith.constant 0 : i32
      %dma_wait3A_170 = arith.constant 0 : i32
      %dma_wait3A_171 = arith.constant 0 : i32
      %dma_wait3A_172 = tpu.memref_slice %arg7[%dma_wait3A_169, %dma_wait3A_170, %dma_wait3A_171] : memref<2x8x125xi32, #tpu.memory_space<vmem>> -> memref<1x1x125xi32, #tpu.memory_space<vmem>>
      %dma_wait3A_173 = tpu.memref_squeeze %dma_wait3A_172 : memref<1x1x125xi32, #tpu.memory_space<vmem>> -> memref<125xi32, #tpu.memory_space<vmem>>
      %dma_wait3A_174 = arith.constant 0 : i32
      %dma_wait3A_175 = arith.constant 0 : i32
      %dma_wait3A_176 = tpu.memref_slice %arg2[%dma_wait3A_174, %dma_wait3A_175] : memref<10240x128xf32, #tpu.memory_space<hbm>> -> memref<10240x128xf32, #tpu.memory_space<hbm>>
      tpu.wait_indirect_dma semaphore(%arg12 : memref<!tpu.dma_semaphore, #tpu.memory_space<semaphore_mem>>) src(%dma_wait3A_176 : memref<10240x128xf32, #tpu.memory_space<hbm>>) dst(%arg10 : memref<125x128xf32, #tpu.memory_space<vmem>>)
      %dma_start3A_177 = arith.constant 1 : i32
      %dma_start3A_178 = arith.constant 0 : i32
      %dma_start3A_179 = tpu.memref_slice %arg8[%rem3A_119, %dma_start3A_177, %dma_start3A_178] : memref<2x8x125xi32, #tpu.memory_space<vmem>> -> memref<1x1x125xi32, #tpu.memory_space<vmem>>
      %dma_start3A_180 = tpu.memref_squeeze %dma_start3A_179 : memref<1x1x125xi32, #tpu.memory_space<vmem>> -> memref<125xi32, #tpu.memory_space<vmem>>
      %dma_start3A_181 = arith.constant 0 : i32
      %dma_start3A_182 = arith.constant 0 : i32
      %dma_start3A_183 = tpu.memref_slice %arg15[%dma_start3A_181, %dma_start3A_182] : memref<10240x128xf32, #tpu.memory_space<vmem_shared>> -> memref<10240x128xf32, #tpu.memory_space<vmem_shared>>
      tpu.enqueue_indirect_dma source(%arg10 : memref<125x128xf32, #tpu.memory_space<vmem>>) target(%dma_start3A_183 : memref<10240x128xf32, #tpu.memory_space<vmem_shared>>) offsets(%dma_start3A_180 : memref<125xi32, #tpu.memory_space<vmem>>) semaphore(%arg14 : memref<!tpu.dma_semaphore, #tpu.memory_space<semaphore_mem>>) {add = true}
      %dma_wait3A_184 = arith.constant 0 : i32
      %dma_wait3A_185 = arith.constant 0 : i32
      %dma_wait3A_186 = arith.constant 0 : i32
      %dma_wait3A_187 = tpu.memref_slice %arg8[%dma_wait3A_184, %dma_wait3A_185, %dma_wait3A_186] : memref<2x8x125xi32, #tpu.memory_space<vmem>> -> memref<1x1x125xi32, #tpu.memory_space<vmem>>
      %dma_wait3A_188 = tpu.memref_squeeze %dma_wait3A_187 : memref<1x1x125xi32, #tpu.memory_space<vmem>> -> memref<125xi32, #tpu.memory_space<vmem>>
      %dma_wait3A_189 = arith.constant 0 : i32
      %dma_wait3A_190 = arith.constant 0 : i32
      %dma_wait3A_191 = tpu.memref_slice %arg15[%dma_wait3A_189, %dma_wait3A_190] : memref<10240x128xf32, #tpu.memory_space<vmem_shared>> -> memref<10240x128xf32, #tpu.memory_space<vmem_shared>>
      tpu.wait_indirect_dma semaphore(%arg14 : memref<!tpu.dma_semaphore, #tpu.memory_space<semaphore_mem>>) src(%arg10 : memref<125x128xf32, #tpu.memory_space<vmem>>) dst(%dma_wait3A_191 : memref<10240x128xf32, #tpu.memory_space<vmem_shared>>)
      %dma_start3A_192 = arith.constant 3 : i32
      %dma_start3A_193 = arith.constant 0 : i32
      %dma_start3A_194 = tpu.memref_slice %arg7[%rem3A_119, %dma_start3A_192, %dma_start3A_193] : memref<2x8x125xi32, #tpu.memory_space<vmem>> -> memref<1x1x125xi32, #tpu.memory_space<vmem>>
      %dma_start3A_195 = tpu.memref_squeeze %dma_start3A_194 : memref<1x1x125xi32, #tpu.memory_space<vmem>> -> memref<125xi32, #tpu.memory_space<vmem>>
      %dma_start3A_196 = arith.constant 0 : i32
      %dma_start3A_197 = arith.constant 0 : i32
      %dma_start3A_198 = tpu.memref_slice %arg2[%dma_start3A_196, %dma_start3A_197] : memref<10240x128xf32, #tpu.memory_space<hbm>> -> memref<10240x128xf32, #tpu.memory_space<hbm>>
      tpu.enqueue_indirect_dma source(%dma_start3A_198 : memref<10240x128xf32, #tpu.memory_space<hbm>>) target(%arg10 : memref<125x128xf32, #tpu.memory_space<vmem>>) offsets(%dma_start3A_195 : memref<125xi32, #tpu.memory_space<vmem>>) semaphore(%arg12 : memref<!tpu.dma_semaphore, #tpu.memory_space<semaphore_mem>>)
      %dma_wait3A_199 = arith.constant 0 : i32
      %dma_wait3A_200 = arith.constant 0 : i32
      %dma_wait3A_201 = arith.constant 0 : i32
      %dma_wait3A_202 = tpu.memref_slice %arg7[%dma_wait3A_199, %dma_wait3A_200, %dma_wait3A_201] : memref<2x8x125xi32, #tpu.memory_space<vmem>> -> memref<1x1x125xi32, #tpu.memory_space<vmem>>
      %dma_wait3A_203 = tpu.memref_squeeze %dma_wait3A_202 : memref<1x1x125xi32, #tpu.memory_space<vmem>> -> memref<125xi32, #tpu.memory_space<vmem>>
      %dma_wait3A_204 = arith.constant 0 : i32
      %dma_wait3A_205 = arith.constant 0 : i32
      %dma_wait3A_206 = tpu.memref_slice %arg2[%dma_wait3A_204, %dma_wait3A_205] : memref<10240x128xf32, #tpu.memory_space<hbm>> -> memref<10240x128xf32, #tpu.memory_space<hbm>>
      tpu.wait_indirect_dma semaphore(%arg11 : memref<!tpu.dma_semaphore, #tpu.memory_space<semaphore_mem>>) src(%dma_wait3A_206 : memref<10240x128xf32, #tpu.memory_space<hbm>>) dst(%arg9 : memref<125x128xf32, #tpu.memory_space<vmem>>)
      %dma_start3A_207 = arith.constant 2 : i32
      %dma_start3A_208 = arith.constant 0 : i32
      %dma_start3A_209 = tpu.memref_slice %arg8[%rem3A_119, %dma_start3A_207, %dma_start3A_208] : memref<2x8x125xi32, #tpu.memory_space<vmem>> -> memref<1x1x125xi32, #tpu.memory_space<vmem>>
      %dma_start3A_210 = tpu.memref_squeeze %dma_start3A_209 : memref<1x1x125xi32, #tpu.memory_space<vmem>> -> memref<125xi32, #tpu.memory_space<vmem>>
      %dma_start3A_211 = arith.constant 0 : i32
      %dma_start3A_212 = arith.constant 0 : i32
      %dma_start3A_213 = tpu.memref_slice %arg15[%dma_start3A_211, %dma_start3A_212] : memref<10240x128xf32, #tpu.memory_space<vmem_shared>> -> memref<10240x128xf32, #tpu.memory_space<vmem_shared>>
      tpu.enqueue_indirect_dma source(%arg9 : memref<125x128xf32, #tpu.memory_space<vmem>>) target(%dma_start3A_213 : memref<10240x128xf32, #tpu.memory_space<vmem_shared>>) offsets(%dma_start3A_210 : memref<125xi32, #tpu.memory_space<vmem>>) semaphore(%arg13 : memref<!tpu.dma_semaphore, #tpu.memory_space<semaphore_mem>>) {add = true}
      %dma_wait3A_214 = arith.constant 0 : i32
      %dma_wait3A_215 = arith.constant 0 : i32
      %dma_wait3A_216 = arith.constant 0 : i32
      %dma_wait3A_217 = tpu.memref_slice %arg8[%dma_wait3A_214, %dma_wait3A_215, %dma_wait3A_216] : memref<2x8x125xi32, #tpu.memory_space<vmem>> -> memref<1x1x125xi32, #tpu.memory_space<vmem>>
      %dma_wait3A_218 = tpu.memref_squeeze %dma_wait3A_217 : memref<1x1x125xi32, #tpu.memory_space<vmem>> -> memref<125xi32, #tpu.memory_space<vmem>>
      %dma_wait3A_219 = arith.constant 0 : i32
      %dma_wait3A_220 = arith.constant 0 : i32
      %dma_wait3A_221 = tpu.memref_slice %arg15[%dma_wait3A_219, %dma_wait3A_220] : memref<10240x128xf32, #tpu.memory_space<vmem_shared>> -> memref<10240x128xf32, #tpu.memory_space<vmem_shared>>
      tpu.wait_indirect_dma semaphore(%arg13 : memref<!tpu.dma_semaphore, #tpu.memory_space<semaphore_mem>>) src(%arg9 : memref<125x128xf32, #tpu.memory_space<vmem>>) dst(%dma_wait3A_221 : memref<10240x128xf32, #tpu.memory_space<vmem_shared>>)
      %dma_start3A_222 = arith.constant 4 : i32
      %dma_start3A_223 = arith.constant 0 : i32
      %dma_start3A_224 = tpu.memref_slice %arg7[%rem3A_119, %dma_start3A_222, %dma_start3A_223] : memref<2x8x125xi32, #tpu.memory_space<vmem>> -> memref<1x1x125xi32, #tpu.memory_space<vmem>>
      %dma_start3A_225 = tpu.memref_squeeze %dma_start3A_224 : memref<1x1x125xi32, #tpu.memory_space<vmem>> -> memref<125xi32, #tpu.memory_space<vmem>>
      %dma_start3A_226 = arith.constant 0 : i32
      %dma_start3A_227 = arith.constant 0 : i32
      %dma_start3A_228 = tpu.memref_slice %arg2[%dma_start3A_226, %dma_start3A_227] : memref<10240x128xf32, #tpu.memory_space<hbm>> -> memref<10240x128xf32, #tpu.memory_space<hbm>>
      tpu.enqueue_indirect_dma source(%dma_start3A_228 : memref<10240x128xf32, #tpu.memory_space<hbm>>) target(%arg9 : memref<125x128xf32, #tpu.memory_space<vmem>>) offsets(%dma_start3A_225 : memref<125xi32, #tpu.memory_space<vmem>>) semaphore(%arg11 : memref<!tpu.dma_semaphore, #tpu.memory_space<semaphore_mem>>)
      %dma_wait3A_229 = arith.constant 0 : i32
      %dma_wait3A_230 = arith.constant 0 : i32
      %dma_wait3A_231 = arith.constant 0 : i32
      %dma_wait3A_232 = tpu.memref_slice %arg7[%dma_wait3A_229, %dma_wait3A_230, %dma_wait3A_231] : memref<2x8x125xi32, #tpu.memory_space<vmem>> -> memref<1x1x125xi32, #tpu.memory_space<vmem>>
      %dma_wait3A_233 = tpu.memref_squeeze %dma_wait3A_232 : memref<1x1x125xi32, #tpu.memory_space<vmem>> -> memref<125xi32, #tpu.memory_space<vmem>>
      %dma_wait3A_234 = arith.constant 0 : i32
      %dma_wait3A_235 = arith.constant 0 : i32
      %dma_wait3A_236 = tpu.memref_slice %arg2[%dma_wait3A_234, %dma_wait3A_235] : memref<10240x128xf32, #tpu.memory_space<hbm>> -> memref<10240x128xf32, #tpu.memory_space<hbm>>
      tpu.wait_indirect_dma semaphore(%arg12 : memref<!tpu.dma_semaphore, #tpu.memory_space<semaphore_mem>>) src(%dma_wait3A_236 : memref<10240x128xf32, #tpu.memory_space<hbm>>) dst(%arg10 : memref<125x128xf32, #tpu.memory_space<vmem>>)
      %dma_start3A_237 = arith.constant 3 : i32
      %dma_start3A_238 = arith.constant 0 : i32
      %dma_start3A_239 = tpu.memref_slice %arg8[%rem3A_119, %dma_start3A_237, %dma_start3A_238] : memref<2x8x125xi32, #tpu.memory_space<vmem>> -> memref<1x1x125xi32, #tpu.memory_space<vmem>>
      %dma_start3A_240 = tpu.memref_squeeze %dma_start3A_239 : memref<1x1x125xi32, #tpu.memory_space<vmem>> -> memref<125xi32, #tpu.memory_space<vmem>>
      %dma_start3A_241 = arith.constant 0 : i32
      %dma_start3A_242 = arith.constant 0 : i32
      %dma_start3A_243 = tpu.memref_slice %arg15[%dma_start3A_241, %dma_start3A_242] : memref<10240x128xf32, #tpu.memory_space<vmem_shared>> -> memref<10240x128xf32, #tpu.memory_space<vmem_shared>>
      tpu.enqueue_indirect_dma source(%arg10 : memref<125x128xf32, #tpu.memory_space<vmem>>) target(%dma_start3A_243 : memref<10240x128xf32, #tpu.memory_space<vmem_shared>>) offsets(%dma_start3A_240 : memref<125xi32, #tpu.memory_space<vmem>>) semaphore(%arg14 : memref<!tpu.dma_semaphore, #tpu.memory_space<semaphore_mem>>) {add = true}
      %dma_wait3A_244 = arith.constant 0 : i32
      %dma_wait3A_245 = arith.constant 0 : i32
      %dma_wait3A_246 = arith.constant 0 : i32
      %dma_wait3A_247 = tpu.memref_slice %arg8[%dma_wait3A_244, %dma_wait3A_245, %dma_wait3A_246] : memref<2x8x125xi32, #tpu.memory_space<vmem>> -> memref<1x1x125xi32, #tpu.memory_space<vmem>>
      %dma_wait3A_248 = tpu.memref_squeeze %dma_wait3A_247 : memref<1x1x125xi32, #tpu.memory_space<vmem>> -> memref<125xi32, #tpu.memory_space<vmem>>
      %dma_wait3A_249 = arith.constant 0 : i32
      %dma_wait3A_250 = arith.constant 0 : i32
      %dma_wait3A_251 = tpu.memref_slice %arg15[%dma_wait3A_249, %dma_wait3A_250] : memref<10240x128xf32, #tpu.memory_space<vmem_shared>> -> memref<10240x128xf32, #tpu.memory_space<vmem_shared>>
      tpu.wait_indirect_dma semaphore(%arg14 : memref<!tpu.dma_semaphore, #tpu.memory_space<semaphore_mem>>) src(%arg10 : memref<125x128xf32, #tpu.memory_space<vmem>>) dst(%dma_wait3A_251 : memref<10240x128xf32, #tpu.memory_space<vmem_shared>>)
      %dma_start3A_252 = arith.constant 5 : i32
      %dma_start3A_253 = arith.constant 0 : i32
      %dma_start3A_254 = tpu.memref_slice %arg7[%rem3A_119, %dma_start3A_252, %dma_start3A_253] : memref<2x8x125xi32, #tpu.memory_space<vmem>> -> memref<1x1x125xi32, #tpu.memory_space<vmem>>
      %dma_start3A_255 = tpu.memref_squeeze %dma_start3A_254 : memref<1x1x125xi32, #tpu.memory_space<vmem>> -> memref<125xi32, #tpu.memory_space<vmem>>
      %dma_start3A_256 = arith.constant 0 : i32
      %dma_start3A_257 = arith.constant 0 : i32
      %dma_start3A_258 = tpu.memref_slice %arg2[%dma_start3A_256, %dma_start3A_257] : memref<10240x128xf32, #tpu.memory_space<hbm>> -> memref<10240x128xf32, #tpu.memory_space<hbm>>
      tpu.enqueue_indirect_dma source(%dma_start3A_258 : memref<10240x128xf32, #tpu.memory_space<hbm>>) target(%arg10 : memref<125x128xf32, #tpu.memory_space<vmem>>) offsets(%dma_start3A_255 : memref<125xi32, #tpu.memory_space<vmem>>) semaphore(%arg12 : memref<!tpu.dma_semaphore, #tpu.memory_space<semaphore_mem>>)
      %dma_wait3A_259 = arith.constant 0 : i32
      %dma_wait3A_260 = arith.constant 0 : i32
      %dma_wait3A_261 = arith.constant 0 : i32
      %dma_wait3A_262 = tpu.memref_slice %arg7[%dma_wait3A_259, %dma_wait3A_260, %dma_wait3A_261] : memref<2x8x125xi32, #tpu.memory_space<vmem>> -> memref<1x1x125xi32, #tpu.memory_space<vmem>>
      %dma_wait3A_263 = tpu.memref_squeeze %dma_wait3A_262 : memref<1x1x125xi32, #tpu.memory_space<vmem>> -> memref<125xi32, #tpu.memory_space<vmem>>
      %dma_wait3A_264 = arith.constant 0 : i32
      %dma_wait3A_265 = arith.constant 0 : i32
      %dma_wait3A_266 = tpu.memref_slice %arg2[%dma_wait3A_264, %dma_wait3A_265] : memref<10240x128xf32, #tpu.memory_space<hbm>> -> memref<10240x128xf32, #tpu.memory_space<hbm>>
      tpu.wait_indirect_dma semaphore(%arg11 : memref<!tpu.dma_semaphore, #tpu.memory_space<semaphore_mem>>) src(%dma_wait3A_266 : memref<10240x128xf32, #tpu.memory_space<hbm>>) dst(%arg9 : memref<125x128xf32, #tpu.memory_space<vmem>>)
      %dma_start3A_267 = arith.constant 4 : i32
      %dma_start3A_268 = arith.constant 0 : i32
      %dma_start3A_269 = tpu.memref_slice %arg8[%rem3A_119, %dma_start3A_267, %dma_start3A_268] : memref<2x8x125xi32, #tpu.memory_space<vmem>> -> memref<1x1x125xi32, #tpu.memory_space<vmem>>
      %dma_start3A_270 = tpu.memref_squeeze %dma_start3A_269 : memref<1x1x125xi32, #tpu.memory_space<vmem>> -> memref<125xi32, #tpu.memory_space<vmem>>
      %dma_start3A_271 = arith.constant 0 : i32
      %dma_start3A_272 = arith.constant 0 : i32
      %dma_start3A_273 = tpu.memref_slice %arg15[%dma_start3A_271, %dma_start3A_272] : memref<10240x128xf32, #tpu.memory_space<vmem_shared>> -> memref<10240x128xf32, #tpu.memory_space<vmem_shared>>
      tpu.enqueue_indirect_dma source(%arg9 : memref<125x128xf32, #tpu.memory_space<vmem>>) target(%dma_start3A_273 : memref<10240x128xf32, #tpu.memory_space<vmem_shared>>) offsets(%dma_start3A_270 : memref<125xi32, #tpu.memory_space<vmem>>) semaphore(%arg13 : memref<!tpu.dma_semaphore, #tpu.memory_space<semaphore_mem>>) {add = true}
      %dma_wait3A_274 = arith.constant 0 : i32
      %dma_wait3A_275 = arith.constant 0 : i32
      %dma_wait3A_276 = arith.constant 0 : i32
      %dma_wait3A_277 = tpu.memref_slice %arg8[%dma_wait3A_274, %dma_wait3A_275, %dma_wait3A_276] : memref<2x8x125xi32, #tpu.memory_space<vmem>> -> memref<1x1x125xi32, #tpu.memory_space<vmem>>
      %dma_wait3A_278 = tpu.memref_squeeze %dma_wait3A_277 : memref<1x1x125xi32, #tpu.memory_space<vmem>> -> memref<125xi32, #tpu.memory_space<vmem>>
      %dma_wait3A_279 = arith.constant 0 : i32
      %dma_wait3A_280 = arith.constant 0 : i32
      %dma_wait3A_281 = tpu.memref_slice %arg15[%dma_wait3A_279, %dma_wait3A_280] : memref<10240x128xf32, #tpu.memory_space<vmem_shared>> -> memref<10240x128xf32, #tpu.memory_space<vmem_shared>>
      tpu.wait_indirect_dma semaphore(%arg13 : memref<!tpu.dma_semaphore, #tpu.memory_space<semaphore_mem>>) src(%arg9 : memref<125x128xf32, #tpu.memory_space<vmem>>) dst(%dma_wait3A_281 : memref<10240x128xf32, #tpu.memory_space<vmem_shared>>)
      %dma_start3A_282 = arith.constant 6 : i32
      %dma_start3A_283 = arith.constant 0 : i32
      %dma_start3A_284 = tpu.memref_slice %arg7[%rem3A_119, %dma_start3A_282, %dma_start3A_283] : memref<2x8x125xi32, #tpu.memory_space<vmem>> -> memref<1x1x125xi32, #tpu.memory_space<vmem>>
      %dma_start3A_285 = tpu.memref_squeeze %dma_start3A_284 : memref<1x1x125xi32, #tpu.memory_space<vmem>> -> memref<125xi32, #tpu.memory_space<vmem>>
      %dma_start3A_286 = arith.constant 0 : i32
      %dma_start3A_287 = arith.constant 0 : i32
      %dma_start3A_288 = tpu.memref_slice %arg2[%dma_start3A_286, %dma_start3A_287] : memref<10240x128xf32, #tpu.memory_space<hbm>> -> memref<10240x128xf32, #tpu.memory_space<hbm>>
      tpu.enqueue_indirect_dma source(%dma_start3A_288 : memref<10240x128xf32, #tpu.memory_space<hbm>>) target(%arg9 : memref<125x128xf32, #tpu.memory_space<vmem>>) offsets(%dma_start3A_285 : memref<125xi32, #tpu.memory_space<vmem>>) semaphore(%arg11 : memref<!tpu.dma_semaphore, #tpu.memory_space<semaphore_mem>>)
      %dma_wait3A_289 = arith.constant 0 : i32
      %dma_wait3A_290 = arith.constant 0 : i32
      %dma_wait3A_291 = arith.constant 0 : i32
      %dma_wait3A_292 = tpu.memref_slice %arg7[%dma_wait3A_289, %dma_wait3A_290, %dma_wait3A_291] : memref<2x8x125xi32, #tpu.memory_space<vmem>> -> memref<1x1x125xi32, #tpu.memory_space<vmem>>
      %dma_wait3A_293 = tpu.memref_squeeze %dma_wait3A_292 : memref<1x1x125xi32, #tpu.memory_space<vmem>> -> memref<125xi32, #tpu.memory_space<vmem>>
      %dma_wait3A_294 = arith.constant 0 : i32
      %dma_wait3A_295 = arith.constant 0 : i32
      %dma_wait3A_296 = tpu.memref_slice %arg2[%dma_wait3A_294, %dma_wait3A_295] : memref<10240x128xf32, #tpu.memory_space<hbm>> -> memref<10240x128xf32, #tpu.memory_space<hbm>>
      tpu.wait_indirect_dma semaphore(%arg12 : memref<!tpu.dma_semaphore, #tpu.memory_space<semaphore_mem>>) src(%dma_wait3A_296 : memref<10240x128xf32, #tpu.memory_space<hbm>>) dst(%arg10 : memref<125x128xf32, #tpu.memory_space<vmem>>)
      %dma_start3A_297 = arith.constant 5 : i32
      %dma_start3A_298 = arith.constant 0 : i32
      %dma_start3A_299 = tpu.memref_slice %arg8[%rem3A_119, %dma_start3A_297, %dma_start3A_298] : memref<2x8x125xi32, #tpu.memory_space<vmem>> -> memref<1x1x125xi32, #tpu.memory_space<vmem>>
      %dma_start3A_300 = tpu.memref_squeeze %dma_start3A_299 : memref<1x1x125xi32, #tpu.memory_space<vmem>> -> memref<125xi32, #tpu.memory_space<vmem>>
      %dma_start3A_301 = arith.constant 0 : i32
      %dma_start3A_302 = arith.constant 0 : i32
      %dma_start3A_303 = tpu.memref_slice %arg15[%dma_start3A_301, %dma_start3A_302] : memref<10240x128xf32, #tpu.memory_space<vmem_shared>> -> memref<10240x128xf32, #tpu.memory_space<vmem_shared>>
      tpu.enqueue_indirect_dma source(%arg10 : memref<125x128xf32, #tpu.memory_space<vmem>>) target(%dma_start3A_303 : memref<10240x128xf32, #tpu.memory_space<vmem_shared>>) offsets(%dma_start3A_300 : memref<125xi32, #tpu.memory_space<vmem>>) semaphore(%arg14 : memref<!tpu.dma_semaphore, #tpu.memory_space<semaphore_mem>>) {add = true}
      %dma_wait3A_304 = arith.constant 0 : i32
      %dma_wait3A_305 = arith.constant 0 : i32
      %dma_wait3A_306 = arith.constant 0 : i32
      %dma_wait3A_307 = tpu.memref_slice %arg8[%dma_wait3A_304, %dma_wait3A_305, %dma_wait3A_306] : memref<2x8x125xi32, #tpu.memory_space<vmem>> -> memref<1x1x125xi32, #tpu.memory_space<vmem>>
      %dma_wait3A_308 = tpu.memref_squeeze %dma_wait3A_307 : memref<1x1x125xi32, #tpu.memory_space<vmem>> -> memref<125xi32, #tpu.memory_space<vmem>>
      %dma_wait3A_309 = arith.constant 0 : i32
      %dma_wait3A_310 = arith.constant 0 : i32
      %dma_wait3A_311 = tpu.memref_slice %arg15[%dma_wait3A_309, %dma_wait3A_310] : memref<10240x128xf32, #tpu.memory_space<vmem_shared>> -> memref<10240x128xf32, #tpu.memory_space<vmem_shared>>
      tpu.wait_indirect_dma semaphore(%arg14 : memref<!tpu.dma_semaphore, #tpu.memory_space<semaphore_mem>>) src(%arg10 : memref<125x128xf32, #tpu.memory_space<vmem>>) dst(%dma_wait3A_311 : memref<10240x128xf32, #tpu.memory_space<vmem_shared>>)
      %dma_start3A_312 = arith.constant 7 : i32
      %dma_start3A_313 = arith.constant 0 : i32
      %dma_start3A_314 = tpu.memref_slice %arg7[%rem3A_119, %dma_start3A_312, %dma_start3A_313] : memref<2x8x125xi32, #tpu.memory_space<vmem>> -> memref<1x1x125xi32, #tpu.memory_space<vmem>>
      %dma_start3A_315 = tpu.memref_squeeze %dma_start3A_314 : memref<1x1x125xi32, #tpu.memory_space<vmem>> -> memref<125xi32, #tpu.memory_space<vmem>>
      %dma_start3A_316 = arith.constant 0 : i32
      %dma_start3A_317 = arith.constant 0 : i32
      %dma_start3A_318 = tpu.memref_slice %arg2[%dma_start3A_316, %dma_start3A_317] : memref<10240x128xf32, #tpu.memory_space<hbm>> -> memref<10240x128xf32, #tpu.memory_space<hbm>>
      tpu.enqueue_indirect_dma source(%dma_start3A_318 : memref<10240x128xf32, #tpu.memory_space<hbm>>) target(%arg10 : memref<125x128xf32, #tpu.memory_space<vmem>>) offsets(%dma_start3A_315 : memref<125xi32, #tpu.memory_space<vmem>>) semaphore(%arg12 : memref<!tpu.dma_semaphore, #tpu.memory_space<semaphore_mem>>)
      %dma_wait3A_319 = arith.constant 0 : i32
      %dma_wait3A_320 = arith.constant 0 : i32
      %dma_wait3A_321 = arith.constant 0 : i32
      %dma_wait3A_322 = tpu.memref_slice %arg7[%dma_wait3A_319, %dma_wait3A_320, %dma_wait3A_321] : memref<2x8x125xi32, #tpu.memory_space<vmem>> -> memref<1x1x125xi32, #tpu.memory_space<vmem>>
      %dma_wait3A_323 = tpu.memref_squeeze %dma_wait3A_322 : memref<1x1x125xi32, #tpu.memory_space<vmem>> -> memref<125xi32, #tpu.memory_space<vmem>>
      %dma_wait3A_324 = arith.constant 0 : i32
      %dma_wait3A_325 = arith.constant 0 : i32
      %dma_wait3A_326 = tpu.memref_slice %arg2[%dma_wait3A_324, %dma_wait3A_325] : memref<10240x128xf32, #tpu.memory_space<hbm>> -> memref<10240x128xf32, #tpu.memory_space<hbm>>
      tpu.wait_indirect_dma semaphore(%arg11 : memref<!tpu.dma_semaphore, #tpu.memory_space<semaphore_mem>>) src(%dma_wait3A_326 : memref<10240x128xf32, #tpu.memory_space<hbm>>) dst(%arg9 : memref<125x128xf32, #tpu.memory_space<vmem>>)
      %dma_start3A_327 = arith.constant 6 : i32
      %dma_start3A_328 = arith.constant 0 : i32
      %dma_start3A_329 = tpu.memref_slice %arg8[%rem3A_119, %dma_start3A_327, %dma_start3A_328] : memref<2x8x125xi32, #tpu.memory_space<vmem>> -> memref<1x1x125xi32, #tpu.memory_space<vmem>>
      %dma_start3A_330 = tpu.memref_squeeze %dma_start3A_329 : memref<1x1x125xi32, #tpu.memory_space<vmem>> -> memref<125xi32, #tpu.memory_space<vmem>>
      %dma_start3A_331 = arith.constant 0 : i32
      %dma_start3A_332 = arith.constant 0 : i32
      %dma_start3A_333 = tpu.memref_slice %arg15[%dma_start3A_331, %dma_start3A_332] : memref<10240x128xf32, #tpu.memory_space<vmem_shared>> -> memref<10240x128xf32, #tpu.memory_space<vmem_shared>>
      tpu.enqueue_indirect_dma source(%arg9 : memref<125x128xf32, #tpu.memory_space<vmem>>) target(%dma_start3A_333 : memref<10240x128xf32, #tpu.memory_space<vmem_shared>>) offsets(%dma_start3A_330 : memref<125xi32, #tpu.memory_space<vmem>>) semaphore(%arg13 : memref<!tpu.dma_semaphore, #tpu.memory_space<semaphore_mem>>) {add = true}
      %dma_wait3A_334 = arith.constant 0 : i32
      %dma_wait3A_335 = arith.constant 0 : i32
      %dma_wait3A_336 = arith.constant 0 : i32
      %dma_wait3A_337 = tpu.memref_slice %arg8[%dma_wait3A_334, %dma_wait3A_335, %dma_wait3A_336] : memref<2x8x125xi32, #tpu.memory_space<vmem>> -> memref<1x1x125xi32, #tpu.memory_space<vmem>>
      %dma_wait3A_338 = tpu.memref_squeeze %dma_wait3A_337 : memref<1x1x125xi32, #tpu.memory_space<vmem>> -> memref<125xi32, #tpu.memory_space<vmem>>
      %dma_wait3A_339 = arith.constant 0 : i32
      %dma_wait3A_340 = arith.constant 0 : i32
      %dma_wait3A_341 = tpu.memref_slice %arg15[%dma_wait3A_339, %dma_wait3A_340] : memref<10240x128xf32, #tpu.memory_space<vmem_shared>> -> memref<10240x128xf32, #tpu.memory_space<vmem_shared>>
      tpu.wait_indirect_dma semaphore(%arg13 : memref<!tpu.dma_semaphore, #tpu.memory_space<semaphore_mem>>) src(%arg9 : memref<125x128xf32, #tpu.memory_space<vmem>>) dst(%dma_wait3A_341 : memref<10240x128xf32, #tpu.memory_space<vmem_shared>>)
      %dma_start3A_342 = arith.constant 0 : i32
      %dma_start3A_343 = arith.constant 0 : i32
      %dma_start3A_344 = tpu.memref_slice %arg7[%rem3A_123, %dma_start3A_342, %dma_start3A_343] : memref<2x8x125xi32, #tpu.memory_space<vmem>> -> memref<1x1x125xi32, #tpu.memory_space<vmem>>
      %dma_start3A_345 = tpu.memref_squeeze %dma_start3A_344 : memref<1x1x125xi32, #tpu.memory_space<vmem>> -> memref<125xi32, #tpu.memory_space<vmem>>
      %dma_start3A_346 = arith.constant 0 : i32
      %dma_start3A_347 = arith.constant 0 : i32
      %dma_start3A_348 = tpu.memref_slice %arg2[%dma_start3A_346, %dma_start3A_347] : memref<10240x128xf32, #tpu.memory_space<hbm>> -> memref<10240x128xf32, #tpu.memory_space<hbm>>
      tpu.enqueue_indirect_dma source(%dma_start3A_348 : memref<10240x128xf32, #tpu.memory_space<hbm>>) target(%arg9 : memref<125x128xf32, #tpu.memory_space<vmem>>) offsets(%dma_start3A_345 : memref<125xi32, #tpu.memory_space<vmem>>) semaphore(%arg11 : memref<!tpu.dma_semaphore, #tpu.memory_space<semaphore_mem>>)
      %dma_wait3A_349 = arith.constant 0 : i32
      %dma_wait3A_350 = arith.constant 0 : i32
      %dma_wait3A_351 = arith.constant 0 : i32
      %dma_wait3A_352 = tpu.memref_slice %arg7[%dma_wait3A_349, %dma_wait3A_350, %dma_wait3A_351] : memref<2x8x125xi32, #tpu.memory_space<vmem>> -> memref<1x1x125xi32, #tpu.memory_space<vmem>>
      %dma_wait3A_353 = tpu.memref_squeeze %dma_wait3A_352 : memref<1x1x125xi32, #tpu.memory_space<vmem>> -> memref<125xi32, #tpu.memory_space<vmem>>
      %dma_wait3A_354 = arith.constant 0 : i32
      %dma_wait3A_355 = arith.constant 0 : i32
      %dma_wait3A_356 = tpu.memref_slice %arg2[%dma_wait3A_354, %dma_wait3A_355] : memref<10240x128xf32, #tpu.memory_space<hbm>> -> memref<10240x128xf32, #tpu.memory_space<hbm>>
      tpu.wait_indirect_dma semaphore(%arg12 : memref<!tpu.dma_semaphore, #tpu.memory_space<semaphore_mem>>) src(%dma_wait3A_356 : memref<10240x128xf32, #tpu.memory_space<hbm>>) dst(%arg10 : memref<125x128xf32, #tpu.memory_space<vmem>>)
      %dma_start3A_357 = arith.constant 7 : i32
      %dma_start3A_358 = arith.constant 0 : i32
      %dma_start3A_359 = tpu.memref_slice %arg8[%rem3A_119, %dma_start3A_357, %dma_start3A_358] : memref<2x8x125xi32, #tpu.memory_space<vmem>> -> memref<1x1x125xi32, #tpu.memory_space<vmem>>
      %dma_start3A_360 = tpu.memref_squeeze %dma_start3A_359 : memref<1x1x125xi32, #tpu.memory_space<vmem>> -> memref<125xi32, #tpu.memory_space<vmem>>
      %dma_start3A_361 = arith.constant 0 : i32
      %dma_start3A_362 = arith.constant 0 : i32
      %dma_start3A_363 = tpu.memref_slice %arg15[%dma_start3A_361, %dma_start3A_362] : memref<10240x128xf32, #tpu.memory_space<vmem_shared>> -> memref<10240x128xf32, #tpu.memory_space<vmem_shared>>
      tpu.enqueue_indirect_dma source(%arg10 : memref<125x128xf32, #tpu.memory_space<vmem>>) target(%dma_start3A_363 : memref<10240x128xf32, #tpu.memory_space<vmem_shared>>) offsets(%dma_start3A_360 : memref<125xi32, #tpu.memory_space<vmem>>) semaphore(%arg14 : memref<!tpu.dma_semaphore, #tpu.memory_space<semaphore_mem>>) {add = true}
      %add3A_364 = arith.constant 2 : i32
      %add3A_365 = arith.addi %scan3A_118, %add3A_364 : i32
      %lt3A_366 = arith.constant 10 : i32
      %lt3A_367 = arith.cmpi slt, %add3A_365, %lt3A_366 : i32
      %convert_element_type3A_368 = arith.extui %lt3A_367 : i1 to i32
      %cond3A_369 = arith.constant 0 : i32
      %cond3A_370 = arith.cmpi ne, %convert_element_type3A_368, %cond3A_369 : i32
      scf.if %cond3A_370 {
        %add3A_371 = arith.constant 2 : i32
        %add3A_372 = arith.addi %scan3A_118, %add3A_371 : i32
        %mul3A_373 = arith.constant 8 : i32
        %mul3A_374 = arith.muli %add3A_372, %mul3A_373 : i32
        %add3A_375 = arith.addi %multiple_of3A, %mul3A_374 : i32
        %multiple_of3A_376 = tpu.assume_multiple %add3A_375, 8 : i32
        %dma_start3A_377 = arith.constant 0 : i32
        %dma_start3A_378 = arith.constant 0 : i32
        %dma_start3A_379 = tpu.memref_slice %arg7[%rem3A_119, %dma_start3A_377, %dma_start3A_378] : memref<2x8x125xi32, #tpu.memory_space<vmem>> -> memref<1x8x125xi32, #tpu.memory_space<vmem>>
        %dma_start3A_380 = tpu.memref_squeeze %dma_start3A_379 : memref<1x8x125xi32, #tpu.memory_space<vmem>> -> memref<8x125xi32, #tpu.memory_space<vmem>>
        %dma_start3A_381 = arith.constant 0 : i32
        %dma_start3A_382 = tpu.memref_slice %arg3[%multiple_of3A_376, %dma_start3A_381] : memref<2560x125xi32, #tpu.memory_space<hbm>> -> memref<8x125xi32, #tpu.memory_space<hbm>>
        %dma_start3A_383 = arith.constant 0 : i32
        %dma_start3A_384 = arith.constant 0 : i32
        %dma_start3A_385 = tpu.memref_slice %arg7[%rem3A_119, %dma_start3A_383, %dma_start3A_384] : memref<2x8x125xi32, #tpu.memory_space<vmem>> -> memref<1x8x125xi32, #tpu.memory_space<vmem>>
        %dma_start3A_386 = tpu.memref_squeeze %dma_start3A_385 : memref<1x8x125xi32, #tpu.memory_space<vmem>> -> memref<8x125xi32, #tpu.memory_space<vmem>>
        %dma_start3A_387 = arith.constant 0 : i32
        %dma_start3A_388 = tpu.memref_slice %arg3[%multiple_of3A_376, %dma_start3A_387] : memref<2560x125xi32, #tpu.memory_space<hbm>> -> memref<8x125xi32, #tpu.memory_space<hbm>>
        tpu.enqueue_dma source(%dma_start3A_388 : memref<8x125xi32, #tpu.memory_space<hbm>>) target(%dma_start3A_386 : memref<8x125xi32, #tpu.memory_space<vmem>>) target_semaphore(%arg16 : memref<!tpu.dma_semaphore, #tpu.memory_space<semaphore_mem>>)
        %dma_start3A_389 = arith.constant 0 : i32
        %dma_start3A_390 = arith.constant 0 : i32
        %dma_start3A_391 = tpu.memref_slice %arg8[%rem3A_119, %dma_start3A_389, %dma_start3A_390] : memref<2x8x125xi32, #tpu.memory_space<vmem>> -> memref<1x8x125xi32, #tpu.memory_space<vmem>>
        %dma_start3A_392 = tpu.memref_squeeze %dma_start3A_391 : memref<1x8x125xi32, #tpu.memory_space<vmem>> -> memref<8x125xi32, #tpu.memory_space<vmem>>
        %dma_start3A_393 = arith.constant 0 : i32
        %dma_start3A_394 = tpu.memref_slice %arg4[%multiple_of3A_376, %dma_start3A_393] : memref<2560x125xi32, #tpu.memory_space<hbm>> -> memref<8x125xi32, #tpu.memory_space<hbm>>
        %dma_start3A_395 = arith.constant 0 : i32
        %dma_start3A_396 = arith.constant 0 : i32
        %dma_start3A_397 = tpu.memref_slice %arg8[%rem3A_119, %dma_start3A_395, %dma_start3A_396] : memref<2x8x125xi32, #tpu.memory_space<vmem>> -> memref<1x8x125xi32, #tpu.memory_space<vmem>>
        %dma_start3A_398 = tpu.memref_squeeze %dma_start3A_397 : memref<1x8x125xi32, #tpu.memory_space<vmem>> -> memref<8x125xi32, #tpu.memory_space<vmem>>
        %dma_start3A_399 = arith.constant 0 : i32
        %dma_start3A_400 = tpu.memref_slice %arg4[%multiple_of3A_376, %dma_start3A_399] : memref<2560x125xi32, #tpu.memory_space<hbm>> -> memref<8x125xi32, #tpu.memory_space<hbm>>
        tpu.enqueue_dma source(%dma_start3A_400 : memref<8x125xi32, #tpu.memory_space<hbm>>) target(%dma_start3A_398 : memref<8x125xi32, #tpu.memory_space<vmem>>) target_semaphore(%arg16 : memref<!tpu.dma_semaphore, #tpu.memory_space<semaphore_mem>>)
      } else {
      }
    }
    %scan3A_100 = arith.constant 10 : i32
    %dma_wait3A_101 = arith.constant 0 : i32
    %dma_wait3A_102 = arith.constant 0 : i32
    %dma_wait3A_103 = arith.constant 0 : i32
    %dma_wait3A_104 = tpu.memref_slice %arg8[%dma_wait3A_101, %dma_wait3A_102, %dma_wait3A_103] : memref<2x8x125xi32, #tpu.memory_space<vmem>> -> memref<1x1x125xi32, #tpu.memory_space<vmem>>
    %dma_wait3A_105 = tpu.memref_squeeze %dma_wait3A_104 : memref<1x1x125xi32, #tpu.memory_space<vmem>> -> memref<125xi32, #tpu.memory_space<vmem>>
    %dma_wait3A_106 = arith.constant 0 : i32
    %dma_wait3A_107 = arith.constant 0 : i32
    %dma_wait3A_108 = tpu.memref_slice %arg15[%dma_wait3A_106, %dma_wait3A_107] : memref<10240x128xf32, #tpu.memory_space<vmem_shared>> -> memref<10240x128xf32, #tpu.memory_space<vmem_shared>>
    tpu.wait_indirect_dma semaphore(%arg14 : memref<!tpu.dma_semaphore, #tpu.memory_space<semaphore_mem>>) src(%arg10 : memref<125x128xf32, #tpu.memory_space<vmem>>) dst(%dma_wait3A_108 : memref<10240x128xf32, #tpu.memory_space<vmem_shared>>)
    %dma_wait3A_109 = arith.constant 0 : i32
    %dma_wait3A_110 = arith.constant 0 : i32
    %dma_wait3A_111 = arith.constant 0 : i32
    %dma_wait3A_112 = tpu.memref_slice %arg7[%dma_wait3A_109, %dma_wait3A_110, %dma_wait3A_111] : memref<2x8x125xi32, #tpu.memory_space<vmem>> -> memref<1x1x125xi32, #tpu.memory_space<vmem>>
    %dma_wait3A_113 = tpu.memref_squeeze %dma_wait3A_112 : memref<1x1x125xi32, #tpu.memory_space<vmem>> -> memref<125xi32, #tpu.memory_space<vmem>>
    %dma_wait3A_114 = arith.constant 0 : i32
    %dma_wait3A_115 = arith.constant 0 : i32
    %dma_wait3A_116 = tpu.memref_slice %arg2[%dma_wait3A_114, %dma_wait3A_115] : memref<10240x128xf32, #tpu.memory_space<hbm>> -> memref<10240x128xf32, #tpu.memory_space<hbm>>
    tpu.wait_indirect_dma semaphore(%arg11 : memref<!tpu.dma_semaphore, #tpu.memory_space<semaphore_mem>>) src(%dma_wait3A_116 : memref<10240x128xf32, #tpu.memory_space<hbm>>) dst(%arg9 : memref<125x128xf32, #tpu.memory_space<vmem>>)
    %barrier3A_117 = arith.constant 0 : index
    tpu.barrier barrier_id(%barrier3A_117)
    "tpu.region"() ({
      %run_scoped3A = tpu.sem_alloc : memref<!tpu.dma_semaphore, #tpu.memory_space<semaphore_mem>>
      %dma_start3A_118 = arith.constant 0 : i32
      %dma_start3A_119 = tpu.memref_slice %arg6[%arg0, %multiple_of3A_5, %dma_start3A_118] : memref<2x10240x128xf32, #tpu.memory_space<hbm>> -> memref<1x640x128xf32, #tpu.memory_space<hbm>>
      %dma_start3A_120 = tpu.memref_squeeze %dma_start3A_119 : memref<1x640x128xf32, #tpu.memory_space<hbm>> -> memref<640x128xf32, #tpu.memory_space<hbm>>
      %dma_start3A_121 = arith.constant 0 : i32
      %dma_start3A_122 = tpu.memref_slice %arg15[%multiple_of3A_5, %dma_start3A_121] : memref<10240x128xf32, #tpu.memory_space<vmem_shared>> -> memref<640x128xf32, #tpu.memory_space<vmem_shared>>
      tpu.enqueue_dma source(%dma_start3A_122 : memref<640x128xf32, #tpu.memory_space<vmem_shared>>) target(%dma_start3A_120 : memref<640x128xf32, #tpu.memory_space<hbm>>) target_semaphore(%run_scoped3A : memref<!tpu.dma_semaphore, #tpu.memory_space<semaphore_mem>>)
      %dma_wait3A_123 = arith.constant 0 : i32
      %dma_wait3A_124 = tpu.memref_slice %arg6[%arg0, %multiple_of3A_5, %dma_wait3A_123] : memref<2x10240x128xf32, #tpu.memory_space<hbm>> -> memref<1x640x128xf32, #tpu.memory_space<hbm>>
      %dma_wait3A_125 = tpu.memref_squeeze %dma_wait3A_124 : memref<1x640x128xf32, #tpu.memory_space<hbm>> -> memref<640x128xf32, #tpu.memory_space<hbm>>
      %dma_wait3A_126 = arith.constant 0 : i32
      %dma_wait3A_127 = tpu.memref_slice %arg15[%multiple_of3A_5, %dma_wait3A_126] : memref<10240x128xf32, #tpu.memory_space<vmem_shared>> -> memref<640x128xf32, #tpu.memory_space<vmem_shared>>
      tpu.wait_dma2 semaphore(%run_scoped3A : memref<!tpu.dma_semaphore, #tpu.memory_space<semaphore_mem>>) src(%dma_wait3A_127 : memref<640x128xf32, #tpu.memory_space<vmem_shared>>) dst(%dma_wait3A_125 : memref<640x128xf32, #tpu.memory_space<hbm>>)
      tpu.yield
    }) : () -> ()
    return
  }
}

#map = affine_map<(d0, d1) -> (0, 0)>
#map1 = affine_map<(d0, d1) -> (0, 0, 0)>
module attributes {stable_mosaic.version = 14 : i64} {
  func.func @_sc_aggregate(%arg0: i32, %arg1: i32, %arg2: memref<10240x128xf32, #tpu.memory_space<hbm>>, %arg3: memref<2560x125xi32, #tpu.memory_space<hbm>>, %arg4: memref<2560x125xi32, #tpu.memory_space<hbm>>, %arg5: memref<10240x128xf32, #tpu.memory_space<hbm>>, %arg6: memref<2x10240x128xf32, #tpu.memory_space<hbm>>, %arg7: memref<2x8x125xi32, #tpu.memory_space<vmem>>, %arg8: memref<2x8x125xi32, #tpu.memory_space<vmem>>, %arg9: memref<125x128xf32, #tpu.memory_space<vmem>>, %arg10: memref<125x128xf32, #tpu.memory_space<vmem>>, %arg11: memref<!tpu.dma_semaphore, #tpu.memory_space<semaphore_mem>>, %arg12: memref<!tpu.dma_semaphore, #tpu.memory_space<semaphore_mem>>, %arg13: memref<!tpu.dma_semaphore, #tpu.memory_space<semaphore_mem>>, %arg14: memref<!tpu.dma_semaphore, #tpu.memory_space<semaphore_mem>>, %arg15: memref<10240x128xf32, #tpu.memory_space<vmem_shared>>, %arg16: memref<!tpu.dma_semaphore, #tpu.memory_space<semaphore_mem>>) attributes {dimension_semantics = [#tpu.dimension_semantics<core_parallel>, #tpu.dimension_semantics<subcore_parallel>], iteration_bounds = array<i64: 2, 16>, scalar_prefetch = 0 : i64, scratch_operands = 10 : i64, tpu.core_type = #tpu.core_type<sc_vector_subcore>, window_params = [{transform_indices = #map}, {transform_indices = #map}, {transform_indices = #map}, {transform_indices = #map}, {transform_indices = #map1}]} {
    %mul3A = arith.constant 2 : i32
    %mul3A_0 = arith.muli %arg1, %mul3A : i32
    %add3A = arith.addi %mul3A_0, %arg0 : i32
    %mul3A_1 = arith.constant 80 : i32
    %mul3A_2 = arith.muli %add3A, %mul3A_1 : i32
    %multiple_of3A = tpu.assume_multiple %mul3A_2, 8 : i32
    %mul3A_3 = arith.constant 640 : i32
    %mul3A_4 = arith.muli %arg1, %mul3A_3 : i32
    %multiple_of3A_5 = tpu.assume_multiple %mul3A_4, 8 : i32
    "tpu.region"() ({
      %run_scoped3A = tpu.sem_alloc : memref<!tpu.dma_semaphore, #tpu.memory_space<semaphore_mem>>
      %dma_start3A_118 = arith.constant 0 : i32
      %dma_start3A_119 = tpu.memref_slice %arg15[%multiple_of3A_5, %dma_start3A_118] : memref<10240x128xf32, #tpu.memory_space<vmem_shared>> -> memref<640x128xf32, #tpu.memory_space<vmem_shared>>
      %dma_start3A_120 = arith.constant 0 : i32
      %dma_start3A_121 = tpu.memref_slice %arg5[%multiple_of3A_5, %dma_start3A_120] : memref<10240x128xf32, #tpu.memory_space<hbm>> -> memref<640x128xf32, #tpu.memory_space<hbm>>
      tpu.enqueue_dma source(%dma_start3A_121 : memref<640x128xf32, #tpu.memory_space<hbm>>) target(%dma_start3A_119 : memref<640x128xf32, #tpu.memory_space<vmem_shared>>) target_semaphore(%run_scoped3A : memref<!tpu.dma_semaphore, #tpu.memory_space<semaphore_mem>>)
      %dma_wait3A_122 = arith.constant 0 : i32
      %dma_wait3A_123 = tpu.memref_slice %arg15[%multiple_of3A_5, %dma_wait3A_122] : memref<10240x128xf32, #tpu.memory_space<vmem_shared>> -> memref<640x128xf32, #tpu.memory_space<vmem_shared>>
      %dma_wait3A_124 = arith.constant 0 : i32
      %dma_wait3A_125 = tpu.memref_slice %arg5[%multiple_of3A_5, %dma_wait3A_124] : memref<10240x128xf32, #tpu.memory_space<hbm>> -> memref<640x128xf32, #tpu.memory_space<hbm>>
      tpu.wait_dma2 semaphore(%run_scoped3A : memref<!tpu.dma_semaphore, #tpu.memory_space<semaphore_mem>>) src(%dma_wait3A_125 : memref<640x128xf32, #tpu.memory_space<hbm>>) dst(%dma_wait3A_123 : memref<640x128xf32, #tpu.memory_space<vmem_shared>>)
      tpu.yield
    }) : () -> ()
    %add3A_6 = arith.constant 0 : i32
    %add3A_7 = arith.addi %multiple_of3A, %add3A_6 : i32
    %multiple_of3A_8 = tpu.assume_multiple %add3A_7, 8 : i32
    %dma_start3A = arith.constant 0 : i32
    %dma_start3A_9 = arith.constant 0 : i32
    %dma_start3A_10 = arith.constant 0 : i32
    %dma_start3A_11 = tpu.memref_slice %arg7[%dma_start3A, %dma_start3A_9, %dma_start3A_10] : memref<2x8x125xi32, #tpu.memory_space<vmem>> -> memref<1x8x125xi32, #tpu.memory_space<vmem>>
    %dma_start3A_12 = tpu.memref_squeeze %dma_start3A_11 : memref<1x8x125xi32, #tpu.memory_space<vmem>> -> memref<8x125xi32, #tpu.memory_space<vmem>>
    %dma_start3A_13 = arith.constant 0 : i32
    %dma_start3A_14 = tpu.memref_slice %arg3[%multiple_of3A_8, %dma_start3A_13] : memref<2560x125xi32, #tpu.memory_space<hbm>> -> memref<8x125xi32, #tpu.memory_space<hbm>>
    %dma_start3A_15 = arith.constant 0 : i32
    %dma_start3A_16 = arith.constant 0 : i32
    %dma_start3A_17 = tpu.memref_slice %arg7[%dma_start3A, %dma_start3A_15, %dma_start3A_16] : memref<2x8x125xi32, #tpu.memory_space<vmem>> -> memref<1x8x125xi32, #tpu.memory_space<vmem>>
    %dma_start3A_18 = tpu.memref_squeeze %dma_start3A_17 : memref<1x8x125xi32, #tpu.memory_space<vmem>> -> memref<8x125xi32, #tpu.memory_space<vmem>>
    %dma_start3A_19 = arith.constant 0 : i32
    %dma_start3A_20 = tpu.memref_slice %arg3[%multiple_of3A_8, %dma_start3A_19] : memref<2560x125xi32, #tpu.memory_space<hbm>> -> memref<8x125xi32, #tpu.memory_space<hbm>>
    tpu.enqueue_dma source(%dma_start3A_20 : memref<8x125xi32, #tpu.memory_space<hbm>>) target(%dma_start3A_18 : memref<8x125xi32, #tpu.memory_space<vmem>>) target_semaphore(%arg16 : memref<!tpu.dma_semaphore, #tpu.memory_space<semaphore_mem>>)
    %dma_start3A_21 = arith.constant 0 : i32
    %dma_start3A_22 = arith.constant 0 : i32
    %dma_start3A_23 = arith.constant 0 : i32
    %dma_start3A_24 = tpu.memref_slice %arg8[%dma_start3A_21, %dma_start3A_22, %dma_start3A_23] : memref<2x8x125xi32, #tpu.memory_space<vmem>> -> memref<1x8x125xi32, #tpu.memory_space<vmem>>
    %dma_start3A_25 = tpu.memref_squeeze %dma_start3A_24 : memref<1x8x125xi32, #tpu.memory_space<vmem>> -> memref<8x125xi32, #tpu.memory_space<vmem>>
    %dma_start3A_26 = arith.constant 0 : i32
    %dma_start3A_27 = tpu.memref_slice %arg4[%multiple_of3A_8, %dma_start3A_26] : memref<2560x125xi32, #tpu.memory_space<hbm>> -> memref<8x125xi32, #tpu.memory_space<hbm>>
    %dma_start3A_28 = arith.constant 0 : i32
    %dma_start3A_29 = arith.constant 0 : i32
    %dma_start3A_30 = tpu.memref_slice %arg8[%dma_start3A_21, %dma_start3A_28, %dma_start3A_29] : memref<2x8x125xi32, #tpu.memory_space<vmem>> -> memref<1x8x125xi32, #tpu.memory_space<vmem>>
    %dma_start3A_31 = tpu.memref_squeeze %dma_start3A_30 : memref<1x8x125xi32, #tpu.memory_space<vmem>> -> memref<8x125xi32, #tpu.memory_space<vmem>>
    %dma_start3A_32 = arith.constant 0 : i32
    %dma_start3A_33 = tpu.memref_slice %arg4[%multiple_of3A_8, %dma_start3A_32] : memref<2560x125xi32, #tpu.memory_space<hbm>> -> memref<8x125xi32, #tpu.memory_space<hbm>>
    tpu.enqueue_dma source(%dma_start3A_33 : memref<8x125xi32, #tpu.memory_space<hbm>>) target(%dma_start3A_31 : memref<8x125xi32, #tpu.memory_space<vmem>>) target_semaphore(%arg16 : memref<!tpu.dma_semaphore, #tpu.memory_space<semaphore_mem>>)
    %add3A_34 = arith.constant 8 : i32
    %add3A_35 = arith.addi %multiple_of3A, %add3A_34 : i32
    %multiple_of3A_36 = tpu.assume_multiple %add3A_35, 8 : i32
    %dma_start3A_37 = arith.constant 1 : i32
    %dma_start3A_38 = arith.constant 0 : i32
    %dma_start3A_39 = arith.constant 0 : i32
    %dma_start3A_40 = tpu.memref_slice %arg7[%dma_start3A_37, %dma_start3A_38, %dma_start3A_39] : memref<2x8x125xi32, #tpu.memory_space<vmem>> -> memref<1x8x125xi32, #tpu.memory_space<vmem>>
    %dma_start3A_41 = tpu.memref_squeeze %dma_start3A_40 : memref<1x8x125xi32, #tpu.memory_space<vmem>> -> memref<8x125xi32, #tpu.memory_space<vmem>>
    %dma_start3A_42 = arith.constant 0 : i32
    %dma_start3A_43 = tpu.memref_slice %arg3[%multiple_of3A_36, %dma_start3A_42] : memref<2560x125xi32, #tpu.memory_space<hbm>> -> memref<8x125xi32, #tpu.memory_space<hbm>>
    %dma_start3A_44 = arith.constant 0 : i32
    %dma_start3A_45 = arith.constant 0 : i32
    %dma_start3A_46 = tpu.memref_slice %arg7[%dma_start3A_37, %dma_start3A_44, %dma_start3A_45] : memref<2x8x125xi32, #tpu.memory_space<vmem>> -> memref<1x8x125xi32, #tpu.memory_space<vmem>>
    %dma_start3A_47 = tpu.memref_squeeze %dma_start3A_46 : memref<1x8x125xi32, #tpu.memory_space<vmem>> -> memref<8x125xi32, #tpu.memory_space<vmem>>
    %dma_start3A_48 = arith.constant 0 : i32
    %dma_start3A_49 = tpu.memref_slice %arg3[%multiple_of3A_36, %dma_start3A_48] : memref<2560x125xi32, #tpu.memory_space<hbm>> -> memref<8x125xi32, #tpu.memory_space<hbm>>
    tpu.enqueue_dma source(%dma_start3A_49 : memref<8x125xi32, #tpu.memory_space<hbm>>) target(%dma_start3A_47 : memref<8x125xi32, #tpu.memory_space<vmem>>) target_semaphore(%arg16 : memref<!tpu.dma_semaphore, #tpu.memory_space<semaphore_mem>>)
    %dma_start3A_50 = arith.constant 1 : i32
    %dma_start3A_51 = arith.constant 0 : i32
    %dma_start3A_52 = arith.constant 0 : i32
    %dma_start3A_53 = tpu.memref_slice %arg8[%dma_start3A_50, %dma_start3A_51, %dma_start3A_52] : memref<2x8x125xi32, #tpu.memory_space<vmem>> -> memref<1x8x125xi32, #tpu.memory_space<vmem>>
    %dma_start3A_54 = tpu.memref_squeeze %dma_start3A_53 : memref<1x8x125xi32, #tpu.memory_space<vmem>> -> memref<8x125xi32, #tpu.memory_space<vmem>>
    %dma_start3A_55 = arith.constant 0 : i32
    %dma_start3A_56 = tpu.memref_slice %arg4[%multiple_of3A_36, %dma_start3A_55] : memref<2560x125xi32, #tpu.memory_space<hbm>> -> memref<8x125xi32, #tpu.memory_space<hbm>>
    %dma_start3A_57 = arith.constant 0 : i32
    %dma_start3A_58 = arith.constant 0 : i32
    %dma_start3A_59 = tpu.memref_slice %arg8[%dma_start3A_50, %dma_start3A_57, %dma_start3A_58] : memref<2x8x125xi32, #tpu.memory_space<vmem>> -> memref<1x8x125xi32, #tpu.memory_space<vmem>>
    %dma_start3A_60 = tpu.memref_squeeze %dma_start3A_59 : memref<1x8x125xi32, #tpu.memory_space<vmem>> -> memref<8x125xi32, #tpu.memory_space<vmem>>
    %dma_start3A_61 = arith.constant 0 : i32
    %dma_start3A_62 = tpu.memref_slice %arg4[%multiple_of3A_36, %dma_start3A_61] : memref<2560x125xi32, #tpu.memory_space<hbm>> -> memref<8x125xi32, #tpu.memory_space<hbm>>
    tpu.enqueue_dma source(%dma_start3A_62 : memref<8x125xi32, #tpu.memory_space<hbm>>) target(%dma_start3A_60 : memref<8x125xi32, #tpu.memory_space<vmem>>) target_semaphore(%arg16 : memref<!tpu.dma_semaphore, #tpu.memory_space<semaphore_mem>>)
    %barrier3A = arith.constant 0 : index
    tpu.barrier barrier_id(%barrier3A)
    %dma_wait3A = arith.constant 0 : i32
    %dma_wait3A_63 = arith.constant 0 : i32
    %dma_wait3A_64 = arith.constant 0 : i32
    %dma_wait3A_65 = tpu.memref_slice %arg7[%dma_wait3A, %dma_wait3A_63, %dma_wait3A_64] : memref<2x8x125xi32, #tpu.memory_space<vmem>> -> memref<1x8x125xi32, #tpu.memory_space<vmem>>
    %dma_wait3A_66 = tpu.memref_squeeze %dma_wait3A_65 : memref<1x8x125xi32, #tpu.memory_space<vmem>> -> memref<8x125xi32, #tpu.memory_space<vmem>>
    %dma_wait3A_67 = arith.constant 0 : i32
    %dma_wait3A_68 = tpu.memref_slice %arg3[%multiple_of3A, %dma_wait3A_67] : memref<2560x125xi32, #tpu.memory_space<hbm>> -> memref<8x125xi32, #tpu.memory_space<hbm>>
    %dma_wait3A_69 = arith.constant 0 : i32
    %dma_wait3A_70 = arith.constant 0 : i32
    %dma_wait3A_71 = tpu.memref_slice %arg7[%dma_wait3A, %dma_wait3A_69, %dma_wait3A_70] : memref<2x8x125xi32, #tpu.memory_space<vmem>> -> memref<1x8x125xi32, #tpu.memory_space<vmem>>
    %dma_wait3A_72 = tpu.memref_squeeze %dma_wait3A_71 : memref<1x8x125xi32, #tpu.memory_space<vmem>> -> memref<8x125xi32, #tpu.memory_space<vmem>>
    %dma_wait3A_73 = arith.constant 0 : i32
    %dma_wait3A_74 = tpu.memref_slice %arg3[%multiple_of3A, %dma_wait3A_73] : memref<2560x125xi32, #tpu.memory_space<hbm>> -> memref<8x125xi32, #tpu.memory_space<hbm>>
    tpu.wait_dma2 semaphore(%arg16 : memref<!tpu.dma_semaphore, #tpu.memory_space<semaphore_mem>>) src(%dma_wait3A_74 : memref<8x125xi32, #tpu.memory_space<hbm>>) dst(%dma_wait3A_72 : memref<8x125xi32, #tpu.memory_space<vmem>>)
    %dma_wait3A_75 = arith.constant 0 : i32
    %dma_wait3A_76 = arith.constant 0 : i32
    %dma_wait3A_77 = arith.constant 0 : i32
    %dma_wait3A_78 = tpu.memref_slice %arg8[%dma_wait3A_75, %dma_wait3A_76, %dma_wait3A_77] : memref<2x8x125xi32, #tpu.memory_space<vmem>> -> memref<1x8x125xi32, #tpu.memory_space<vmem>>
    %dma_wait3A_79 = tpu.memref_squeeze %dma_wait3A_78 : memref<1x8x125xi32, #tpu.memory_space<vmem>> -> memref<8x125xi32, #tpu.memory_space<vmem>>
    %dma_wait3A_80 = arith.constant 0 : i32
    %dma_wait3A_81 = tpu.memref_slice %arg4[%multiple_of3A, %dma_wait3A_80] : memref<2560x125xi32, #tpu.memory_space<hbm>> -> memref<8x125xi32, #tpu.memory_space<hbm>>
    %dma_wait3A_82 = arith.constant 0 : i32
    %dma_wait3A_83 = arith.constant 0 : i32
    %dma_wait3A_84 = tpu.memref_slice %arg8[%dma_wait3A_75, %dma_wait3A_82, %dma_wait3A_83] : memref<2x8x125xi32, #tpu.memory_space<vmem>> -> memref<1x8x125xi32, #tpu.memory_space<vmem>>
    %dma_wait3A_85 = tpu.memref_squeeze %dma_wait3A_84 : memref<1x8x125xi32, #tpu.memory_space<vmem>> -> memref<8x125xi32, #tpu.memory_space<vmem>>
    %dma_wait3A_86 = arith.constant 0 : i32
    %dma_wait3A_87 = tpu.memref_slice %arg4[%multiple_of3A, %dma_wait3A_86] : memref<2560x125xi32, #tpu.memory_space<hbm>> -> memref<8x125xi32, #tpu.memory_space<hbm>>
    tpu.wait_dma2 semaphore(%arg16 : memref<!tpu.dma_semaphore, #tpu.memory_space<semaphore_mem>>) src(%dma_wait3A_87 : memref<8x125xi32, #tpu.memory_space<hbm>>) dst(%dma_wait3A_85 : memref<8x125xi32, #tpu.memory_space<vmem>>)
    %dma_start3A_88 = arith.constant 0 : i32
    %dma_start3A_89 = arith.constant 0 : i32
    %dma_start3A_90 = arith.constant 0 : i32
    %dma_start3A_91 = tpu.memref_slice %arg7[%dma_start3A_88, %dma_start3A_89, %dma_start3A_90] : memref<2x8x125xi32, #tpu.memory_space<vmem>> -> memref<1x1x125xi32, #tpu.memory_space<vmem>>
    %dma_start3A_92 = tpu.memref_squeeze %dma_start3A_91 : memref<1x1x125xi32, #tpu.memory_space<vmem>> -> memref<125xi32, #tpu.memory_space<vmem>>
    %dma_start3A_93 = arith.constant 0 : i32
    %dma_start3A_94 = arith.constant 0 : i32
    %dma_start3A_95 = tpu.memref_slice %arg2[%dma_start3A_93, %dma_start3A_94] : memref<10240x128xf32, #tpu.memory_space<hbm>> -> memref<10240x128xf32, #tpu.memory_space<hbm>>
    tpu.enqueue_indirect_dma source(%dma_start3A_95 : memref<10240x128xf32, #tpu.memory_space<hbm>>) target(%arg9 : memref<125x128xf32, #tpu.memory_space<vmem>>) offsets(%dma_start3A_92 : memref<125xi32, #tpu.memory_space<vmem>>) semaphore(%arg11 : memref<!tpu.dma_semaphore, #tpu.memory_space<semaphore_mem>>)
    %scan3A = arith.constant 0 : i32
    %scan3A_96 = arith.constant 0 : i32
    %scan3A_97 = arith.constant 10 : i32
    %scan3A_98 = arith.addi %scan3A_96, %scan3A_97 : i32
    %scan3A_99 = arith.constant 1 : i32
    scf.for %scan3A_118 = %scan3A_96 to %scan3A_98 step %scan3A_99  : i32 {
      %rem3A = arith.constant 2 : i32
      %rem3A_119 = arith.remsi %scan3A_118, %rem3A : i32
      %add3A_120 = arith.constant 1 : i32
      %add3A_121 = arith.addi %scan3A_118, %add3A_120 : i32
      %rem3A_122 = arith.constant 2 : i32
      %rem3A_123 = arith.remsi %add3A_121, %rem3A_122 : i32
      %add3A_124 = arith.constant 1 : i32
      %add3A_125 = arith.addi %scan3A_118, %add3A_124 : i32
      %lt3A = arith.constant 10 : i32
      %lt3A_126 = arith.cmpi slt, %add3A_125, %lt3A : i32
      %convert_element_type3A = arith.extui %lt3A_126 : i1 to i32
      %cond3A = arith.constant 0 : i32
      %cond3A_127 = arith.cmpi ne, %convert_element_type3A, %cond3A : i32
      scf.if %cond3A_127 {
        %dma_wait3A_371 = arith.constant 0 : i32
        %dma_wait3A_372 = arith.constant 0 : i32
        %dma_wait3A_373 = arith.constant 0 : i32
        %dma_wait3A_374 = tpu.memref_slice %arg7[%dma_wait3A_371, %dma_wait3A_372, %dma_wait3A_373] : memref<2x8x125xi32, #tpu.memory_space<vmem>> -> memref<1x8x125xi32, #tpu.memory_space<vmem>>
        %dma_wait3A_375 = tpu.memref_squeeze %dma_wait3A_374 : memref<1x8x125xi32, #tpu.memory_space<vmem>> -> memref<8x125xi32, #tpu.memory_space<vmem>>
        %dma_wait3A_376 = arith.constant 0 : i32
        %dma_wait3A_377 = tpu.memref_slice %arg3[%multiple_of3A, %dma_wait3A_376] : memref<2560x125xi32, #tpu.memory_space<hbm>> -> memref<8x125xi32, #tpu.memory_space<hbm>>
        %dma_wait3A_378 = arith.constant 0 : i32
        %dma_wait3A_379 = arith.constant 0 : i32
        %dma_wait3A_380 = tpu.memref_slice %arg7[%dma_wait3A_371, %dma_wait3A_378, %dma_wait3A_379] : memref<2x8x125xi32, #tpu.memory_space<vmem>> -> memref<1x8x125xi32, #tpu.memory_space<vmem>>
        %dma_wait3A_381 = tpu.memref_squeeze %dma_wait3A_380 : memref<1x8x125xi32, #tpu.memory_space<vmem>> -> memref<8x125xi32, #tpu.memory_space<vmem>>
        %dma_wait3A_382 = arith.constant 0 : i32
        %dma_wait3A_383 = tpu.memref_slice %arg3[%multiple_of3A, %dma_wait3A_382] : memref<2560x125xi32, #tpu.memory_space<hbm>> -> memref<8x125xi32, #tpu.memory_space<hbm>>
        tpu.wait_dma2 semaphore(%arg16 : memref<!tpu.dma_semaphore, #tpu.memory_space<semaphore_mem>>) src(%dma_wait3A_383 : memref<8x125xi32, #tpu.memory_space<hbm>>) dst(%dma_wait3A_381 : memref<8x125xi32, #tpu.memory_space<vmem>>)
        %dma_wait3A_384 = arith.constant 0 : i32
        %dma_wait3A_385 = arith.constant 0 : i32
        %dma_wait3A_386 = arith.constant 0 : i32
        %dma_wait3A_387 = tpu.memref_slice %arg8[%dma_wait3A_384, %dma_wait3A_385, %dma_wait3A_386] : memref<2x8x125xi32, #tpu.memory_space<vmem>> -> memref<1x8x125xi32, #tpu.memory_space<vmem>>
        %dma_wait3A_388 = tpu.memref_squeeze %dma_wait3A_387 : memref<1x8x125xi32, #tpu.memory_space<vmem>> -> memref<8x125xi32, #tpu.memory_space<vmem>>
        %dma_wait3A_389 = arith.constant 0 : i32
        %dma_wait3A_390 = tpu.memref_slice %arg4[%multiple_of3A, %dma_wait3A_389] : memref<2560x125xi32, #tpu.memory_space<hbm>> -> memref<8x125xi32, #tpu.memory_space<hbm>>
        %dma_wait3A_391 = arith.constant 0 : i32
        %dma_wait3A_392 = arith.constant 0 : i32
        %dma_wait3A_393 = tpu.memref_slice %arg8[%dma_wait3A_384, %dma_wait3A_391, %dma_wait3A_392] : memref<2x8x125xi32, #tpu.memory_space<vmem>> -> memref<1x8x125xi32, #tpu.memory_space<vmem>>
        %dma_wait3A_394 = tpu.memref_squeeze %dma_wait3A_393 : memref<1x8x125xi32, #tpu.memory_space<vmem>> -> memref<8x125xi32, #tpu.memory_space<vmem>>
        %dma_wait3A_395 = arith.constant 0 : i32
        %dma_wait3A_396 = tpu.memref_slice %arg4[%multiple_of3A, %dma_wait3A_395] : memref<2560x125xi32, #tpu.memory_space<hbm>> -> memref<8x125xi32, #tpu.memory_space<hbm>>
        tpu.wait_dma2 semaphore(%arg16 : memref<!tpu.dma_semaphore, #tpu.memory_space<semaphore_mem>>) src(%dma_wait3A_396 : memref<8x125xi32, #tpu.memory_space<hbm>>) dst(%dma_wait3A_394 : memref<8x125xi32, #tpu.memory_space<vmem>>)
      } else {
      }
      %gt3A = arith.constant 0 : i32
      %gt3A_128 = arith.cmpi sgt, %scan3A_118, %gt3A : i32
      %convert_element_type3A_129 = arith.extui %gt3A_128 : i1 to i32
      %cond3A_130 = arith.constant 0 : i32
      %cond3A_131 = arith.cmpi ne, %convert_element_type3A_129, %cond3A_130 : i32
      scf.if %cond3A_131 {
        %dma_wait3A_371 = arith.constant 0 : i32
        %dma_wait3A_372 = arith.constant 0 : i32
        %dma_wait3A_373 = arith.constant 0 : i32
        %dma_wait3A_374 = tpu.memref_slice %arg8[%dma_wait3A_371, %dma_wait3A_372, %dma_wait3A_373] : memref<2x8x125xi32, #tpu.memory_space<vmem>> -> memref<1x1x125xi32, #tpu.memory_space<vmem>>
        %dma_wait3A_375 = tpu.memref_squeeze %dma_wait3A_374 : memref<1x1x125xi32, #tpu.memory_space<vmem>> -> memref<125xi32, #tpu.memory_space<vmem>>
        %dma_wait3A_376 = arith.constant 0 : i32
        %dma_wait3A_377 = arith.constant 0 : i32
        %dma_wait3A_378 = tpu.memref_slice %arg15[%dma_wait3A_376, %dma_wait3A_377] : memref<10240x128xf32, #tpu.memory_space<vmem_shared>> -> memref<10240x128xf32, #tpu.memory_space<vmem_shared>>
        tpu.wait_indirect_dma semaphore(%arg14 : memref<!tpu.dma_semaphore, #tpu.memory_space<semaphore_mem>>) src(%arg10 : memref<125x128xf32, #tpu.memory_space<vmem>>) dst(%dma_wait3A_378 : memref<10240x128xf32, #tpu.memory_space<vmem_shared>>)
      } else {
      }
      %dma_start3A_132 = arith.constant 1 : i32
      %dma_start3A_133 = arith.constant 0 : i32
      %dma_start3A_134 = tpu.memref_slice %arg7[%rem3A_119, %dma_start3A_132, %dma_start3A_133] : memref<2x8x125xi32, #tpu.memory_space<vmem>> -> memref<1x1x125xi32, #tpu.memory_space<vmem>>
      %dma_start3A_135 = tpu.memref_squeeze %dma_start3A_134 : memref<1x1x125xi32, #tpu.memory_space<vmem>> -> memref<125xi32, #tpu.memory_space<vmem>>
      %dma_start3A_136 = arith.constant 0 : i32
      %dma_start3A_137 = arith.constant 0 : i32
      %dma_start3A_138 = tpu.memref_slice %arg2[%dma_start3A_136, %dma_start3A_137] : memref<10240x128xf32, #tpu.memory_space<hbm>> -> memref<10240x128xf32, #tpu.memory_space<hbm>>
      tpu.enqueue_indirect_dma source(%dma_start3A_138 : memref<10240x128xf32, #tpu.memory_space<hbm>>) target(%arg10 : memref<125x128xf32, #tpu.memory_space<vmem>>) offsets(%dma_start3A_135 : memref<125xi32, #tpu.memory_space<vmem>>) semaphore(%arg12 : memref<!tpu.dma_semaphore, #tpu.memory_space<semaphore_mem>>)
      %dma_wait3A_139 = arith.constant 0 : i32
      %dma_wait3A_140 = arith.constant 0 : i32
      %dma_wait3A_141 = arith.constant 0 : i32
      %dma_wait3A_142 = tpu.memref_slice %arg7[%dma_wait3A_139, %dma_wait3A_140, %dma_wait3A_141] : memref<2x8x125xi32, #tpu.memory_space<vmem>> -> memref<1x1x125xi32, #tpu.memory_space<vmem>>
      %dma_wait3A_143 = tpu.memref_squeeze %dma_wait3A_142 : memref<1x1x125xi32, #tpu.memory_space<vmem>> -> memref<125xi32, #tpu.memory_space<vmem>>
      %dma_wait3A_144 = arith.constant 0 : i32
      %dma_wait3A_145 = arith.constant 0 : i32
      %dma_wait3A_146 = tpu.memref_slice %arg2[%dma_wait3A_144, %dma_wait3A_145] : memref<10240x128xf32, #tpu.memory_space<hbm>> -> memref<10240x128xf32, #tpu.memory_space<hbm>>
      tpu.wait_indirect_dma semaphore(%arg11 : memref<!tpu.dma_semaphore, #tpu.memory_space<semaphore_mem>>) src(%dma_wait3A_146 : memref<10240x128xf32, #tpu.memory_space<hbm>>) dst(%arg9 : memref<125x128xf32, #tpu.memory_space<vmem>>)
      %dma_start3A_147 = arith.constant 0 : i32
      %dma_start3A_148 = arith.constant 0 : i32
      %dma_start3A_149 = tpu.memref_slice %arg8[%rem3A_119, %dma_start3A_147, %dma_start3A_148] : memref<2x8x125xi32, #tpu.memory_space<vmem>> -> memref<1x1x125xi32, #tpu.memory_space<vmem>>
      %dma_start3A_150 = tpu.memref_squeeze %dma_start3A_149 : memref<1x1x125xi32, #tpu.memory_space<vmem>> -> memref<125xi32, #tpu.memory_space<vmem>>
      %dma_start3A_151 = arith.constant 0 : i32
      %dma_start3A_152 = arith.constant 0 : i32
      %dma_start3A_153 = tpu.memref_slice %arg15[%dma_start3A_151, %dma_start3A_152] : memref<10240x128xf32, #tpu.memory_space<vmem_shared>> -> memref<10240x128xf32, #tpu.memory_space<vmem_shared>>
      tpu.enqueue_indirect_dma source(%arg9 : memref<125x128xf32, #tpu.memory_space<vmem>>) target(%dma_start3A_153 : memref<10240x128xf32, #tpu.memory_space<vmem_shared>>) offsets(%dma_start3A_150 : memref<125xi32, #tpu.memory_space<vmem>>) semaphore(%arg13 : memref<!tpu.dma_semaphore, #tpu.memory_space<semaphore_mem>>) {add = true}
      %dma_wait3A_154 = arith.constant 0 : i32
      %dma_wait3A_155 = arith.constant 0 : i32
      %dma_wait3A_156 = arith.constant 0 : i32
      %dma_wait3A_157 = tpu.memref_slice %arg8[%dma_wait3A_154, %dma_wait3A_155, %dma_wait3A_156] : memref<2x8x125xi32, #tpu.memory_space<vmem>> -> memref<1x1x125xi32, #tpu.memory_space<vmem>>
      %dma_wait3A_158 = tpu.memref_squeeze %dma_wait3A_157 : memref<1x1x125xi32, #tpu.memory_space<vmem>> -> memref<125xi32, #tpu.memory_space<vmem>>
      %dma_wait3A_159 = arith.constant 0 : i32
      %dma_wait3A_160 = arith.constant 0 : i32
      %dma_wait3A_161 = tpu.memref_slice %arg15[%dma_wait3A_159, %dma_wait3A_160] : memref<10240x128xf32, #tpu.memory_space<vmem_shared>> -> memref<10240x128xf32, #tpu.memory_space<vmem_shared>>
      tpu.wait_indirect_dma semaphore(%arg13 : memref<!tpu.dma_semaphore, #tpu.memory_space<semaphore_mem>>) src(%arg9 : memref<125x128xf32, #tpu.memory_space<vmem>>) dst(%dma_wait3A_161 : memref<10240x128xf32, #tpu.memory_space<vmem_shared>>)
      %dma_start3A_162 = arith.constant 2 : i32
      %dma_start3A_163 = arith.constant 0 : i32
      %dma_start3A_164 = tpu.memref_slice %arg7[%rem3A_119, %dma_start3A_162, %dma_start3A_163] : memref<2x8x125xi32, #tpu.memory_space<vmem>> -> memref<1x1x125xi32, #tpu.memory_space<vmem>>
      %dma_start3A_165 = tpu.memref_squeeze %dma_start3A_164 : memref<1x1x125xi32, #tpu.memory_space<vmem>> -> memref<125xi32, #tpu.memory_space<vmem>>
      %dma_start3A_166 = arith.constant 0 : i32
      %dma_start3A_167 = arith.constant 0 : i32
      %dma_start3A_168 = tpu.memref_slice %arg2[%dma_start3A_166, %dma_start3A_167] : memref<10240x128xf32, #tpu.memory_space<hbm>> -> memref<10240x128xf32, #tpu.memory_space<hbm>>
      tpu.enqueue_indirect_dma source(%dma_start3A_168 : memref<10240x128xf32, #tpu.memory_space<hbm>>) target(%arg9 : memref<125x128xf32, #tpu.memory_space<vmem>>) offsets(%dma_start3A_165 : memref<125xi32, #tpu.memory_space<vmem>>) semaphore(%arg11 : memref<!tpu.dma_semaphore, #tpu.memory_space<semaphore_mem>>)
      %dma_wait3A_169 = arith.constant 0 : i32
      %dma_wait3A_170 = arith.constant 0 : i32
      %dma_wait3A_171 = arith.constant 0 : i32
      %dma_wait3A_172 = tpu.memref_slice %arg7[%dma_wait3A_169, %dma_wait3A_170, %dma_wait3A_171] : memref<2x8x125xi32, #tpu.memory_space<vmem>> -> memref<1x1x125xi32, #tpu.memory_space<vmem>>
      %dma_wait3A_173 = tpu.memref_squeeze %dma_wait3A_172 : memref<1x1x125xi32, #tpu.memory_space<vmem>> -> memref<125xi32, #tpu.memory_space<vmem>>
      %dma_wait3A_174 = arith.constant 0 : i32
      %dma_wait3A_175 = arith.constant 0 : i32
      %dma_wait3A_176 = tpu.memref_slice %arg2[%dma_wait3A_174, %dma_wait3A_175] : memref<10240x128xf32, #tpu.memory_space<hbm>> -> memref<10240x128xf32, #tpu.memory_space<hbm>>
      tpu.wait_indirect_dma semaphore(%arg12 : memref<!tpu.dma_semaphore, #tpu.memory_space<semaphore_mem>>) src(%dma_wait3A_176 : memref<10240x128xf32, #tpu.memory_space<hbm>>) dst(%arg10 : memref<125x128xf32, #tpu.memory_space<vmem>>)
      %dma_start3A_177 = arith.constant 1 : i32
      %dma_start3A_178 = arith.constant 0 : i32
      %dma_start3A_179 = tpu.memref_slice %arg8[%rem3A_119, %dma_start3A_177, %dma_start3A_178] : memref<2x8x125xi32, #tpu.memory_space<vmem>> -> memref<1x1x125xi32, #tpu.memory_space<vmem>>
      %dma_start3A_180 = tpu.memref_squeeze %dma_start3A_179 : memref<1x1x125xi32, #tpu.memory_space<vmem>> -> memref<125xi32, #tpu.memory_space<vmem>>
      %dma_start3A_181 = arith.constant 0 : i32
      %dma_start3A_182 = arith.constant 0 : i32
      %dma_start3A_183 = tpu.memref_slice %arg15[%dma_start3A_181, %dma_start3A_182] : memref<10240x128xf32, #tpu.memory_space<vmem_shared>> -> memref<10240x128xf32, #tpu.memory_space<vmem_shared>>
      tpu.enqueue_indirect_dma source(%arg10 : memref<125x128xf32, #tpu.memory_space<vmem>>) target(%dma_start3A_183 : memref<10240x128xf32, #tpu.memory_space<vmem_shared>>) offsets(%dma_start3A_180 : memref<125xi32, #tpu.memory_space<vmem>>) semaphore(%arg14 : memref<!tpu.dma_semaphore, #tpu.memory_space<semaphore_mem>>) {add = true}
      %dma_wait3A_184 = arith.constant 0 : i32
      %dma_wait3A_185 = arith.constant 0 : i32
      %dma_wait3A_186 = arith.constant 0 : i32
      %dma_wait3A_187 = tpu.memref_slice %arg8[%dma_wait3A_184, %dma_wait3A_185, %dma_wait3A_186] : memref<2x8x125xi32, #tpu.memory_space<vmem>> -> memref<1x1x125xi32, #tpu.memory_space<vmem>>
      %dma_wait3A_188 = tpu.memref_squeeze %dma_wait3A_187 : memref<1x1x125xi32, #tpu.memory_space<vmem>> -> memref<125xi32, #tpu.memory_space<vmem>>
      %dma_wait3A_189 = arith.constant 0 : i32
      %dma_wait3A_190 = arith.constant 0 : i32
      %dma_wait3A_191 = tpu.memref_slice %arg15[%dma_wait3A_189, %dma_wait3A_190] : memref<10240x128xf32, #tpu.memory_space<vmem_shared>> -> memref<10240x128xf32, #tpu.memory_space<vmem_shared>>
      tpu.wait_indirect_dma semaphore(%arg14 : memref<!tpu.dma_semaphore, #tpu.memory_space<semaphore_mem>>) src(%arg10 : memref<125x128xf32, #tpu.memory_space<vmem>>) dst(%dma_wait3A_191 : memref<10240x128xf32, #tpu.memory_space<vmem_shared>>)
      %dma_start3A_192 = arith.constant 3 : i32
      %dma_start3A_193 = arith.constant 0 : i32
      %dma_start3A_194 = tpu.memref_slice %arg7[%rem3A_119, %dma_start3A_192, %dma_start3A_193] : memref<2x8x125xi32, #tpu.memory_space<vmem>> -> memref<1x1x125xi32, #tpu.memory_space<vmem>>
      %dma_start3A_195 = tpu.memref_squeeze %dma_start3A_194 : memref<1x1x125xi32, #tpu.memory_space<vmem>> -> memref<125xi32, #tpu.memory_space<vmem>>
      %dma_start3A_196 = arith.constant 0 : i32
      %dma_start3A_197 = arith.constant 0 : i32
      %dma_start3A_198 = tpu.memref_slice %arg2[%dma_start3A_196, %dma_start3A_197] : memref<10240x128xf32, #tpu.memory_space<hbm>> -> memref<10240x128xf32, #tpu.memory_space<hbm>>
      tpu.enqueue_indirect_dma source(%dma_start3A_198 : memref<10240x128xf32, #tpu.memory_space<hbm>>) target(%arg10 : memref<125x128xf32, #tpu.memory_space<vmem>>) offsets(%dma_start3A_195 : memref<125xi32, #tpu.memory_space<vmem>>) semaphore(%arg12 : memref<!tpu.dma_semaphore, #tpu.memory_space<semaphore_mem>>)
      %dma_wait3A_199 = arith.constant 0 : i32
      %dma_wait3A_200 = arith.constant 0 : i32
      %dma_wait3A_201 = arith.constant 0 : i32
      %dma_wait3A_202 = tpu.memref_slice %arg7[%dma_wait3A_199, %dma_wait3A_200, %dma_wait3A_201] : memref<2x8x125xi32, #tpu.memory_space<vmem>> -> memref<1x1x125xi32, #tpu.memory_space<vmem>>
      %dma_wait3A_203 = tpu.memref_squeeze %dma_wait3A_202 : memref<1x1x125xi32, #tpu.memory_space<vmem>> -> memref<125xi32, #tpu.memory_space<vmem>>
      %dma_wait3A_204 = arith.constant 0 : i32
      %dma_wait3A_205 = arith.constant 0 : i32
      %dma_wait3A_206 = tpu.memref_slice %arg2[%dma_wait3A_204, %dma_wait3A_205] : memref<10240x128xf32, #tpu.memory_space<hbm>> -> memref<10240x128xf32, #tpu.memory_space<hbm>>
      tpu.wait_indirect_dma semaphore(%arg11 : memref<!tpu.dma_semaphore, #tpu.memory_space<semaphore_mem>>) src(%dma_wait3A_206 : memref<10240x128xf32, #tpu.memory_space<hbm>>) dst(%arg9 : memref<125x128xf32, #tpu.memory_space<vmem>>)
      %dma_start3A_207 = arith.constant 2 : i32
      %dma_start3A_208 = arith.constant 0 : i32
      %dma_start3A_209 = tpu.memref_slice %arg8[%rem3A_119, %dma_start3A_207, %dma_start3A_208] : memref<2x8x125xi32, #tpu.memory_space<vmem>> -> memref<1x1x125xi32, #tpu.memory_space<vmem>>
      %dma_start3A_210 = tpu.memref_squeeze %dma_start3A_209 : memref<1x1x125xi32, #tpu.memory_space<vmem>> -> memref<125xi32, #tpu.memory_space<vmem>>
      %dma_start3A_211 = arith.constant 0 : i32
      %dma_start3A_212 = arith.constant 0 : i32
      %dma_start3A_213 = tpu.memref_slice %arg15[%dma_start3A_211, %dma_start3A_212] : memref<10240x128xf32, #tpu.memory_space<vmem_shared>> -> memref<10240x128xf32, #tpu.memory_space<vmem_shared>>
      tpu.enqueue_indirect_dma source(%arg9 : memref<125x128xf32, #tpu.memory_space<vmem>>) target(%dma_start3A_213 : memref<10240x128xf32, #tpu.memory_space<vmem_shared>>) offsets(%dma_start3A_210 : memref<125xi32, #tpu.memory_space<vmem>>) semaphore(%arg13 : memref<!tpu.dma_semaphore, #tpu.memory_space<semaphore_mem>>) {add = true}
      %dma_wait3A_214 = arith.constant 0 : i32
      %dma_wait3A_215 = arith.constant 0 : i32
      %dma_wait3A_216 = arith.constant 0 : i32
      %dma_wait3A_217 = tpu.memref_slice %arg8[%dma_wait3A_214, %dma_wait3A_215, %dma_wait3A_216] : memref<2x8x125xi32, #tpu.memory_space<vmem>> -> memref<1x1x125xi32, #tpu.memory_space<vmem>>
      %dma_wait3A_218 = tpu.memref_squeeze %dma_wait3A_217 : memref<1x1x125xi32, #tpu.memory_space<vmem>> -> memref<125xi32, #tpu.memory_space<vmem>>
      %dma_wait3A_219 = arith.constant 0 : i32
      %dma_wait3A_220 = arith.constant 0 : i32
      %dma_wait3A_221 = tpu.memref_slice %arg15[%dma_wait3A_219, %dma_wait3A_220] : memref<10240x128xf32, #tpu.memory_space<vmem_shared>> -> memref<10240x128xf32, #tpu.memory_space<vmem_shared>>
      tpu.wait_indirect_dma semaphore(%arg13 : memref<!tpu.dma_semaphore, #tpu.memory_space<semaphore_mem>>) src(%arg9 : memref<125x128xf32, #tpu.memory_space<vmem>>) dst(%dma_wait3A_221 : memref<10240x128xf32, #tpu.memory_space<vmem_shared>>)
      %dma_start3A_222 = arith.constant 4 : i32
      %dma_start3A_223 = arith.constant 0 : i32
      %dma_start3A_224 = tpu.memref_slice %arg7[%rem3A_119, %dma_start3A_222, %dma_start3A_223] : memref<2x8x125xi32, #tpu.memory_space<vmem>> -> memref<1x1x125xi32, #tpu.memory_space<vmem>>
      %dma_start3A_225 = tpu.memref_squeeze %dma_start3A_224 : memref<1x1x125xi32, #tpu.memory_space<vmem>> -> memref<125xi32, #tpu.memory_space<vmem>>
      %dma_start3A_226 = arith.constant 0 : i32
      %dma_start3A_227 = arith.constant 0 : i32
      %dma_start3A_228 = tpu.memref_slice %arg2[%dma_start3A_226, %dma_start3A_227] : memref<10240x128xf32, #tpu.memory_space<hbm>> -> memref<10240x128xf32, #tpu.memory_space<hbm>>
      tpu.enqueue_indirect_dma source(%dma_start3A_228 : memref<10240x128xf32, #tpu.memory_space<hbm>>) target(%arg9 : memref<125x128xf32, #tpu.memory_space<vmem>>) offsets(%dma_start3A_225 : memref<125xi32, #tpu.memory_space<vmem>>) semaphore(%arg11 : memref<!tpu.dma_semaphore, #tpu.memory_space<semaphore_mem>>)
      %dma_wait3A_229 = arith.constant 0 : i32
      %dma_wait3A_230 = arith.constant 0 : i32
      %dma_wait3A_231 = arith.constant 0 : i32
      %dma_wait3A_232 = tpu.memref_slice %arg7[%dma_wait3A_229, %dma_wait3A_230, %dma_wait3A_231] : memref<2x8x125xi32, #tpu.memory_space<vmem>> -> memref<1x1x125xi32, #tpu.memory_space<vmem>>
      %dma_wait3A_233 = tpu.memref_squeeze %dma_wait3A_232 : memref<1x1x125xi32, #tpu.memory_space<vmem>> -> memref<125xi32, #tpu.memory_space<vmem>>
      %dma_wait3A_234 = arith.constant 0 : i32
      %dma_wait3A_235 = arith.constant 0 : i32
      %dma_wait3A_236 = tpu.memref_slice %arg2[%dma_wait3A_234, %dma_wait3A_235] : memref<10240x128xf32, #tpu.memory_space<hbm>> -> memref<10240x128xf32, #tpu.memory_space<hbm>>
      tpu.wait_indirect_dma semaphore(%arg12 : memref<!tpu.dma_semaphore, #tpu.memory_space<semaphore_mem>>) src(%dma_wait3A_236 : memref<10240x128xf32, #tpu.memory_space<hbm>>) dst(%arg10 : memref<125x128xf32, #tpu.memory_space<vmem>>)
      %dma_start3A_237 = arith.constant 3 : i32
      %dma_start3A_238 = arith.constant 0 : i32
      %dma_start3A_239 = tpu.memref_slice %arg8[%rem3A_119, %dma_start3A_237, %dma_start3A_238] : memref<2x8x125xi32, #tpu.memory_space<vmem>> -> memref<1x1x125xi32, #tpu.memory_space<vmem>>
      %dma_start3A_240 = tpu.memref_squeeze %dma_start3A_239 : memref<1x1x125xi32, #tpu.memory_space<vmem>> -> memref<125xi32, #tpu.memory_space<vmem>>
      %dma_start3A_241 = arith.constant 0 : i32
      %dma_start3A_242 = arith.constant 0 : i32
      %dma_start3A_243 = tpu.memref_slice %arg15[%dma_start3A_241, %dma_start3A_242] : memref<10240x128xf32, #tpu.memory_space<vmem_shared>> -> memref<10240x128xf32, #tpu.memory_space<vmem_shared>>
      tpu.enqueue_indirect_dma source(%arg10 : memref<125x128xf32, #tpu.memory_space<vmem>>) target(%dma_start3A_243 : memref<10240x128xf32, #tpu.memory_space<vmem_shared>>) offsets(%dma_start3A_240 : memref<125xi32, #tpu.memory_space<vmem>>) semaphore(%arg14 : memref<!tpu.dma_semaphore, #tpu.memory_space<semaphore_mem>>) {add = true}
      %dma_wait3A_244 = arith.constant 0 : i32
      %dma_wait3A_245 = arith.constant 0 : i32
      %dma_wait3A_246 = arith.constant 0 : i32
      %dma_wait3A_247 = tpu.memref_slice %arg8[%dma_wait3A_244, %dma_wait3A_245, %dma_wait3A_246] : memref<2x8x125xi32, #tpu.memory_space<vmem>> -> memref<1x1x125xi32, #tpu.memory_space<vmem>>
      %dma_wait3A_248 = tpu.memref_squeeze %dma_wait3A_247 : memref<1x1x125xi32, #tpu.memory_space<vmem>> -> memref<125xi32, #tpu.memory_space<vmem>>
      %dma_wait3A_249 = arith.constant 0 : i32
      %dma_wait3A_250 = arith.constant 0 : i32
      %dma_wait3A_251 = tpu.memref_slice %arg15[%dma_wait3A_249, %dma_wait3A_250] : memref<10240x128xf32, #tpu.memory_space<vmem_shared>> -> memref<10240x128xf32, #tpu.memory_space<vmem_shared>>
      tpu.wait_indirect_dma semaphore(%arg14 : memref<!tpu.dma_semaphore, #tpu.memory_space<semaphore_mem>>) src(%arg10 : memref<125x128xf32, #tpu.memory_space<vmem>>) dst(%dma_wait3A_251 : memref<10240x128xf32, #tpu.memory_space<vmem_shared>>)
      %dma_start3A_252 = arith.constant 5 : i32
      %dma_start3A_253 = arith.constant 0 : i32
      %dma_start3A_254 = tpu.memref_slice %arg7[%rem3A_119, %dma_start3A_252, %dma_start3A_253] : memref<2x8x125xi32, #tpu.memory_space<vmem>> -> memref<1x1x125xi32, #tpu.memory_space<vmem>>
      %dma_start3A_255 = tpu.memref_squeeze %dma_start3A_254 : memref<1x1x125xi32, #tpu.memory_space<vmem>> -> memref<125xi32, #tpu.memory_space<vmem>>
      %dma_start3A_256 = arith.constant 0 : i32
      %dma_start3A_257 = arith.constant 0 : i32
      %dma_start3A_258 = tpu.memref_slice %arg2[%dma_start3A_256, %dma_start3A_257] : memref<10240x128xf32, #tpu.memory_space<hbm>> -> memref<10240x128xf32, #tpu.memory_space<hbm>>
      tpu.enqueue_indirect_dma source(%dma_start3A_258 : memref<10240x128xf32, #tpu.memory_space<hbm>>) target(%arg10 : memref<125x128xf32, #tpu.memory_space<vmem>>) offsets(%dma_start3A_255 : memref<125xi32, #tpu.memory_space<vmem>>) semaphore(%arg12 : memref<!tpu.dma_semaphore, #tpu.memory_space<semaphore_mem>>)
      %dma_wait3A_259 = arith.constant 0 : i32
      %dma_wait3A_260 = arith.constant 0 : i32
      %dma_wait3A_261 = arith.constant 0 : i32
      %dma_wait3A_262 = tpu.memref_slice %arg7[%dma_wait3A_259, %dma_wait3A_260, %dma_wait3A_261] : memref<2x8x125xi32, #tpu.memory_space<vmem>> -> memref<1x1x125xi32, #tpu.memory_space<vmem>>
      %dma_wait3A_263 = tpu.memref_squeeze %dma_wait3A_262 : memref<1x1x125xi32, #tpu.memory_space<vmem>> -> memref<125xi32, #tpu.memory_space<vmem>>
      %dma_wait3A_264 = arith.constant 0 : i32
      %dma_wait3A_265 = arith.constant 0 : i32
      %dma_wait3A_266 = tpu.memref_slice %arg2[%dma_wait3A_264, %dma_wait3A_265] : memref<10240x128xf32, #tpu.memory_space<hbm>> -> memref<10240x128xf32, #tpu.memory_space<hbm>>
      tpu.wait_indirect_dma semaphore(%arg11 : memref<!tpu.dma_semaphore, #tpu.memory_space<semaphore_mem>>) src(%dma_wait3A_266 : memref<10240x128xf32, #tpu.memory_space<hbm>>) dst(%arg9 : memref<125x128xf32, #tpu.memory_space<vmem>>)
      %dma_start3A_267 = arith.constant 4 : i32
      %dma_start3A_268 = arith.constant 0 : i32
      %dma_start3A_269 = tpu.memref_slice %arg8[%rem3A_119, %dma_start3A_267, %dma_start3A_268] : memref<2x8x125xi32, #tpu.memory_space<vmem>> -> memref<1x1x125xi32, #tpu.memory_space<vmem>>
      %dma_start3A_270 = tpu.memref_squeeze %dma_start3A_269 : memref<1x1x125xi32, #tpu.memory_space<vmem>> -> memref<125xi32, #tpu.memory_space<vmem>>
      %dma_start3A_271 = arith.constant 0 : i32
      %dma_start3A_272 = arith.constant 0 : i32
      %dma_start3A_273 = tpu.memref_slice %arg15[%dma_start3A_271, %dma_start3A_272] : memref<10240x128xf32, #tpu.memory_space<vmem_shared>> -> memref<10240x128xf32, #tpu.memory_space<vmem_shared>>
      tpu.enqueue_indirect_dma source(%arg9 : memref<125x128xf32, #tpu.memory_space<vmem>>) target(%dma_start3A_273 : memref<10240x128xf32, #tpu.memory_space<vmem_shared>>) offsets(%dma_start3A_270 : memref<125xi32, #tpu.memory_space<vmem>>) semaphore(%arg13 : memref<!tpu.dma_semaphore, #tpu.memory_space<semaphore_mem>>) {add = true}
      %dma_wait3A_274 = arith.constant 0 : i32
      %dma_wait3A_275 = arith.constant 0 : i32
      %dma_wait3A_276 = arith.constant 0 : i32
      %dma_wait3A_277 = tpu.memref_slice %arg8[%dma_wait3A_274, %dma_wait3A_275, %dma_wait3A_276] : memref<2x8x125xi32, #tpu.memory_space<vmem>> -> memref<1x1x125xi32, #tpu.memory_space<vmem>>
      %dma_wait3A_278 = tpu.memref_squeeze %dma_wait3A_277 : memref<1x1x125xi32, #tpu.memory_space<vmem>> -> memref<125xi32, #tpu.memory_space<vmem>>
      %dma_wait3A_279 = arith.constant 0 : i32
      %dma_wait3A_280 = arith.constant 0 : i32
      %dma_wait3A_281 = tpu.memref_slice %arg15[%dma_wait3A_279, %dma_wait3A_280] : memref<10240x128xf32, #tpu.memory_space<vmem_shared>> -> memref<10240x128xf32, #tpu.memory_space<vmem_shared>>
      tpu.wait_indirect_dma semaphore(%arg13 : memref<!tpu.dma_semaphore, #tpu.memory_space<semaphore_mem>>) src(%arg9 : memref<125x128xf32, #tpu.memory_space<vmem>>) dst(%dma_wait3A_281 : memref<10240x128xf32, #tpu.memory_space<vmem_shared>>)
      %dma_start3A_282 = arith.constant 6 : i32
      %dma_start3A_283 = arith.constant 0 : i32
      %dma_start3A_284 = tpu.memref_slice %arg7[%rem3A_119, %dma_start3A_282, %dma_start3A_283] : memref<2x8x125xi32, #tpu.memory_space<vmem>> -> memref<1x1x125xi32, #tpu.memory_space<vmem>>
      %dma_start3A_285 = tpu.memref_squeeze %dma_start3A_284 : memref<1x1x125xi32, #tpu.memory_space<vmem>> -> memref<125xi32, #tpu.memory_space<vmem>>
      %dma_start3A_286 = arith.constant 0 : i32
      %dma_start3A_287 = arith.constant 0 : i32
      %dma_start3A_288 = tpu.memref_slice %arg2[%dma_start3A_286, %dma_start3A_287] : memref<10240x128xf32, #tpu.memory_space<hbm>> -> memref<10240x128xf32, #tpu.memory_space<hbm>>
      tpu.enqueue_indirect_dma source(%dma_start3A_288 : memref<10240x128xf32, #tpu.memory_space<hbm>>) target(%arg9 : memref<125x128xf32, #tpu.memory_space<vmem>>) offsets(%dma_start3A_285 : memref<125xi32, #tpu.memory_space<vmem>>) semaphore(%arg11 : memref<!tpu.dma_semaphore, #tpu.memory_space<semaphore_mem>>)
      %dma_wait3A_289 = arith.constant 0 : i32
      %dma_wait3A_290 = arith.constant 0 : i32
      %dma_wait3A_291 = arith.constant 0 : i32
      %dma_wait3A_292 = tpu.memref_slice %arg7[%dma_wait3A_289, %dma_wait3A_290, %dma_wait3A_291] : memref<2x8x125xi32, #tpu.memory_space<vmem>> -> memref<1x1x125xi32, #tpu.memory_space<vmem>>
      %dma_wait3A_293 = tpu.memref_squeeze %dma_wait3A_292 : memref<1x1x125xi32, #tpu.memory_space<vmem>> -> memref<125xi32, #tpu.memory_space<vmem>>
      %dma_wait3A_294 = arith.constant 0 : i32
      %dma_wait3A_295 = arith.constant 0 : i32
      %dma_wait3A_296 = tpu.memref_slice %arg2[%dma_wait3A_294, %dma_wait3A_295] : memref<10240x128xf32, #tpu.memory_space<hbm>> -> memref<10240x128xf32, #tpu.memory_space<hbm>>
      tpu.wait_indirect_dma semaphore(%arg12 : memref<!tpu.dma_semaphore, #tpu.memory_space<semaphore_mem>>) src(%dma_wait3A_296 : memref<10240x128xf32, #tpu.memory_space<hbm>>) dst(%arg10 : memref<125x128xf32, #tpu.memory_space<vmem>>)
      %dma_start3A_297 = arith.constant 5 : i32
      %dma_start3A_298 = arith.constant 0 : i32
      %dma_start3A_299 = tpu.memref_slice %arg8[%rem3A_119, %dma_start3A_297, %dma_start3A_298] : memref<2x8x125xi32, #tpu.memory_space<vmem>> -> memref<1x1x125xi32, #tpu.memory_space<vmem>>
      %dma_start3A_300 = tpu.memref_squeeze %dma_start3A_299 : memref<1x1x125xi32, #tpu.memory_space<vmem>> -> memref<125xi32, #tpu.memory_space<vmem>>
      %dma_start3A_301 = arith.constant 0 : i32
      %dma_start3A_302 = arith.constant 0 : i32
      %dma_start3A_303 = tpu.memref_slice %arg15[%dma_start3A_301, %dma_start3A_302] : memref<10240x128xf32, #tpu.memory_space<vmem_shared>> -> memref<10240x128xf32, #tpu.memory_space<vmem_shared>>
      tpu.enqueue_indirect_dma source(%arg10 : memref<125x128xf32, #tpu.memory_space<vmem>>) target(%dma_start3A_303 : memref<10240x128xf32, #tpu.memory_space<vmem_shared>>) offsets(%dma_start3A_300 : memref<125xi32, #tpu.memory_space<vmem>>) semaphore(%arg14 : memref<!tpu.dma_semaphore, #tpu.memory_space<semaphore_mem>>) {add = true}
      %dma_wait3A_304 = arith.constant 0 : i32
      %dma_wait3A_305 = arith.constant 0 : i32
      %dma_wait3A_306 = arith.constant 0 : i32
      %dma_wait3A_307 = tpu.memref_slice %arg8[%dma_wait3A_304, %dma_wait3A_305, %dma_wait3A_306] : memref<2x8x125xi32, #tpu.memory_space<vmem>> -> memref<1x1x125xi32, #tpu.memory_space<vmem>>
      %dma_wait3A_308 = tpu.memref_squeeze %dma_wait3A_307 : memref<1x1x125xi32, #tpu.memory_space<vmem>> -> memref<125xi32, #tpu.memory_space<vmem>>
      %dma_wait3A_309 = arith.constant 0 : i32
      %dma_wait3A_310 = arith.constant 0 : i32
      %dma_wait3A_311 = tpu.memref_slice %arg15[%dma_wait3A_309, %dma_wait3A_310] : memref<10240x128xf32, #tpu.memory_space<vmem_shared>> -> memref<10240x128xf32, #tpu.memory_space<vmem_shared>>
      tpu.wait_indirect_dma semaphore(%arg14 : memref<!tpu.dma_semaphore, #tpu.memory_space<semaphore_mem>>) src(%arg10 : memref<125x128xf32, #tpu.memory_space<vmem>>) dst(%dma_wait3A_311 : memref<10240x128xf32, #tpu.memory_space<vmem_shared>>)
      %dma_start3A_312 = arith.constant 7 : i32
      %dma_start3A_313 = arith.constant 0 : i32
      %dma_start3A_314 = tpu.memref_slice %arg7[%rem3A_119, %dma_start3A_312, %dma_start3A_313] : memref<2x8x125xi32, #tpu.memory_space<vmem>> -> memref<1x1x125xi32, #tpu.memory_space<vmem>>
      %dma_start3A_315 = tpu.memref_squeeze %dma_start3A_314 : memref<1x1x125xi32, #tpu.memory_space<vmem>> -> memref<125xi32, #tpu.memory_space<vmem>>
      %dma_start3A_316 = arith.constant 0 : i32
      %dma_start3A_317 = arith.constant 0 : i32
      %dma_start3A_318 = tpu.memref_slice %arg2[%dma_start3A_316, %dma_start3A_317] : memref<10240x128xf32, #tpu.memory_space<hbm>> -> memref<10240x128xf32, #tpu.memory_space<hbm>>
      tpu.enqueue_indirect_dma source(%dma_start3A_318 : memref<10240x128xf32, #tpu.memory_space<hbm>>) target(%arg10 : memref<125x128xf32, #tpu.memory_space<vmem>>) offsets(%dma_start3A_315 : memref<125xi32, #tpu.memory_space<vmem>>) semaphore(%arg12 : memref<!tpu.dma_semaphore, #tpu.memory_space<semaphore_mem>>)
      %dma_wait3A_319 = arith.constant 0 : i32
      %dma_wait3A_320 = arith.constant 0 : i32
      %dma_wait3A_321 = arith.constant 0 : i32
      %dma_wait3A_322 = tpu.memref_slice %arg7[%dma_wait3A_319, %dma_wait3A_320, %dma_wait3A_321] : memref<2x8x125xi32, #tpu.memory_space<vmem>> -> memref<1x1x125xi32, #tpu.memory_space<vmem>>
      %dma_wait3A_323 = tpu.memref_squeeze %dma_wait3A_322 : memref<1x1x125xi32, #tpu.memory_space<vmem>> -> memref<125xi32, #tpu.memory_space<vmem>>
      %dma_wait3A_324 = arith.constant 0 : i32
      %dma_wait3A_325 = arith.constant 0 : i32
      %dma_wait3A_326 = tpu.memref_slice %arg2[%dma_wait3A_324, %dma_wait3A_325] : memref<10240x128xf32, #tpu.memory_space<hbm>> -> memref<10240x128xf32, #tpu.memory_space<hbm>>
      tpu.wait_indirect_dma semaphore(%arg11 : memref<!tpu.dma_semaphore, #tpu.memory_space<semaphore_mem>>) src(%dma_wait3A_326 : memref<10240x128xf32, #tpu.memory_space<hbm>>) dst(%arg9 : memref<125x128xf32, #tpu.memory_space<vmem>>)
      %dma_start3A_327 = arith.constant 6 : i32
      %dma_start3A_328 = arith.constant 0 : i32
      %dma_start3A_329 = tpu.memref_slice %arg8[%rem3A_119, %dma_start3A_327, %dma_start3A_328] : memref<2x8x125xi32, #tpu.memory_space<vmem>> -> memref<1x1x125xi32, #tpu.memory_space<vmem>>
      %dma_start3A_330 = tpu.memref_squeeze %dma_start3A_329 : memref<1x1x125xi32, #tpu.memory_space<vmem>> -> memref<125xi32, #tpu.memory_space<vmem>>
      %dma_start3A_331 = arith.constant 0 : i32
      %dma_start3A_332 = arith.constant 0 : i32
      %dma_start3A_333 = tpu.memref_slice %arg15[%dma_start3A_331, %dma_start3A_332] : memref<10240x128xf32, #tpu.memory_space<vmem_shared>> -> memref<10240x128xf32, #tpu.memory_space<vmem_shared>>
      tpu.enqueue_indirect_dma source(%arg9 : memref<125x128xf32, #tpu.memory_space<vmem>>) target(%dma_start3A_333 : memref<10240x128xf32, #tpu.memory_space<vmem_shared>>) offsets(%dma_start3A_330 : memref<125xi32, #tpu.memory_space<vmem>>) semaphore(%arg13 : memref<!tpu.dma_semaphore, #tpu.memory_space<semaphore_mem>>) {add = true}
      %dma_wait3A_334 = arith.constant 0 : i32
      %dma_wait3A_335 = arith.constant 0 : i32
      %dma_wait3A_336 = arith.constant 0 : i32
      %dma_wait3A_337 = tpu.memref_slice %arg8[%dma_wait3A_334, %dma_wait3A_335, %dma_wait3A_336] : memref<2x8x125xi32, #tpu.memory_space<vmem>> -> memref<1x1x125xi32, #tpu.memory_space<vmem>>
      %dma_wait3A_338 = tpu.memref_squeeze %dma_wait3A_337 : memref<1x1x125xi32, #tpu.memory_space<vmem>> -> memref<125xi32, #tpu.memory_space<vmem>>
      %dma_wait3A_339 = arith.constant 0 : i32
      %dma_wait3A_340 = arith.constant 0 : i32
      %dma_wait3A_341 = tpu.memref_slice %arg15[%dma_wait3A_339, %dma_wait3A_340] : memref<10240x128xf32, #tpu.memory_space<vmem_shared>> -> memref<10240x128xf32, #tpu.memory_space<vmem_shared>>
      tpu.wait_indirect_dma semaphore(%arg13 : memref<!tpu.dma_semaphore, #tpu.memory_space<semaphore_mem>>) src(%arg9 : memref<125x128xf32, #tpu.memory_space<vmem>>) dst(%dma_wait3A_341 : memref<10240x128xf32, #tpu.memory_space<vmem_shared>>)
      %dma_start3A_342 = arith.constant 0 : i32
      %dma_start3A_343 = arith.constant 0 : i32
      %dma_start3A_344 = tpu.memref_slice %arg7[%rem3A_123, %dma_start3A_342, %dma_start3A_343] : memref<2x8x125xi32, #tpu.memory_space<vmem>> -> memref<1x1x125xi32, #tpu.memory_space<vmem>>
      %dma_start3A_345 = tpu.memref_squeeze %dma_start3A_344 : memref<1x1x125xi32, #tpu.memory_space<vmem>> -> memref<125xi32, #tpu.memory_space<vmem>>
      %dma_start3A_346 = arith.constant 0 : i32
      %dma_start3A_347 = arith.constant 0 : i32
      %dma_start3A_348 = tpu.memref_slice %arg2[%dma_start3A_346, %dma_start3A_347] : memref<10240x128xf32, #tpu.memory_space<hbm>> -> memref<10240x128xf32, #tpu.memory_space<hbm>>
      tpu.enqueue_indirect_dma source(%dma_start3A_348 : memref<10240x128xf32, #tpu.memory_space<hbm>>) target(%arg9 : memref<125x128xf32, #tpu.memory_space<vmem>>) offsets(%dma_start3A_345 : memref<125xi32, #tpu.memory_space<vmem>>) semaphore(%arg11 : memref<!tpu.dma_semaphore, #tpu.memory_space<semaphore_mem>>)
      %dma_wait3A_349 = arith.constant 0 : i32
      %dma_wait3A_350 = arith.constant 0 : i32
      %dma_wait3A_351 = arith.constant 0 : i32
      %dma_wait3A_352 = tpu.memref_slice %arg7[%dma_wait3A_349, %dma_wait3A_350, %dma_wait3A_351] : memref<2x8x125xi32, #tpu.memory_space<vmem>> -> memref<1x1x125xi32, #tpu.memory_space<vmem>>
      %dma_wait3A_353 = tpu.memref_squeeze %dma_wait3A_352 : memref<1x1x125xi32, #tpu.memory_space<vmem>> -> memref<125xi32, #tpu.memory_space<vmem>>
      %dma_wait3A_354 = arith.constant 0 : i32
      %dma_wait3A_355 = arith.constant 0 : i32
      %dma_wait3A_356 = tpu.memref_slice %arg2[%dma_wait3A_354, %dma_wait3A_355] : memref<10240x128xf32, #tpu.memory_space<hbm>> -> memref<10240x128xf32, #tpu.memory_space<hbm>>
      tpu.wait_indirect_dma semaphore(%arg12 : memref<!tpu.dma_semaphore, #tpu.memory_space<semaphore_mem>>) src(%dma_wait3A_356 : memref<10240x128xf32, #tpu.memory_space<hbm>>) dst(%arg10 : memref<125x128xf32, #tpu.memory_space<vmem>>)
      %dma_start3A_357 = arith.constant 7 : i32
      %dma_start3A_358 = arith.constant 0 : i32
      %dma_start3A_359 = tpu.memref_slice %arg8[%rem3A_119, %dma_start3A_357, %dma_start3A_358] : memref<2x8x125xi32, #tpu.memory_space<vmem>> -> memref<1x1x125xi32, #tpu.memory_space<vmem>>
      %dma_start3A_360 = tpu.memref_squeeze %dma_start3A_359 : memref<1x1x125xi32, #tpu.memory_space<vmem>> -> memref<125xi32, #tpu.memory_space<vmem>>
      %dma_start3A_361 = arith.constant 0 : i32
      %dma_start3A_362 = arith.constant 0 : i32
      %dma_start3A_363 = tpu.memref_slice %arg15[%dma_start3A_361, %dma_start3A_362] : memref<10240x128xf32, #tpu.memory_space<vmem_shared>> -> memref<10240x128xf32, #tpu.memory_space<vmem_shared>>
      tpu.enqueue_indirect_dma source(%arg10 : memref<125x128xf32, #tpu.memory_space<vmem>>) target(%dma_start3A_363 : memref<10240x128xf32, #tpu.memory_space<vmem_shared>>) offsets(%dma_start3A_360 : memref<125xi32, #tpu.memory_space<vmem>>) semaphore(%arg14 : memref<!tpu.dma_semaphore, #tpu.memory_space<semaphore_mem>>) {add = true}
      %add3A_364 = arith.constant 2 : i32
      %add3A_365 = arith.addi %scan3A_118, %add3A_364 : i32
      %lt3A_366 = arith.constant 10 : i32
      %lt3A_367 = arith.cmpi slt, %add3A_365, %lt3A_366 : i32
      %convert_element_type3A_368 = arith.extui %lt3A_367 : i1 to i32
      %cond3A_369 = arith.constant 0 : i32
      %cond3A_370 = arith.cmpi ne, %convert_element_type3A_368, %cond3A_369 : i32
      scf.if %cond3A_370 {
        %add3A_371 = arith.constant 2 : i32
        %add3A_372 = arith.addi %scan3A_118, %add3A_371 : i32
        %mul3A_373 = arith.constant 8 : i32
        %mul3A_374 = arith.muli %add3A_372, %mul3A_373 : i32
        %add3A_375 = arith.addi %multiple_of3A, %mul3A_374 : i32
        %multiple_of3A_376 = tpu.assume_multiple %add3A_375, 8 : i32
        %dma_start3A_377 = arith.constant 0 : i32
        %dma_start3A_378 = arith.constant 0 : i32
        %dma_start3A_379 = tpu.memref_slice %arg7[%rem3A_119, %dma_start3A_377, %dma_start3A_378] : memref<2x8x125xi32, #tpu.memory_space<vmem>> -> memref<1x8x125xi32, #tpu.memory_space<vmem>>
        %dma_start3A_380 = tpu.memref_squeeze %dma_start3A_379 : memref<1x8x125xi32, #tpu.memory_space<vmem>> -> memref<8x125xi32, #tpu.memory_space<vmem>>
        %dma_start3A_381 = arith.constant 0 : i32
        %dma_start3A_382 = tpu.memref_slice %arg3[%multiple_of3A_376, %dma_start3A_381] : memref<2560x125xi32, #tpu.memory_space<hbm>> -> memref<8x125xi32, #tpu.memory_space<hbm>>
        %dma_start3A_383 = arith.constant 0 : i32
        %dma_start3A_384 = arith.constant 0 : i32
        %dma_start3A_385 = tpu.memref_slice %arg7[%rem3A_119, %dma_start3A_383, %dma_start3A_384] : memref<2x8x125xi32, #tpu.memory_space<vmem>> -> memref<1x8x125xi32, #tpu.memory_space<vmem>>
        %dma_start3A_386 = tpu.memref_squeeze %dma_start3A_385 : memref<1x8x125xi32, #tpu.memory_space<vmem>> -> memref<8x125xi32, #tpu.memory_space<vmem>>
        %dma_start3A_387 = arith.constant 0 : i32
        %dma_start3A_388 = tpu.memref_slice %arg3[%multiple_of3A_376, %dma_start3A_387] : memref<2560x125xi32, #tpu.memory_space<hbm>> -> memref<8x125xi32, #tpu.memory_space<hbm>>
        tpu.enqueue_dma source(%dma_start3A_388 : memref<8x125xi32, #tpu.memory_space<hbm>>) target(%dma_start3A_386 : memref<8x125xi32, #tpu.memory_space<vmem>>) target_semaphore(%arg16 : memref<!tpu.dma_semaphore, #tpu.memory_space<semaphore_mem>>)
        %dma_start3A_389 = arith.constant 0 : i32
        %dma_start3A_390 = arith.constant 0 : i32
        %dma_start3A_391 = tpu.memref_slice %arg8[%rem3A_119, %dma_start3A_389, %dma_start3A_390] : memref<2x8x125xi32, #tpu.memory_space<vmem>> -> memref<1x8x125xi32, #tpu.memory_space<vmem>>
        %dma_start3A_392 = tpu.memref_squeeze %dma_start3A_391 : memref<1x8x125xi32, #tpu.memory_space<vmem>> -> memref<8x125xi32, #tpu.memory_space<vmem>>
        %dma_start3A_393 = arith.constant 0 : i32
        %dma_start3A_394 = tpu.memref_slice %arg4[%multiple_of3A_376, %dma_start3A_393] : memref<2560x125xi32, #tpu.memory_space<hbm>> -> memref<8x125xi32, #tpu.memory_space<hbm>>
        %dma_start3A_395 = arith.constant 0 : i32
        %dma_start3A_396 = arith.constant 0 : i32
        %dma_start3A_397 = tpu.memref_slice %arg8[%rem3A_119, %dma_start3A_395, %dma_start3A_396] : memref<2x8x125xi32, #tpu.memory_space<vmem>> -> memref<1x8x125xi32, #tpu.memory_space<vmem>>
        %dma_start3A_398 = tpu.memref_squeeze %dma_start3A_397 : memref<1x8x125xi32, #tpu.memory_space<vmem>> -> memref<8x125xi32, #tpu.memory_space<vmem>>
        %dma_start3A_399 = arith.constant 0 : i32
        %dma_start3A_400 = tpu.memref_slice %arg4[%multiple_of3A_376, %dma_start3A_399] : memref<2560x125xi32, #tpu.memory_space<hbm>> -> memref<8x125xi32, #tpu.memory_space<hbm>>
        tpu.enqueue_dma source(%dma_start3A_400 : memref<8x125xi32, #tpu.memory_space<hbm>>) target(%dma_start3A_398 : memref<8x125xi32, #tpu.memory_space<vmem>>) target_semaphore(%arg16 : memref<!tpu.dma_semaphore, #tpu.memory_space<semaphore_mem>>)
      } else {
      }
    }
    %scan3A_100 = arith.constant 10 : i32
    %dma_wait3A_101 = arith.constant 0 : i32
    %dma_wait3A_102 = arith.constant 0 : i32
    %dma_wait3A_103 = arith.constant 0 : i32
    %dma_wait3A_104 = tpu.memref_slice %arg8[%dma_wait3A_101, %dma_wait3A_102, %dma_wait3A_103] : memref<2x8x125xi32, #tpu.memory_space<vmem>> -> memref<1x1x125xi32, #tpu.memory_space<vmem>>
    %dma_wait3A_105 = tpu.memref_squeeze %dma_wait3A_104 : memref<1x1x125xi32, #tpu.memory_space<vmem>> -> memref<125xi32, #tpu.memory_space<vmem>>
    %dma_wait3A_106 = arith.constant 0 : i32
    %dma_wait3A_107 = arith.constant 0 : i32
    %dma_wait3A_108 = tpu.memref_slice %arg15[%dma_wait3A_106, %dma_wait3A_107] : memref<10240x128xf32, #tpu.memory_space<vmem_shared>> -> memref<10240x128xf32, #tpu.memory_space<vmem_shared>>
    tpu.wait_indirect_dma semaphore(%arg14 : memref<!tpu.dma_semaphore, #tpu.memory_space<semaphore_mem>>) src(%arg10 : memref<125x128xf32, #tpu.memory_space<vmem>>) dst(%dma_wait3A_108 : memref<10240x128xf32, #tpu.memory_space<vmem_shared>>)
    %dma_wait3A_109 = arith.constant 0 : i32
    %dma_wait3A_110 = arith.constant 0 : i32
    %dma_wait3A_111 = arith.constant 0 : i32
    %dma_wait3A_112 = tpu.memref_slice %arg7[%dma_wait3A_109, %dma_wait3A_110, %dma_wait3A_111] : memref<2x8x125xi32, #tpu.memory_space<vmem>> -> memref<1x1x125xi32, #tpu.memory_space<vmem>>
    %dma_wait3A_113 = tpu.memref_squeeze %dma_wait3A_112 : memref<1x1x125xi32, #tpu.memory_space<vmem>> -> memref<125xi32, #tpu.memory_space<vmem>>
    %dma_wait3A_114 = arith.constant 0 : i32
    %dma_wait3A_115 = arith.constant 0 : i32
    %dma_wait3A_116 = tpu.memref_slice %arg2[%dma_wait3A_114, %dma_wait3A_115] : memref<10240x128xf32, #tpu.memory_space<hbm>> -> memref<10240x128xf32, #tpu.memory_space<hbm>>
    tpu.wait_indirect_dma semaphore(%arg11 : memref<!tpu.dma_semaphore, #tpu.memory_space<semaphore_mem>>) src(%dma_wait3A_116 : memref<10240x128xf32, #tpu.memory_space<hbm>>) dst(%arg9 : memref<125x128xf32, #tpu.memory_space<vmem>>)
    %barrier3A_117 = arith.constant 0 : index
    tpu.barrier barrier_id(%barrier3A_117)
    "tpu.region"() ({
      %run_scoped3A = tpu.sem_alloc : memref<!tpu.dma_semaphore, #tpu.memory_space<semaphore_mem>>
      %dma_start3A_118 = arith.constant 0 : i32
      %dma_start3A_119 = tpu.memref_slice %arg6[%arg0, %multiple_of3A_5, %dma_start3A_118] : memref<2x10240x128xf32, #tpu.memory_space<hbm>> -> memref<1x640x128xf32, #tpu.memory_space<hbm>>
      %dma_start3A_120 = tpu.memref_squeeze %dma_start3A_119 : memref<1x640x128xf32, #tpu.memory_space<hbm>> -> memref<640x128xf32, #tpu.memory_space<hbm>>
      %dma_start3A_121 = arith.constant 0 : i32
      %dma_start3A_122 = tpu.memref_slice %arg15[%multiple_of3A_5, %dma_start3A_121] : memref<10240x128xf32, #tpu.memory_space<vmem_shared>> -> memref<640x128xf32, #tpu.memory_space<vmem_shared>>
      tpu.enqueue_dma source(%dma_start3A_122 : memref<640x128xf32, #tpu.memory_space<vmem_shared>>) target(%dma_start3A_120 : memref<640x128xf32, #tpu.memory_space<hbm>>) target_semaphore(%run_scoped3A : memref<!tpu.dma_semaphore, #tpu.memory_space<semaphore_mem>>)
      %dma_wait3A_123 = arith.constant 0 : i32
      %dma_wait3A_124 = tpu.memref_slice %arg6[%arg0, %multiple_of3A_5, %dma_wait3A_123] : memref<2x10240x128xf32, #tpu.memory_space<hbm>> -> memref<1x640x128xf32, #tpu.memory_space<hbm>>
      %dma_wait3A_125 = tpu.memref_squeeze %dma_wait3A_124 : memref<1x640x128xf32, #tpu.memory_space<hbm>> -> memref<640x128xf32, #tpu.memory_space<hbm>>
      %dma_wait3A_126 = arith.constant 0 : i32
      %dma_wait3A_127 = tpu.memref_slice %arg15[%multiple_of3A_5, %dma_wait3A_126] : memref<10240x128xf32, #tpu.memory_space<vmem_shared>> -> memref<640x128xf32, #tpu.memory_space<vmem_shared>>
      tpu.wait_dma2 semaphore(%run_scoped3A : memref<!tpu.dma_semaphore, #tpu.memory_space<semaphore_mem>>) src(%dma_wait3A_127 : memref<640x128xf32, #tpu.memory_space<vmem_shared>>) dst(%dma_wait3A_125 : memref<640x128xf32, #tpu.memory_space<hbm>>)
      tpu.yield
    }) : () -> ()
    return
  }
}

#map = affine_map<(d0, d1) -> (0)>
#map1 = affine_map<(d0, d1) -> (0, 0)>
#map2 = affine_map<(d0, d1) -> (0, 0, 0)>
module attributes {stable_mosaic.version = 14 : i64} {
  func.func @_sc_degree(%arg0: i32, %arg1: i32, %arg2: memref<320000xi32, #tpu.memory_space<hbm>>, %arg3: memref<1x80xi32, #tpu.memory_space<hbm>>, %arg4: memref<10240x128xf32, #tpu.memory_space<hbm>>, %arg5: memref<2x80x128xf32, #tpu.memory_space<hbm>>, %arg6: memref<10000xi32, #tpu.memory_space<vmem>>, %arg7: memref<80x128xf32, #tpu.memory_space<vmem>>, %arg8: memref<1x80xi32, #tpu.memory_space<vmem>>, %arg9: memref<80x128xf32, #tpu.memory_space<vmem_shared>>) attributes {dimension_semantics = [#tpu.dimension_semantics<core_parallel>, #tpu.dimension_semantics<subcore_parallel>], iteration_bounds = array<i64: 2, 16>, scalar_prefetch = 0 : i64, scratch_operands = 4 : i64, tpu.core_type = #tpu.core_type<sc_vector_subcore>, window_params = [{transform_indices = #map}, {transform_indices = #map1}, {transform_indices = #map1}, {transform_indices = #map2}]} {
    %mul3A = arith.constant 2 : i32
    %mul3A_0 = arith.muli %arg1, %mul3A : i32
    %add3A = arith.addi %mul3A_0, %arg0 : i32
    %mul3A_1 = arith.constant 10000 : i32
    %mul3A_2 = arith.muli %add3A, %mul3A_1 : i32
    %multiple_of3A = tpu.assume_multiple %mul3A_2, 8 : i32
    "tpu.region"() ({
      %run_scoped3A_19 = tpu.sem_alloc : memref<!tpu.dma_semaphore, #tpu.memory_space<semaphore_mem>>
      %dma_start3A = tpu.memref_slice %arg2[%multiple_of3A] : memref<320000xi32, #tpu.memory_space<hbm>> -> memref<10000xi32, #tpu.memory_space<hbm>>
      %dma_start3A_20 = tpu.memref_slice %arg2[%multiple_of3A] : memref<320000xi32, #tpu.memory_space<hbm>> -> memref<10000xi32, #tpu.memory_space<hbm>>
      tpu.enqueue_dma source(%dma_start3A_20 : memref<10000xi32, #tpu.memory_space<hbm>>) target(%arg6 : memref<10000xi32, #tpu.memory_space<vmem>>) target_semaphore(%run_scoped3A_19 : memref<!tpu.dma_semaphore, #tpu.memory_space<semaphore_mem>>)
      %dma_wait3A = tpu.memref_slice %arg2[%multiple_of3A] : memref<320000xi32, #tpu.memory_space<hbm>> -> memref<10000xi32, #tpu.memory_space<hbm>>
      %dma_wait3A_21 = tpu.memref_slice %arg2[%multiple_of3A] : memref<320000xi32, #tpu.memory_space<hbm>> -> memref<10000xi32, #tpu.memory_space<hbm>>
      tpu.wait_dma2 semaphore(%run_scoped3A_19 : memref<!tpu.dma_semaphore, #tpu.memory_space<semaphore_mem>>) src(%dma_wait3A_21 : memref<10000xi32, #tpu.memory_space<hbm>>) dst(%arg6 : memref<10000xi32, #tpu.memory_space<vmem>>)
      tpu.yield
    }) : () -> ()
    %mul3A_3 = arith.constant 640 : i32
    %mul3A_4 = arith.muli %arg1, %mul3A_3 : i32
    %multiple_of3A_5 = tpu.assume_multiple %mul3A_4, 8 : i32
    "tpu.region"() ({
      %run_scoped3A_19 = tpu.sem_alloc : memref<!tpu.dma_semaphore, #tpu.memory_space<semaphore_mem>>
      %dma_start3A = arith.constant 0 : i32
      %dma_start3A_20 = tpu.memref_slice %arg4[%multiple_of3A_5, %dma_start3A] : memref<10240x128xf32, #tpu.memory_space<hbm>> -> memref<80x128xf32, #tpu.memory_space<hbm>>
      %dma_start3A_21 = arith.constant 0 : i32
      %dma_start3A_22 = tpu.memref_slice %arg4[%multiple_of3A_5, %dma_start3A_21] : memref<10240x128xf32, #tpu.memory_space<hbm>> -> memref<80x128xf32, #tpu.memory_space<hbm>>
      tpu.enqueue_dma source(%dma_start3A_22 : memref<80x128xf32, #tpu.memory_space<hbm>>) target(%arg7 : memref<80x128xf32, #tpu.memory_space<vmem>>) target_semaphore(%run_scoped3A_19 : memref<!tpu.dma_semaphore, #tpu.memory_space<semaphore_mem>>)
      %dma_wait3A = arith.constant 0 : i32
      %dma_wait3A_23 = tpu.memref_slice %arg4[%multiple_of3A_5, %dma_wait3A] : memref<10240x128xf32, #tpu.memory_space<hbm>> -> memref<80x128xf32, #tpu.memory_space<hbm>>
      %dma_wait3A_24 = arith.constant 0 : i32
      %dma_wait3A_25 = tpu.memref_slice %arg4[%multiple_of3A_5, %dma_wait3A_24] : memref<10240x128xf32, #tpu.memory_space<hbm>> -> memref<80x128xf32, #tpu.memory_space<hbm>>
      tpu.wait_dma2 semaphore(%run_scoped3A_19 : memref<!tpu.dma_semaphore, #tpu.memory_space<semaphore_mem>>) src(%dma_wait3A_25 : memref<80x128xf32, #tpu.memory_space<hbm>>) dst(%arg7 : memref<80x128xf32, #tpu.memory_space<vmem>>)
      tpu.yield
    }) : () -> ()
    "tpu.region"() ({
      %run_scoped3A_19 = tpu.sem_alloc : memref<!tpu.dma_semaphore, #tpu.memory_space<semaphore_mem>>
      tpu.enqueue_dma source(%arg3 : memref<1x80xi32, #tpu.memory_space<hbm>>) target(%arg8 : memref<1x80xi32, #tpu.memory_space<vmem>>) target_semaphore(%run_scoped3A_19 : memref<!tpu.dma_semaphore, #tpu.memory_space<semaphore_mem>>)
      tpu.wait_dma2 semaphore(%run_scoped3A_19 : memref<!tpu.dma_semaphore, #tpu.memory_space<semaphore_mem>>) src(%arg3 : memref<1x80xi32, #tpu.memory_space<hbm>>) dst(%arg8 : memref<1x80xi32, #tpu.memory_space<vmem>>)
      tpu.yield
    }) : () -> ()
    %eq3A = arith.constant 0 : i32
    %eq3A_6 = arith.cmpi eq, %arg1, %eq3A : i32
    %convert_element_type3A = arith.extui %eq3A_6 : i1 to i32
    %cond3A = arith.constant 0 : i32
    %cond3A_7 = arith.cmpi ne, %convert_element_type3A, %cond3A : i32
    scf.if %cond3A_7 {
      "tpu.region"() ({
        %run_scoped3A_19 = tpu.sem_alloc : memref<!tpu.dma_semaphore, #tpu.memory_space<semaphore_mem>>
        %dma_start3A = arith.constant 0 : i32
        %dma_start3A_20 = arith.constant 0 : i32
        %dma_start3A_21 = tpu.memref_slice %arg4[%dma_start3A, %dma_start3A_20] : memref<10240x128xf32, #tpu.memory_space<hbm>> -> memref<80x128xf32, #tpu.memory_space<hbm>>
        tpu.enqueue_dma source(%dma_start3A_21 : memref<80x128xf32, #tpu.memory_space<hbm>>) target(%arg9 : memref<80x128xf32, #tpu.memory_space<vmem_shared>>) target_semaphore(%run_scoped3A_19 : memref<!tpu.dma_semaphore, #tpu.memory_space<semaphore_mem>>)
        %dma_wait3A = arith.constant 0 : i32
        %dma_wait3A_22 = arith.constant 0 : i32
        %dma_wait3A_23 = tpu.memref_slice %arg4[%dma_wait3A, %dma_wait3A_22] : memref<10240x128xf32, #tpu.memory_space<hbm>> -> memref<80x128xf32, #tpu.memory_space<hbm>>
        tpu.wait_dma2 semaphore(%run_scoped3A_19 : memref<!tpu.dma_semaphore, #tpu.memory_space<semaphore_mem>>) src(%dma_wait3A_23 : memref<80x128xf32, #tpu.memory_space<hbm>>) dst(%arg9 : memref<80x128xf32, #tpu.memory_space<vmem_shared>>)
        tpu.yield
      }) : () -> ()
    } else {
    }
    %scan3A = arith.constant 0 : i32
    %scan3A_8 = arith.constant 0 : i32
    %scan3A_9 = arith.constant 625 : i32
    %scan3A_10 = arith.addi %scan3A_8, %scan3A_9 : i32
    %scan3A_11 = arith.constant 1 : i32
    scf.for %scan3A_19 = %scan3A_8 to %scan3A_10 step %scan3A_11  : i32 {
      %mul3A_20 = arith.constant 16 : i32
      %mul3A_21 = arith.muli %scan3A_19, %mul3A_20 : i32
      %get3A = arith.index_cast %mul3A_21 : i32 to index
      %get3A_22 = tpu.vector_load %arg6[%get3A] {strides = array<i32>} : memref<10000xi32, #tpu.memory_space<vmem>>, vector<16xi32>,
      %shift_right_arithmetic3A = arith.constant 7 : i32
      %shift_right_arithmetic3A_23 = vector.broadcast %shift_right_arithmetic3A : i32 to vector<16xi32>
      %shift_right_arithmetic3A_24 = arith.shrsi %get3A_22, %shift_right_arithmetic3A_23 : vector<16xi32>
      %and3A = arith.constant 127 : i32
      %and3A_25 = vector.broadcast %and3A : i32 to vector<16xi32>
      %and3A_26 = arith.andi %get3A_22, %and3A_25 : vector<16xi32>
      %broadcast_in_dim3A = arith.constant true
      %broadcast_in_dim3A_27 = vector.broadcast %broadcast_in_dim3A : i1 to vector<16xi1>
      %unique3A, %unique3A_28 = tpu.scan_count mask(%broadcast_in_dim3A_27 : vector<16xi1>) value(%get3A_22 : vector<16xi32>) : vector<16xi1>, vector<16xi32>
      %convert_element_type3A_29 = arith.sitofp %unique3A_28 : vector<16xi32> to vector<16xf32>
      tpu.vector_store_idx %arg7[%shift_right_arithmetic3A_24, %and3A_26], %convert_element_type3A_29 masked %unique3A {add = true} : memref<80x128xf32, #tpu.memory_space<vmem>>[vector<16xi32>, vector<16xi32>], vector<16xf32>, vector<16xi1>
    }
    %scan3A_12 = arith.constant 625 : i32
    %barrier3A = arith.constant 0 : index
    tpu.barrier barrier_id(%barrier3A)
    %run_scoped3A = arith.constant 0 : i32
    "tpu.region"() ({
      %run_scoped3A_19 = tpu.sem_alloc : memref<!tpu.dma_semaphore, #tpu.memory_space<semaphore_mem>>
      %dma_start3A = arith.constant 0 : i32
      %dma_start3A_20 = tpu.memref_slice %arg8[%run_scoped3A, %dma_start3A] : memref<1x80xi32, #tpu.memory_space<vmem>> -> memref<1x80xi32, #tpu.memory_space<vmem>>
      %dma_start3A_21 = tpu.memref_squeeze %dma_start3A_20 : memref<1x80xi32, #tpu.memory_space<vmem>> -> memref<80xi32, #tpu.memory_space<vmem>>
      %dma_start3A_22 = arith.constant 0 : i32
      %dma_start3A_23 = arith.constant 0 : i32
      %dma_start3A_24 = tpu.memref_slice %arg9[%dma_start3A_22, %dma_start3A_23] : memref<80x128xf32, #tpu.memory_space<vmem_shared>> -> memref<80x128xf32, #tpu.memory_space<vmem_shared>>
      tpu.enqueue_indirect_dma source(%arg7 : memref<80x128xf32, #tpu.memory_space<vmem>>) target(%dma_start3A_24 : memref<80x128xf32, #tpu.memory_space<vmem_shared>>) offsets(%dma_start3A_21 : memref<80xi32, #tpu.memory_space<vmem>>) semaphore(%run_scoped3A_19 : memref<!tpu.dma_semaphore, #tpu.memory_space<semaphore_mem>>) {add = true}
      %dma_wait3A = arith.constant 0 : i32
      %dma_wait3A_25 = tpu.memref_slice %arg8[%run_scoped3A, %dma_wait3A] : memref<1x80xi32, #tpu.memory_space<vmem>> -> memref<1x80xi32, #tpu.memory_space<vmem>>
      %dma_wait3A_26 = tpu.memref_squeeze %dma_wait3A_25 : memref<1x80xi32, #tpu.memory_space<vmem>> -> memref<80xi32, #tpu.memory_space<vmem>>
      %dma_wait3A_27 = arith.constant 0 : i32
      %dma_wait3A_28 = arith.constant 0 : i32
      %dma_wait3A_29 = tpu.memref_slice %arg9[%dma_wait3A_27, %dma_wait3A_28] : memref<80x128xf32, #tpu.memory_space<vmem_shared>> -> memref<80x128xf32, #tpu.memory_space<vmem_shared>>
      tpu.wait_indirect_dma semaphore(%run_scoped3A_19 : memref<!tpu.dma_semaphore, #tpu.memory_space<semaphore_mem>>) src(%arg7 : memref<80x128xf32, #tpu.memory_space<vmem>>) dst(%dma_wait3A_29 : memref<80x128xf32, #tpu.memory_space<vmem_shared>>)
      tpu.yield
    }) : () -> ()
    %barrier3A_13 = arith.constant 0 : index
    tpu.barrier barrier_id(%barrier3A_13)
    %eq3A_14 = arith.constant 0 : i32
    %eq3A_15 = arith.cmpi eq, %arg1, %eq3A_14 : i32
    %convert_element_type3A_16 = arith.extui %eq3A_15 : i1 to i32
    %cond3A_17 = arith.constant 0 : i32
    %cond3A_18 = arith.cmpi ne, %convert_element_type3A_16, %cond3A_17 : i32
    scf.if %cond3A_18 {
      "tpu.region"() ({
        %run_scoped3A_19 = tpu.sem_alloc : memref<!tpu.dma_semaphore, #tpu.memory_space<semaphore_mem>>
        %dma_start3A = arith.constant 0 : i32
        %dma_start3A_20 = arith.constant 0 : i32
        %dma_start3A_21 = tpu.memref_slice %arg5[%arg0, %dma_start3A, %dma_start3A_20] : memref<2x80x128xf32, #tpu.memory_space<hbm>> -> memref<1x80x128xf32, #tpu.memory_space<hbm>>
        %dma_start3A_22 = tpu.memref_squeeze %dma_start3A_21 : memref<1x80x128xf32, #tpu.memory_space<hbm>> -> memref<80x128xf32, #tpu.memory_space<hbm>>
        tpu.enqueue_dma source(%arg9 : memref<80x128xf32, #tpu.memory_space<vmem_shared>>) target(%dma_start3A_22 : memref<80x128xf32, #tpu.memory_space<hbm>>) target_semaphore(%run_scoped3A_19 : memref<!tpu.dma_semaphore, #tpu.memory_space<semaphore_mem>>)
        %dma_wait3A = arith.constant 0 : i32
        %dma_wait3A_23 = arith.constant 0 : i32
        %dma_wait3A_24 = tpu.memref_slice %arg5[%arg0, %dma_wait3A, %dma_wait3A_23] : memref<2x80x128xf32, #tpu.memory_space<hbm>> -> memref<1x80x128xf32, #tpu.memory_space<hbm>>
        %dma_wait3A_25 = tpu.memref_squeeze %dma_wait3A_24 : memref<1x80x128xf32, #tpu.memory_space<hbm>> -> memref<80x128xf32, #tpu.memory_space<hbm>>
        tpu.wait_dma2 semaphore(%run_scoped3A_19 : memref<!tpu.dma_semaphore, #tpu.memory_space<semaphore_mem>>) src(%arg9 : memref<80x128xf32, #tpu.memory_space<vmem_shared>>) dst(%dma_wait3A_25 : memref<80x128xf32, #tpu.memory_space<hbm>>)
        tpu.yield
      }) : () -> ()
    } else {
    }
    return
  }
}

#map = affine_map<(d0, d1) -> (0, 0)>
#map1 = affine_map<(d0, d1) -> (0, 0, 0)>
module attributes {stable_mosaic.version = 14 : i64} {
  func.func @_sc_aggregate(%arg0: i32, %arg1: i32, %arg2: memref<10240x128xf32, #tpu.memory_space<hbm>>, %arg3: memref<2560x125xi32, #tpu.memory_space<hbm>>, %arg4: memref<2560x125xi32, #tpu.memory_space<hbm>>, %arg5: memref<10240x128xf32, #tpu.memory_space<hbm>>, %arg6: memref<2x10240x128xf32, #tpu.memory_space<hbm>>, %arg7: memref<2x8x125xi32, #tpu.memory_space<vmem>>, %arg8: memref<2x8x125xi32, #tpu.memory_space<vmem>>, %arg9: memref<125x128xf32, #tpu.memory_space<vmem>>, %arg10: memref<125x128xf32, #tpu.memory_space<vmem>>, %arg11: memref<!tpu.dma_semaphore, #tpu.memory_space<semaphore_mem>>, %arg12: memref<!tpu.dma_semaphore, #tpu.memory_space<semaphore_mem>>, %arg13: memref<!tpu.dma_semaphore, #tpu.memory_space<semaphore_mem>>, %arg14: memref<!tpu.dma_semaphore, #tpu.memory_space<semaphore_mem>>, %arg15: memref<10240x128xf32, #tpu.memory_space<vmem_shared>>, %arg16: memref<!tpu.dma_semaphore, #tpu.memory_space<semaphore_mem>>) attributes {dimension_semantics = [#tpu.dimension_semantics<core_parallel>, #tpu.dimension_semantics<subcore_parallel>], iteration_bounds = array<i64: 2, 16>, scalar_prefetch = 0 : i64, scratch_operands = 10 : i64, tpu.core_type = #tpu.core_type<sc_vector_subcore>, window_params = [{transform_indices = #map}, {transform_indices = #map}, {transform_indices = #map}, {transform_indices = #map}, {transform_indices = #map1}]} {
    %mul3A = arith.constant 2 : i32
    %mul3A_0 = arith.muli %arg1, %mul3A : i32
    %add3A = arith.addi %mul3A_0, %arg0 : i32
    %mul3A_1 = arith.constant 80 : i32
    %mul3A_2 = arith.muli %add3A, %mul3A_1 : i32
    %multiple_of3A = tpu.assume_multiple %mul3A_2, 8 : i32
    %mul3A_3 = arith.constant 640 : i32
    %mul3A_4 = arith.muli %arg1, %mul3A_3 : i32
    %multiple_of3A_5 = tpu.assume_multiple %mul3A_4, 8 : i32
    "tpu.region"() ({
      %run_scoped3A = tpu.sem_alloc : memref<!tpu.dma_semaphore, #tpu.memory_space<semaphore_mem>>
      %dma_start3A_118 = arith.constant 0 : i32
      %dma_start3A_119 = tpu.memref_slice %arg15[%multiple_of3A_5, %dma_start3A_118] : memref<10240x128xf32, #tpu.memory_space<vmem_shared>> -> memref<640x128xf32, #tpu.memory_space<vmem_shared>>
      %dma_start3A_120 = arith.constant 0 : i32
      %dma_start3A_121 = tpu.memref_slice %arg5[%multiple_of3A_5, %dma_start3A_120] : memref<10240x128xf32, #tpu.memory_space<hbm>> -> memref<640x128xf32, #tpu.memory_space<hbm>>
      tpu.enqueue_dma source(%dma_start3A_121 : memref<640x128xf32, #tpu.memory_space<hbm>>) target(%dma_start3A_119 : memref<640x128xf32, #tpu.memory_space<vmem_shared>>) target_semaphore(%run_scoped3A : memref<!tpu.dma_semaphore, #tpu.memory_space<semaphore_mem>>)
      %dma_wait3A_122 = arith.constant 0 : i32
      %dma_wait3A_123 = tpu.memref_slice %arg15[%multiple_of3A_5, %dma_wait3A_122] : memref<10240x128xf32, #tpu.memory_space<vmem_shared>> -> memref<640x128xf32, #tpu.memory_space<vmem_shared>>
      %dma_wait3A_124 = arith.constant 0 : i32
      %dma_wait3A_125 = tpu.memref_slice %arg5[%multiple_of3A_5, %dma_wait3A_124] : memref<10240x128xf32, #tpu.memory_space<hbm>> -> memref<640x128xf32, #tpu.memory_space<hbm>>
      tpu.wait_dma2 semaphore(%run_scoped3A : memref<!tpu.dma_semaphore, #tpu.memory_space<semaphore_mem>>) src(%dma_wait3A_125 : memref<640x128xf32, #tpu.memory_space<hbm>>) dst(%dma_wait3A_123 : memref<640x128xf32, #tpu.memory_space<vmem_shared>>)
      tpu.yield
    }) : () -> ()
    %add3A_6 = arith.constant 0 : i32
    %add3A_7 = arith.addi %multiple_of3A, %add3A_6 : i32
    %multiple_of3A_8 = tpu.assume_multiple %add3A_7, 8 : i32
    %dma_start3A = arith.constant 0 : i32
    %dma_start3A_9 = arith.constant 0 : i32
    %dma_start3A_10 = arith.constant 0 : i32
    %dma_start3A_11 = tpu.memref_slice %arg7[%dma_start3A, %dma_start3A_9, %dma_start3A_10] : memref<2x8x125xi32, #tpu.memory_space<vmem>> -> memref<1x8x125xi32, #tpu.memory_space<vmem>>
    %dma_start3A_12 = tpu.memref_squeeze %dma_start3A_11 : memref<1x8x125xi32, #tpu.memory_space<vmem>> -> memref<8x125xi32, #tpu.memory_space<vmem>>
    %dma_start3A_13 = arith.constant 0 : i32
    %dma_start3A_14 = tpu.memref_slice %arg3[%multiple_of3A_8, %dma_start3A_13] : memref<2560x125xi32, #tpu.memory_space<hbm>> -> memref<8x125xi32, #tpu.memory_space<hbm>>
    %dma_start3A_15 = arith.constant 0 : i32
    %dma_start3A_16 = arith.constant 0 : i32
    %dma_start3A_17 = tpu.memref_slice %arg7[%dma_start3A, %dma_start3A_15, %dma_start3A_16] : memref<2x8x125xi32, #tpu.memory_space<vmem>> -> memref<1x8x125xi32, #tpu.memory_space<vmem>>
    %dma_start3A_18 = tpu.memref_squeeze %dma_start3A_17 : memref<1x8x125xi32, #tpu.memory_space<vmem>> -> memref<8x125xi32, #tpu.memory_space<vmem>>
    %dma_start3A_19 = arith.constant 0 : i32
    %dma_start3A_20 = tpu.memref_slice %arg3[%multiple_of3A_8, %dma_start3A_19] : memref<2560x125xi32, #tpu.memory_space<hbm>> -> memref<8x125xi32, #tpu.memory_space<hbm>>
    tpu.enqueue_dma source(%dma_start3A_20 : memref<8x125xi32, #tpu.memory_space<hbm>>) target(%dma_start3A_18 : memref<8x125xi32, #tpu.memory_space<vmem>>) target_semaphore(%arg16 : memref<!tpu.dma_semaphore, #tpu.memory_space<semaphore_mem>>)
    %dma_start3A_21 = arith.constant 0 : i32
    %dma_start3A_22 = arith.constant 0 : i32
    %dma_start3A_23 = arith.constant 0 : i32
    %dma_start3A_24 = tpu.memref_slice %arg8[%dma_start3A_21, %dma_start3A_22, %dma_start3A_23] : memref<2x8x125xi32, #tpu.memory_space<vmem>> -> memref<1x8x125xi32, #tpu.memory_space<vmem>>
    %dma_start3A_25 = tpu.memref_squeeze %dma_start3A_24 : memref<1x8x125xi32, #tpu.memory_space<vmem>> -> memref<8x125xi32, #tpu.memory_space<vmem>>
    %dma_start3A_26 = arith.constant 0 : i32
    %dma_start3A_27 = tpu.memref_slice %arg4[%multiple_of3A_8, %dma_start3A_26] : memref<2560x125xi32, #tpu.memory_space<hbm>> -> memref<8x125xi32, #tpu.memory_space<hbm>>
    %dma_start3A_28 = arith.constant 0 : i32
    %dma_start3A_29 = arith.constant 0 : i32
    %dma_start3A_30 = tpu.memref_slice %arg8[%dma_start3A_21, %dma_start3A_28, %dma_start3A_29] : memref<2x8x125xi32, #tpu.memory_space<vmem>> -> memref<1x8x125xi32, #tpu.memory_space<vmem>>
    %dma_start3A_31 = tpu.memref_squeeze %dma_start3A_30 : memref<1x8x125xi32, #tpu.memory_space<vmem>> -> memref<8x125xi32, #tpu.memory_space<vmem>>
    %dma_start3A_32 = arith.constant 0 : i32
    %dma_start3A_33 = tpu.memref_slice %arg4[%multiple_of3A_8, %dma_start3A_32] : memref<2560x125xi32, #tpu.memory_space<hbm>> -> memref<8x125xi32, #tpu.memory_space<hbm>>
    tpu.enqueue_dma source(%dma_start3A_33 : memref<8x125xi32, #tpu.memory_space<hbm>>) target(%dma_start3A_31 : memref<8x125xi32, #tpu.memory_space<vmem>>) target_semaphore(%arg16 : memref<!tpu.dma_semaphore, #tpu.memory_space<semaphore_mem>>)
    %add3A_34 = arith.constant 8 : i32
    %add3A_35 = arith.addi %multiple_of3A, %add3A_34 : i32
    %multiple_of3A_36 = tpu.assume_multiple %add3A_35, 8 : i32
    %dma_start3A_37 = arith.constant 1 : i32
    %dma_start3A_38 = arith.constant 0 : i32
    %dma_start3A_39 = arith.constant 0 : i32
    %dma_start3A_40 = tpu.memref_slice %arg7[%dma_start3A_37, %dma_start3A_38, %dma_start3A_39] : memref<2x8x125xi32, #tpu.memory_space<vmem>> -> memref<1x8x125xi32, #tpu.memory_space<vmem>>
    %dma_start3A_41 = tpu.memref_squeeze %dma_start3A_40 : memref<1x8x125xi32, #tpu.memory_space<vmem>> -> memref<8x125xi32, #tpu.memory_space<vmem>>
    %dma_start3A_42 = arith.constant 0 : i32
    %dma_start3A_43 = tpu.memref_slice %arg3[%multiple_of3A_36, %dma_start3A_42] : memref<2560x125xi32, #tpu.memory_space<hbm>> -> memref<8x125xi32, #tpu.memory_space<hbm>>
    %dma_start3A_44 = arith.constant 0 : i32
    %dma_start3A_45 = arith.constant 0 : i32
    %dma_start3A_46 = tpu.memref_slice %arg7[%dma_start3A_37, %dma_start3A_44, %dma_start3A_45] : memref<2x8x125xi32, #tpu.memory_space<vmem>> -> memref<1x8x125xi32, #tpu.memory_space<vmem>>
    %dma_start3A_47 = tpu.memref_squeeze %dma_start3A_46 : memref<1x8x125xi32, #tpu.memory_space<vmem>> -> memref<8x125xi32, #tpu.memory_space<vmem>>
    %dma_start3A_48 = arith.constant 0 : i32
    %dma_start3A_49 = tpu.memref_slice %arg3[%multiple_of3A_36, %dma_start3A_48] : memref<2560x125xi32, #tpu.memory_space<hbm>> -> memref<8x125xi32, #tpu.memory_space<hbm>>
    tpu.enqueue_dma source(%dma_start3A_49 : memref<8x125xi32, #tpu.memory_space<hbm>>) target(%dma_start3A_47 : memref<8x125xi32, #tpu.memory_space<vmem>>) target_semaphore(%arg16 : memref<!tpu.dma_semaphore, #tpu.memory_space<semaphore_mem>>)
    %dma_start3A_50 = arith.constant 1 : i32
    %dma_start3A_51 = arith.constant 0 : i32
    %dma_start3A_52 = arith.constant 0 : i32
    %dma_start3A_53 = tpu.memref_slice %arg8[%dma_start3A_50, %dma_start3A_51, %dma_start3A_52] : memref<2x8x125xi32, #tpu.memory_space<vmem>> -> memref<1x8x125xi32, #tpu.memory_space<vmem>>
    %dma_start3A_54 = tpu.memref_squeeze %dma_start3A_53 : memref<1x8x125xi32, #tpu.memory_space<vmem>> -> memref<8x125xi32, #tpu.memory_space<vmem>>
    %dma_start3A_55 = arith.constant 0 : i32
    %dma_start3A_56 = tpu.memref_slice %arg4[%multiple_of3A_36, %dma_start3A_55] : memref<2560x125xi32, #tpu.memory_space<hbm>> -> memref<8x125xi32, #tpu.memory_space<hbm>>
    %dma_start3A_57 = arith.constant 0 : i32
    %dma_start3A_58 = arith.constant 0 : i32
    %dma_start3A_59 = tpu.memref_slice %arg8[%dma_start3A_50, %dma_start3A_57, %dma_start3A_58] : memref<2x8x125xi32, #tpu.memory_space<vmem>> -> memref<1x8x125xi32, #tpu.memory_space<vmem>>
    %dma_start3A_60 = tpu.memref_squeeze %dma_start3A_59 : memref<1x8x125xi32, #tpu.memory_space<vmem>> -> memref<8x125xi32, #tpu.memory_space<vmem>>
    %dma_start3A_61 = arith.constant 0 : i32
    %dma_start3A_62 = tpu.memref_slice %arg4[%multiple_of3A_36, %dma_start3A_61] : memref<2560x125xi32, #tpu.memory_space<hbm>> -> memref<8x125xi32, #tpu.memory_space<hbm>>
    tpu.enqueue_dma source(%dma_start3A_62 : memref<8x125xi32, #tpu.memory_space<hbm>>) target(%dma_start3A_60 : memref<8x125xi32, #tpu.memory_space<vmem>>) target_semaphore(%arg16 : memref<!tpu.dma_semaphore, #tpu.memory_space<semaphore_mem>>)
    %barrier3A = arith.constant 0 : index
    tpu.barrier barrier_id(%barrier3A)
    %dma_wait3A = arith.constant 0 : i32
    %dma_wait3A_63 = arith.constant 0 : i32
    %dma_wait3A_64 = arith.constant 0 : i32
    %dma_wait3A_65 = tpu.memref_slice %arg7[%dma_wait3A, %dma_wait3A_63, %dma_wait3A_64] : memref<2x8x125xi32, #tpu.memory_space<vmem>> -> memref<1x8x125xi32, #tpu.memory_space<vmem>>
    %dma_wait3A_66 = tpu.memref_squeeze %dma_wait3A_65 : memref<1x8x125xi32, #tpu.memory_space<vmem>> -> memref<8x125xi32, #tpu.memory_space<vmem>>
    %dma_wait3A_67 = arith.constant 0 : i32
    %dma_wait3A_68 = tpu.memref_slice %arg3[%multiple_of3A, %dma_wait3A_67] : memref<2560x125xi32, #tpu.memory_space<hbm>> -> memref<8x125xi32, #tpu.memory_space<hbm>>
    %dma_wait3A_69 = arith.constant 0 : i32
    %dma_wait3A_70 = arith.constant 0 : i32
    %dma_wait3A_71 = tpu.memref_slice %arg7[%dma_wait3A, %dma_wait3A_69, %dma_wait3A_70] : memref<2x8x125xi32, #tpu.memory_space<vmem>> -> memref<1x8x125xi32, #tpu.memory_space<vmem>>
    %dma_wait3A_72 = tpu.memref_squeeze %dma_wait3A_71 : memref<1x8x125xi32, #tpu.memory_space<vmem>> -> memref<8x125xi32, #tpu.memory_space<vmem>>
    %dma_wait3A_73 = arith.constant 0 : i32
    %dma_wait3A_74 = tpu.memref_slice %arg3[%multiple_of3A, %dma_wait3A_73] : memref<2560x125xi32, #tpu.memory_space<hbm>> -> memref<8x125xi32, #tpu.memory_space<hbm>>
    tpu.wait_dma2 semaphore(%arg16 : memref<!tpu.dma_semaphore, #tpu.memory_space<semaphore_mem>>) src(%dma_wait3A_74 : memref<8x125xi32, #tpu.memory_space<hbm>>) dst(%dma_wait3A_72 : memref<8x125xi32, #tpu.memory_space<vmem>>)
    %dma_wait3A_75 = arith.constant 0 : i32
    %dma_wait3A_76 = arith.constant 0 : i32
    %dma_wait3A_77 = arith.constant 0 : i32
    %dma_wait3A_78 = tpu.memref_slice %arg8[%dma_wait3A_75, %dma_wait3A_76, %dma_wait3A_77] : memref<2x8x125xi32, #tpu.memory_space<vmem>> -> memref<1x8x125xi32, #tpu.memory_space<vmem>>
    %dma_wait3A_79 = tpu.memref_squeeze %dma_wait3A_78 : memref<1x8x125xi32, #tpu.memory_space<vmem>> -> memref<8x125xi32, #tpu.memory_space<vmem>>
    %dma_wait3A_80 = arith.constant 0 : i32
    %dma_wait3A_81 = tpu.memref_slice %arg4[%multiple_of3A, %dma_wait3A_80] : memref<2560x125xi32, #tpu.memory_space<hbm>> -> memref<8x125xi32, #tpu.memory_space<hbm>>
    %dma_wait3A_82 = arith.constant 0 : i32
    %dma_wait3A_83 = arith.constant 0 : i32
    %dma_wait3A_84 = tpu.memref_slice %arg8[%dma_wait3A_75, %dma_wait3A_82, %dma_wait3A_83] : memref<2x8x125xi32, #tpu.memory_space<vmem>> -> memref<1x8x125xi32, #tpu.memory_space<vmem>>
    %dma_wait3A_85 = tpu.memref_squeeze %dma_wait3A_84 : memref<1x8x125xi32, #tpu.memory_space<vmem>> -> memref<8x125xi32, #tpu.memory_space<vmem>>
    %dma_wait3A_86 = arith.constant 0 : i32
    %dma_wait3A_87 = tpu.memref_slice %arg4[%multiple_of3A, %dma_wait3A_86] : memref<2560x125xi32, #tpu.memory_space<hbm>> -> memref<8x125xi32, #tpu.memory_space<hbm>>
    tpu.wait_dma2 semaphore(%arg16 : memref<!tpu.dma_semaphore, #tpu.memory_space<semaphore_mem>>) src(%dma_wait3A_87 : memref<8x125xi32, #tpu.memory_space<hbm>>) dst(%dma_wait3A_85 : memref<8x125xi32, #tpu.memory_space<vmem>>)
    %dma_start3A_88 = arith.constant 0 : i32
    %dma_start3A_89 = arith.constant 0 : i32
    %dma_start3A_90 = arith.constant 0 : i32
    %dma_start3A_91 = tpu.memref_slice %arg7[%dma_start3A_88, %dma_start3A_89, %dma_start3A_90] : memref<2x8x125xi32, #tpu.memory_space<vmem>> -> memref<1x1x125xi32, #tpu.memory_space<vmem>>
    %dma_start3A_92 = tpu.memref_squeeze %dma_start3A_91 : memref<1x1x125xi32, #tpu.memory_space<vmem>> -> memref<125xi32, #tpu.memory_space<vmem>>
    %dma_start3A_93 = arith.constant 0 : i32
    %dma_start3A_94 = arith.constant 0 : i32
    %dma_start3A_95 = tpu.memref_slice %arg2[%dma_start3A_93, %dma_start3A_94] : memref<10240x128xf32, #tpu.memory_space<hbm>> -> memref<10240x128xf32, #tpu.memory_space<hbm>>
    tpu.enqueue_indirect_dma source(%dma_start3A_95 : memref<10240x128xf32, #tpu.memory_space<hbm>>) target(%arg9 : memref<125x128xf32, #tpu.memory_space<vmem>>) offsets(%dma_start3A_92 : memref<125xi32, #tpu.memory_space<vmem>>) semaphore(%arg11 : memref<!tpu.dma_semaphore, #tpu.memory_space<semaphore_mem>>)
    %scan3A = arith.constant 0 : i32
    %scan3A_96 = arith.constant 0 : i32
    %scan3A_97 = arith.constant 10 : i32
    %scan3A_98 = arith.addi %scan3A_96, %scan3A_97 : i32
    %scan3A_99 = arith.constant 1 : i32
    scf.for %scan3A_118 = %scan3A_96 to %scan3A_98 step %scan3A_99  : i32 {
      %rem3A = arith.constant 2 : i32
      %rem3A_119 = arith.remsi %scan3A_118, %rem3A : i32
      %add3A_120 = arith.constant 1 : i32
      %add3A_121 = arith.addi %scan3A_118, %add3A_120 : i32
      %rem3A_122 = arith.constant 2 : i32
      %rem3A_123 = arith.remsi %add3A_121, %rem3A_122 : i32
      %add3A_124 = arith.constant 1 : i32
      %add3A_125 = arith.addi %scan3A_118, %add3A_124 : i32
      %lt3A = arith.constant 10 : i32
      %lt3A_126 = arith.cmpi slt, %add3A_125, %lt3A : i32
      %convert_element_type3A = arith.extui %lt3A_126 : i1 to i32
      %cond3A = arith.constant 0 : i32
      %cond3A_127 = arith.cmpi ne, %convert_element_type3A, %cond3A : i32
      scf.if %cond3A_127 {
        %dma_wait3A_371 = arith.constant 0 : i32
        %dma_wait3A_372 = arith.constant 0 : i32
        %dma_wait3A_373 = arith.constant 0 : i32
        %dma_wait3A_374 = tpu.memref_slice %arg7[%dma_wait3A_371, %dma_wait3A_372, %dma_wait3A_373] : memref<2x8x125xi32, #tpu.memory_space<vmem>> -> memref<1x8x125xi32, #tpu.memory_space<vmem>>
        %dma_wait3A_375 = tpu.memref_squeeze %dma_wait3A_374 : memref<1x8x125xi32, #tpu.memory_space<vmem>> -> memref<8x125xi32, #tpu.memory_space<vmem>>
        %dma_wait3A_376 = arith.constant 0 : i32
        %dma_wait3A_377 = tpu.memref_slice %arg3[%multiple_of3A, %dma_wait3A_376] : memref<2560x125xi32, #tpu.memory_space<hbm>> -> memref<8x125xi32, #tpu.memory_space<hbm>>
        %dma_wait3A_378 = arith.constant 0 : i32
        %dma_wait3A_379 = arith.constant 0 : i32
        %dma_wait3A_380 = tpu.memref_slice %arg7[%dma_wait3A_371, %dma_wait3A_378, %dma_wait3A_379] : memref<2x8x125xi32, #tpu.memory_space<vmem>> -> memref<1x8x125xi32, #tpu.memory_space<vmem>>
        %dma_wait3A_381 = tpu.memref_squeeze %dma_wait3A_380 : memref<1x8x125xi32, #tpu.memory_space<vmem>> -> memref<8x125xi32, #tpu.memory_space<vmem>>
        %dma_wait3A_382 = arith.constant 0 : i32
        %dma_wait3A_383 = tpu.memref_slice %arg3[%multiple_of3A, %dma_wait3A_382] : memref<2560x125xi32, #tpu.memory_space<hbm>> -> memref<8x125xi32, #tpu.memory_space<hbm>>
        tpu.wait_dma2 semaphore(%arg16 : memref<!tpu.dma_semaphore, #tpu.memory_space<semaphore_mem>>) src(%dma_wait3A_383 : memref<8x125xi32, #tpu.memory_space<hbm>>) dst(%dma_wait3A_381 : memref<8x125xi32, #tpu.memory_space<vmem>>)
        %dma_wait3A_384 = arith.constant 0 : i32
        %dma_wait3A_385 = arith.constant 0 : i32
        %dma_wait3A_386 = arith.constant 0 : i32
        %dma_wait3A_387 = tpu.memref_slice %arg8[%dma_wait3A_384, %dma_wait3A_385, %dma_wait3A_386] : memref<2x8x125xi32, #tpu.memory_space<vmem>> -> memref<1x8x125xi32, #tpu.memory_space<vmem>>
        %dma_wait3A_388 = tpu.memref_squeeze %dma_wait3A_387 : memref<1x8x125xi32, #tpu.memory_space<vmem>> -> memref<8x125xi32, #tpu.memory_space<vmem>>
        %dma_wait3A_389 = arith.constant 0 : i32
        %dma_wait3A_390 = tpu.memref_slice %arg4[%multiple_of3A, %dma_wait3A_389] : memref<2560x125xi32, #tpu.memory_space<hbm>> -> memref<8x125xi32, #tpu.memory_space<hbm>>
        %dma_wait3A_391 = arith.constant 0 : i32
        %dma_wait3A_392 = arith.constant 0 : i32
        %dma_wait3A_393 = tpu.memref_slice %arg8[%dma_wait3A_384, %dma_wait3A_391, %dma_wait3A_392] : memref<2x8x125xi32, #tpu.memory_space<vmem>> -> memref<1x8x125xi32, #tpu.memory_space<vmem>>
        %dma_wait3A_394 = tpu.memref_squeeze %dma_wait3A_393 : memref<1x8x125xi32, #tpu.memory_space<vmem>> -> memref<8x125xi32, #tpu.memory_space<vmem>>
        %dma_wait3A_395 = arith.constant 0 : i32
        %dma_wait3A_396 = tpu.memref_slice %arg4[%multiple_of3A, %dma_wait3A_395] : memref<2560x125xi32, #tpu.memory_space<hbm>> -> memref<8x125xi32, #tpu.memory_space<hbm>>
        tpu.wait_dma2 semaphore(%arg16 : memref<!tpu.dma_semaphore, #tpu.memory_space<semaphore_mem>>) src(%dma_wait3A_396 : memref<8x125xi32, #tpu.memory_space<hbm>>) dst(%dma_wait3A_394 : memref<8x125xi32, #tpu.memory_space<vmem>>)
      } else {
      }
      %gt3A = arith.constant 0 : i32
      %gt3A_128 = arith.cmpi sgt, %scan3A_118, %gt3A : i32
      %convert_element_type3A_129 = arith.extui %gt3A_128 : i1 to i32
      %cond3A_130 = arith.constant 0 : i32
      %cond3A_131 = arith.cmpi ne, %convert_element_type3A_129, %cond3A_130 : i32
      scf.if %cond3A_131 {
        %dma_wait3A_371 = arith.constant 0 : i32
        %dma_wait3A_372 = arith.constant 0 : i32
        %dma_wait3A_373 = arith.constant 0 : i32
        %dma_wait3A_374 = tpu.memref_slice %arg8[%dma_wait3A_371, %dma_wait3A_372, %dma_wait3A_373] : memref<2x8x125xi32, #tpu.memory_space<vmem>> -> memref<1x1x125xi32, #tpu.memory_space<vmem>>
        %dma_wait3A_375 = tpu.memref_squeeze %dma_wait3A_374 : memref<1x1x125xi32, #tpu.memory_space<vmem>> -> memref<125xi32, #tpu.memory_space<vmem>>
        %dma_wait3A_376 = arith.constant 0 : i32
        %dma_wait3A_377 = arith.constant 0 : i32
        %dma_wait3A_378 = tpu.memref_slice %arg15[%dma_wait3A_376, %dma_wait3A_377] : memref<10240x128xf32, #tpu.memory_space<vmem_shared>> -> memref<10240x128xf32, #tpu.memory_space<vmem_shared>>
        tpu.wait_indirect_dma semaphore(%arg14 : memref<!tpu.dma_semaphore, #tpu.memory_space<semaphore_mem>>) src(%arg10 : memref<125x128xf32, #tpu.memory_space<vmem>>) dst(%dma_wait3A_378 : memref<10240x128xf32, #tpu.memory_space<vmem_shared>>)
      } else {
      }
      %dma_start3A_132 = arith.constant 1 : i32
      %dma_start3A_133 = arith.constant 0 : i32
      %dma_start3A_134 = tpu.memref_slice %arg7[%rem3A_119, %dma_start3A_132, %dma_start3A_133] : memref<2x8x125xi32, #tpu.memory_space<vmem>> -> memref<1x1x125xi32, #tpu.memory_space<vmem>>
      %dma_start3A_135 = tpu.memref_squeeze %dma_start3A_134 : memref<1x1x125xi32, #tpu.memory_space<vmem>> -> memref<125xi32, #tpu.memory_space<vmem>>
      %dma_start3A_136 = arith.constant 0 : i32
      %dma_start3A_137 = arith.constant 0 : i32
      %dma_start3A_138 = tpu.memref_slice %arg2[%dma_start3A_136, %dma_start3A_137] : memref<10240x128xf32, #tpu.memory_space<hbm>> -> memref<10240x128xf32, #tpu.memory_space<hbm>>
      tpu.enqueue_indirect_dma source(%dma_start3A_138 : memref<10240x128xf32, #tpu.memory_space<hbm>>) target(%arg10 : memref<125x128xf32, #tpu.memory_space<vmem>>) offsets(%dma_start3A_135 : memref<125xi32, #tpu.memory_space<vmem>>) semaphore(%arg12 : memref<!tpu.dma_semaphore, #tpu.memory_space<semaphore_mem>>)
      %dma_wait3A_139 = arith.constant 0 : i32
      %dma_wait3A_140 = arith.constant 0 : i32
      %dma_wait3A_141 = arith.constant 0 : i32
      %dma_wait3A_142 = tpu.memref_slice %arg7[%dma_wait3A_139, %dma_wait3A_140, %dma_wait3A_141] : memref<2x8x125xi32, #tpu.memory_space<vmem>> -> memref<1x1x125xi32, #tpu.memory_space<vmem>>
      %dma_wait3A_143 = tpu.memref_squeeze %dma_wait3A_142 : memref<1x1x125xi32, #tpu.memory_space<vmem>> -> memref<125xi32, #tpu.memory_space<vmem>>
      %dma_wait3A_144 = arith.constant 0 : i32
      %dma_wait3A_145 = arith.constant 0 : i32
      %dma_wait3A_146 = tpu.memref_slice %arg2[%dma_wait3A_144, %dma_wait3A_145] : memref<10240x128xf32, #tpu.memory_space<hbm>> -> memref<10240x128xf32, #tpu.memory_space<hbm>>
      tpu.wait_indirect_dma semaphore(%arg11 : memref<!tpu.dma_semaphore, #tpu.memory_space<semaphore_mem>>) src(%dma_wait3A_146 : memref<10240x128xf32, #tpu.memory_space<hbm>>) dst(%arg9 : memref<125x128xf32, #tpu.memory_space<vmem>>)
      %dma_start3A_147 = arith.constant 0 : i32
      %dma_start3A_148 = arith.constant 0 : i32
      %dma_start3A_149 = tpu.memref_slice %arg8[%rem3A_119, %dma_start3A_147, %dma_start3A_148] : memref<2x8x125xi32, #tpu.memory_space<vmem>> -> memref<1x1x125xi32, #tpu.memory_space<vmem>>
      %dma_start3A_150 = tpu.memref_squeeze %dma_start3A_149 : memref<1x1x125xi32, #tpu.memory_space<vmem>> -> memref<125xi32, #tpu.memory_space<vmem>>
      %dma_start3A_151 = arith.constant 0 : i32
      %dma_start3A_152 = arith.constant 0 : i32
      %dma_start3A_153 = tpu.memref_slice %arg15[%dma_start3A_151, %dma_start3A_152] : memref<10240x128xf32, #tpu.memory_space<vmem_shared>> -> memref<10240x128xf32, #tpu.memory_space<vmem_shared>>
      tpu.enqueue_indirect_dma source(%arg9 : memref<125x128xf32, #tpu.memory_space<vmem>>) target(%dma_start3A_153 : memref<10240x128xf32, #tpu.memory_space<vmem_shared>>) offsets(%dma_start3A_150 : memref<125xi32, #tpu.memory_space<vmem>>) semaphore(%arg13 : memref<!tpu.dma_semaphore, #tpu.memory_space<semaphore_mem>>) {add = true}
      %dma_wait3A_154 = arith.constant 0 : i32
      %dma_wait3A_155 = arith.constant 0 : i32
      %dma_wait3A_156 = arith.constant 0 : i32
      %dma_wait3A_157 = tpu.memref_slice %arg8[%dma_wait3A_154, %dma_wait3A_155, %dma_wait3A_156] : memref<2x8x125xi32, #tpu.memory_space<vmem>> -> memref<1x1x125xi32, #tpu.memory_space<vmem>>
      %dma_wait3A_158 = tpu.memref_squeeze %dma_wait3A_157 : memref<1x1x125xi32, #tpu.memory_space<vmem>> -> memref<125xi32, #tpu.memory_space<vmem>>
      %dma_wait3A_159 = arith.constant 0 : i32
      %dma_wait3A_160 = arith.constant 0 : i32
      %dma_wait3A_161 = tpu.memref_slice %arg15[%dma_wait3A_159, %dma_wait3A_160] : memref<10240x128xf32, #tpu.memory_space<vmem_shared>> -> memref<10240x128xf32, #tpu.memory_space<vmem_shared>>
      tpu.wait_indirect_dma semaphore(%arg13 : memref<!tpu.dma_semaphore, #tpu.memory_space<semaphore_mem>>) src(%arg9 : memref<125x128xf32, #tpu.memory_space<vmem>>) dst(%dma_wait3A_161 : memref<10240x128xf32, #tpu.memory_space<vmem_shared>>)
      %dma_start3A_162 = arith.constant 2 : i32
      %dma_start3A_163 = arith.constant 0 : i32
      %dma_start3A_164 = tpu.memref_slice %arg7[%rem3A_119, %dma_start3A_162, %dma_start3A_163] : memref<2x8x125xi32, #tpu.memory_space<vmem>> -> memref<1x1x125xi32, #tpu.memory_space<vmem>>
      %dma_start3A_165 = tpu.memref_squeeze %dma_start3A_164 : memref<1x1x125xi32, #tpu.memory_space<vmem>> -> memref<125xi32, #tpu.memory_space<vmem>>
      %dma_start3A_166 = arith.constant 0 : i32
      %dma_start3A_167 = arith.constant 0 : i32
      %dma_start3A_168 = tpu.memref_slice %arg2[%dma_start3A_166, %dma_start3A_167] : memref<10240x128xf32, #tpu.memory_space<hbm>> -> memref<10240x128xf32, #tpu.memory_space<hbm>>
      tpu.enqueue_indirect_dma source(%dma_start3A_168 : memref<10240x128xf32, #tpu.memory_space<hbm>>) target(%arg9 : memref<125x128xf32, #tpu.memory_space<vmem>>) offsets(%dma_start3A_165 : memref<125xi32, #tpu.memory_space<vmem>>) semaphore(%arg11 : memref<!tpu.dma_semaphore, #tpu.memory_space<semaphore_mem>>)
      %dma_wait3A_169 = arith.constant 0 : i32
      %dma_wait3A_170 = arith.constant 0 : i32
      %dma_wait3A_171 = arith.constant 0 : i32
      %dma_wait3A_172 = tpu.memref_slice %arg7[%dma_wait3A_169, %dma_wait3A_170, %dma_wait3A_171] : memref<2x8x125xi32, #tpu.memory_space<vmem>> -> memref<1x1x125xi32, #tpu.memory_space<vmem>>
      %dma_wait3A_173 = tpu.memref_squeeze %dma_wait3A_172 : memref<1x1x125xi32, #tpu.memory_space<vmem>> -> memref<125xi32, #tpu.memory_space<vmem>>
      %dma_wait3A_174 = arith.constant 0 : i32
      %dma_wait3A_175 = arith.constant 0 : i32
      %dma_wait3A_176 = tpu.memref_slice %arg2[%dma_wait3A_174, %dma_wait3A_175] : memref<10240x128xf32, #tpu.memory_space<hbm>> -> memref<10240x128xf32, #tpu.memory_space<hbm>>
      tpu.wait_indirect_dma semaphore(%arg12 : memref<!tpu.dma_semaphore, #tpu.memory_space<semaphore_mem>>) src(%dma_wait3A_176 : memref<10240x128xf32, #tpu.memory_space<hbm>>) dst(%arg10 : memref<125x128xf32, #tpu.memory_space<vmem>>)
      %dma_start3A_177 = arith.constant 1 : i32
      %dma_start3A_178 = arith.constant 0 : i32
      %dma_start3A_179 = tpu.memref_slice %arg8[%rem3A_119, %dma_start3A_177, %dma_start3A_178] : memref<2x8x125xi32, #tpu.memory_space<vmem>> -> memref<1x1x125xi32, #tpu.memory_space<vmem>>
      %dma_start3A_180 = tpu.memref_squeeze %dma_start3A_179 : memref<1x1x125xi32, #tpu.memory_space<vmem>> -> memref<125xi32, #tpu.memory_space<vmem>>
      %dma_start3A_181 = arith.constant 0 : i32
      %dma_start3A_182 = arith.constant 0 : i32
      %dma_start3A_183 = tpu.memref_slice %arg15[%dma_start3A_181, %dma_start3A_182] : memref<10240x128xf32, #tpu.memory_space<vmem_shared>> -> memref<10240x128xf32, #tpu.memory_space<vmem_shared>>
      tpu.enqueue_indirect_dma source(%arg10 : memref<125x128xf32, #tpu.memory_space<vmem>>) target(%dma_start3A_183 : memref<10240x128xf32, #tpu.memory_space<vmem_shared>>) offsets(%dma_start3A_180 : memref<125xi32, #tpu.memory_space<vmem>>) semaphore(%arg14 : memref<!tpu.dma_semaphore, #tpu.memory_space<semaphore_mem>>) {add = true}
      %dma_wait3A_184 = arith.constant 0 : i32
      %dma_wait3A_185 = arith.constant 0 : i32
      %dma_wait3A_186 = arith.constant 0 : i32
      %dma_wait3A_187 = tpu.memref_slice %arg8[%dma_wait3A_184, %dma_wait3A_185, %dma_wait3A_186] : memref<2x8x125xi32, #tpu.memory_space<vmem>> -> memref<1x1x125xi32, #tpu.memory_space<vmem>>
      %dma_wait3A_188 = tpu.memref_squeeze %dma_wait3A_187 : memref<1x1x125xi32, #tpu.memory_space<vmem>> -> memref<125xi32, #tpu.memory_space<vmem>>
      %dma_wait3A_189 = arith.constant 0 : i32
      %dma_wait3A_190 = arith.constant 0 : i32
      %dma_wait3A_191 = tpu.memref_slice %arg15[%dma_wait3A_189, %dma_wait3A_190] : memref<10240x128xf32, #tpu.memory_space<vmem_shared>> -> memref<10240x128xf32, #tpu.memory_space<vmem_shared>>
      tpu.wait_indirect_dma semaphore(%arg14 : memref<!tpu.dma_semaphore, #tpu.memory_space<semaphore_mem>>) src(%arg10 : memref<125x128xf32, #tpu.memory_space<vmem>>) dst(%dma_wait3A_191 : memref<10240x128xf32, #tpu.memory_space<vmem_shared>>)
      %dma_start3A_192 = arith.constant 3 : i32
      %dma_start3A_193 = arith.constant 0 : i32
      %dma_start3A_194 = tpu.memref_slice %arg7[%rem3A_119, %dma_start3A_192, %dma_start3A_193] : memref<2x8x125xi32, #tpu.memory_space<vmem>> -> memref<1x1x125xi32, #tpu.memory_space<vmem>>
      %dma_start3A_195 = tpu.memref_squeeze %dma_start3A_194 : memref<1x1x125xi32, #tpu.memory_space<vmem>> -> memref<125xi32, #tpu.memory_space<vmem>>
      %dma_start3A_196 = arith.constant 0 : i32
      %dma_start3A_197 = arith.constant 0 : i32
      %dma_start3A_198 = tpu.memref_slice %arg2[%dma_start3A_196, %dma_start3A_197] : memref<10240x128xf32, #tpu.memory_space<hbm>> -> memref<10240x128xf32, #tpu.memory_space<hbm>>
      tpu.enqueue_indirect_dma source(%dma_start3A_198 : memref<10240x128xf32, #tpu.memory_space<hbm>>) target(%arg10 : memref<125x128xf32, #tpu.memory_space<vmem>>) offsets(%dma_start3A_195 : memref<125xi32, #tpu.memory_space<vmem>>) semaphore(%arg12 : memref<!tpu.dma_semaphore, #tpu.memory_space<semaphore_mem>>)
      %dma_wait3A_199 = arith.constant 0 : i32
      %dma_wait3A_200 = arith.constant 0 : i32
      %dma_wait3A_201 = arith.constant 0 : i32
      %dma_wait3A_202 = tpu.memref_slice %arg7[%dma_wait3A_199, %dma_wait3A_200, %dma_wait3A_201] : memref<2x8x125xi32, #tpu.memory_space<vmem>> -> memref<1x1x125xi32, #tpu.memory_space<vmem>>
      %dma_wait3A_203 = tpu.memref_squeeze %dma_wait3A_202 : memref<1x1x125xi32, #tpu.memory_space<vmem>> -> memref<125xi32, #tpu.memory_space<vmem>>
      %dma_wait3A_204 = arith.constant 0 : i32
      %dma_wait3A_205 = arith.constant 0 : i32
      %dma_wait3A_206 = tpu.memref_slice %arg2[%dma_wait3A_204, %dma_wait3A_205] : memref<10240x128xf32, #tpu.memory_space<hbm>> -> memref<10240x128xf32, #tpu.memory_space<hbm>>
      tpu.wait_indirect_dma semaphore(%arg11 : memref<!tpu.dma_semaphore, #tpu.memory_space<semaphore_mem>>) src(%dma_wait3A_206 : memref<10240x128xf32, #tpu.memory_space<hbm>>) dst(%arg9 : memref<125x128xf32, #tpu.memory_space<vmem>>)
      %dma_start3A_207 = arith.constant 2 : i32
      %dma_start3A_208 = arith.constant 0 : i32
      %dma_start3A_209 = tpu.memref_slice %arg8[%rem3A_119, %dma_start3A_207, %dma_start3A_208] : memref<2x8x125xi32, #tpu.memory_space<vmem>> -> memref<1x1x125xi32, #tpu.memory_space<vmem>>
      %dma_start3A_210 = tpu.memref_squeeze %dma_start3A_209 : memref<1x1x125xi32, #tpu.memory_space<vmem>> -> memref<125xi32, #tpu.memory_space<vmem>>
      %dma_start3A_211 = arith.constant 0 : i32
      %dma_start3A_212 = arith.constant 0 : i32
      %dma_start3A_213 = tpu.memref_slice %arg15[%dma_start3A_211, %dma_start3A_212] : memref<10240x128xf32, #tpu.memory_space<vmem_shared>> -> memref<10240x128xf32, #tpu.memory_space<vmem_shared>>
      tpu.enqueue_indirect_dma source(%arg9 : memref<125x128xf32, #tpu.memory_space<vmem>>) target(%dma_start3A_213 : memref<10240x128xf32, #tpu.memory_space<vmem_shared>>) offsets(%dma_start3A_210 : memref<125xi32, #tpu.memory_space<vmem>>) semaphore(%arg13 : memref<!tpu.dma_semaphore, #tpu.memory_space<semaphore_mem>>) {add = true}
      %dma_wait3A_214 = arith.constant 0 : i32
      %dma_wait3A_215 = arith.constant 0 : i32
      %dma_wait3A_216 = arith.constant 0 : i32
      %dma_wait3A_217 = tpu.memref_slice %arg8[%dma_wait3A_214, %dma_wait3A_215, %dma_wait3A_216] : memref<2x8x125xi32, #tpu.memory_space<vmem>> -> memref<1x1x125xi32, #tpu.memory_space<vmem>>
      %dma_wait3A_218 = tpu.memref_squeeze %dma_wait3A_217 : memref<1x1x125xi32, #tpu.memory_space<vmem>> -> memref<125xi32, #tpu.memory_space<vmem>>
      %dma_wait3A_219 = arith.constant 0 : i32
      %dma_wait3A_220 = arith.constant 0 : i32
      %dma_wait3A_221 = tpu.memref_slice %arg15[%dma_wait3A_219, %dma_wait3A_220] : memref<10240x128xf32, #tpu.memory_space<vmem_shared>> -> memref<10240x128xf32, #tpu.memory_space<vmem_shared>>
      tpu.wait_indirect_dma semaphore(%arg13 : memref<!tpu.dma_semaphore, #tpu.memory_space<semaphore_mem>>) src(%arg9 : memref<125x128xf32, #tpu.memory_space<vmem>>) dst(%dma_wait3A_221 : memref<10240x128xf32, #tpu.memory_space<vmem_shared>>)
      %dma_start3A_222 = arith.constant 4 : i32
      %dma_start3A_223 = arith.constant 0 : i32
      %dma_start3A_224 = tpu.memref_slice %arg7[%rem3A_119, %dma_start3A_222, %dma_start3A_223] : memref<2x8x125xi32, #tpu.memory_space<vmem>> -> memref<1x1x125xi32, #tpu.memory_space<vmem>>
      %dma_start3A_225 = tpu.memref_squeeze %dma_start3A_224 : memref<1x1x125xi32, #tpu.memory_space<vmem>> -> memref<125xi32, #tpu.memory_space<vmem>>
      %dma_start3A_226 = arith.constant 0 : i32
      %dma_start3A_227 = arith.constant 0 : i32
      %dma_start3A_228 = tpu.memref_slice %arg2[%dma_start3A_226, %dma_start3A_227] : memref<10240x128xf32, #tpu.memory_space<hbm>> -> memref<10240x128xf32, #tpu.memory_space<hbm>>
      tpu.enqueue_indirect_dma source(%dma_start3A_228 : memref<10240x128xf32, #tpu.memory_space<hbm>>) target(%arg9 : memref<125x128xf32, #tpu.memory_space<vmem>>) offsets(%dma_start3A_225 : memref<125xi32, #tpu.memory_space<vmem>>) semaphore(%arg11 : memref<!tpu.dma_semaphore, #tpu.memory_space<semaphore_mem>>)
      %dma_wait3A_229 = arith.constant 0 : i32
      %dma_wait3A_230 = arith.constant 0 : i32
      %dma_wait3A_231 = arith.constant 0 : i32
      %dma_wait3A_232 = tpu.memref_slice %arg7[%dma_wait3A_229, %dma_wait3A_230, %dma_wait3A_231] : memref<2x8x125xi32, #tpu.memory_space<vmem>> -> memref<1x1x125xi32, #tpu.memory_space<vmem>>
      %dma_wait3A_233 = tpu.memref_squeeze %dma_wait3A_232 : memref<1x1x125xi32, #tpu.memory_space<vmem>> -> memref<125xi32, #tpu.memory_space<vmem>>
      %dma_wait3A_234 = arith.constant 0 : i32
      %dma_wait3A_235 = arith.constant 0 : i32
      %dma_wait3A_236 = tpu.memref_slice %arg2[%dma_wait3A_234, %dma_wait3A_235] : memref<10240x128xf32, #tpu.memory_space<hbm>> -> memref<10240x128xf32, #tpu.memory_space<hbm>>
      tpu.wait_indirect_dma semaphore(%arg12 : memref<!tpu.dma_semaphore, #tpu.memory_space<semaphore_mem>>) src(%dma_wait3A_236 : memref<10240x128xf32, #tpu.memory_space<hbm>>) dst(%arg10 : memref<125x128xf32, #tpu.memory_space<vmem>>)
      %dma_start3A_237 = arith.constant 3 : i32
      %dma_start3A_238 = arith.constant 0 : i32
      %dma_start3A_239 = tpu.memref_slice %arg8[%rem3A_119, %dma_start3A_237, %dma_start3A_238] : memref<2x8x125xi32, #tpu.memory_space<vmem>> -> memref<1x1x125xi32, #tpu.memory_space<vmem>>
      %dma_start3A_240 = tpu.memref_squeeze %dma_start3A_239 : memref<1x1x125xi32, #tpu.memory_space<vmem>> -> memref<125xi32, #tpu.memory_space<vmem>>
      %dma_start3A_241 = arith.constant 0 : i32
      %dma_start3A_242 = arith.constant 0 : i32
      %dma_start3A_243 = tpu.memref_slice %arg15[%dma_start3A_241, %dma_start3A_242] : memref<10240x128xf32, #tpu.memory_space<vmem_shared>> -> memref<10240x128xf32, #tpu.memory_space<vmem_shared>>
      tpu.enqueue_indirect_dma source(%arg10 : memref<125x128xf32, #tpu.memory_space<vmem>>) target(%dma_start3A_243 : memref<10240x128xf32, #tpu.memory_space<vmem_shared>>) offsets(%dma_start3A_240 : memref<125xi32, #tpu.memory_space<vmem>>) semaphore(%arg14 : memref<!tpu.dma_semaphore, #tpu.memory_space<semaphore_mem>>) {add = true}
      %dma_wait3A_244 = arith.constant 0 : i32
      %dma_wait3A_245 = arith.constant 0 : i32
      %dma_wait3A_246 = arith.constant 0 : i32
      %dma_wait3A_247 = tpu.memref_slice %arg8[%dma_wait3A_244, %dma_wait3A_245, %dma_wait3A_246] : memref<2x8x125xi32, #tpu.memory_space<vmem>> -> memref<1x1x125xi32, #tpu.memory_space<vmem>>
      %dma_wait3A_248 = tpu.memref_squeeze %dma_wait3A_247 : memref<1x1x125xi32, #tpu.memory_space<vmem>> -> memref<125xi32, #tpu.memory_space<vmem>>
      %dma_wait3A_249 = arith.constant 0 : i32
      %dma_wait3A_250 = arith.constant 0 : i32
      %dma_wait3A_251 = tpu.memref_slice %arg15[%dma_wait3A_249, %dma_wait3A_250] : memref<10240x128xf32, #tpu.memory_space<vmem_shared>> -> memref<10240x128xf32, #tpu.memory_space<vmem_shared>>
      tpu.wait_indirect_dma semaphore(%arg14 : memref<!tpu.dma_semaphore, #tpu.memory_space<semaphore_mem>>) src(%arg10 : memref<125x128xf32, #tpu.memory_space<vmem>>) dst(%dma_wait3A_251 : memref<10240x128xf32, #tpu.memory_space<vmem_shared>>)
      %dma_start3A_252 = arith.constant 5 : i32
      %dma_start3A_253 = arith.constant 0 : i32
      %dma_start3A_254 = tpu.memref_slice %arg7[%rem3A_119, %dma_start3A_252, %dma_start3A_253] : memref<2x8x125xi32, #tpu.memory_space<vmem>> -> memref<1x1x125xi32, #tpu.memory_space<vmem>>
      %dma_start3A_255 = tpu.memref_squeeze %dma_start3A_254 : memref<1x1x125xi32, #tpu.memory_space<vmem>> -> memref<125xi32, #tpu.memory_space<vmem>>
      %dma_start3A_256 = arith.constant 0 : i32
      %dma_start3A_257 = arith.constant 0 : i32
      %dma_start3A_258 = tpu.memref_slice %arg2[%dma_start3A_256, %dma_start3A_257] : memref<10240x128xf32, #tpu.memory_space<hbm>> -> memref<10240x128xf32, #tpu.memory_space<hbm>>
      tpu.enqueue_indirect_dma source(%dma_start3A_258 : memref<10240x128xf32, #tpu.memory_space<hbm>>) target(%arg10 : memref<125x128xf32, #tpu.memory_space<vmem>>) offsets(%dma_start3A_255 : memref<125xi32, #tpu.memory_space<vmem>>) semaphore(%arg12 : memref<!tpu.dma_semaphore, #tpu.memory_space<semaphore_mem>>)
      %dma_wait3A_259 = arith.constant 0 : i32
      %dma_wait3A_260 = arith.constant 0 : i32
      %dma_wait3A_261 = arith.constant 0 : i32
      %dma_wait3A_262 = tpu.memref_slice %arg7[%dma_wait3A_259, %dma_wait3A_260, %dma_wait3A_261] : memref<2x8x125xi32, #tpu.memory_space<vmem>> -> memref<1x1x125xi32, #tpu.memory_space<vmem>>
      %dma_wait3A_263 = tpu.memref_squeeze %dma_wait3A_262 : memref<1x1x125xi32, #tpu.memory_space<vmem>> -> memref<125xi32, #tpu.memory_space<vmem>>
      %dma_wait3A_264 = arith.constant 0 : i32
      %dma_wait3A_265 = arith.constant 0 : i32
      %dma_wait3A_266 = tpu.memref_slice %arg2[%dma_wait3A_264, %dma_wait3A_265] : memref<10240x128xf32, #tpu.memory_space<hbm>> -> memref<10240x128xf32, #tpu.memory_space<hbm>>
      tpu.wait_indirect_dma semaphore(%arg11 : memref<!tpu.dma_semaphore, #tpu.memory_space<semaphore_mem>>) src(%dma_wait3A_266 : memref<10240x128xf32, #tpu.memory_space<hbm>>) dst(%arg9 : memref<125x128xf32, #tpu.memory_space<vmem>>)
      %dma_start3A_267 = arith.constant 4 : i32
      %dma_start3A_268 = arith.constant 0 : i32
      %dma_start3A_269 = tpu.memref_slice %arg8[%rem3A_119, %dma_start3A_267, %dma_start3A_268] : memref<2x8x125xi32, #tpu.memory_space<vmem>> -> memref<1x1x125xi32, #tpu.memory_space<vmem>>
      %dma_start3A_270 = tpu.memref_squeeze %dma_start3A_269 : memref<1x1x125xi32, #tpu.memory_space<vmem>> -> memref<125xi32, #tpu.memory_space<vmem>>
      %dma_start3A_271 = arith.constant 0 : i32
      %dma_start3A_272 = arith.constant 0 : i32
      %dma_start3A_273 = tpu.memref_slice %arg15[%dma_start3A_271, %dma_start3A_272] : memref<10240x128xf32, #tpu.memory_space<vmem_shared>> -> memref<10240x128xf32, #tpu.memory_space<vmem_shared>>
      tpu.enqueue_indirect_dma source(%arg9 : memref<125x128xf32, #tpu.memory_space<vmem>>) target(%dma_start3A_273 : memref<10240x128xf32, #tpu.memory_space<vmem_shared>>) offsets(%dma_start3A_270 : memref<125xi32, #tpu.memory_space<vmem>>) semaphore(%arg13 : memref<!tpu.dma_semaphore, #tpu.memory_space<semaphore_mem>>) {add = true}
      %dma_wait3A_274 = arith.constant 0 : i32
      %dma_wait3A_275 = arith.constant 0 : i32
      %dma_wait3A_276 = arith.constant 0 : i32
      %dma_wait3A_277 = tpu.memref_slice %arg8[%dma_wait3A_274, %dma_wait3A_275, %dma_wait3A_276] : memref<2x8x125xi32, #tpu.memory_space<vmem>> -> memref<1x1x125xi32, #tpu.memory_space<vmem>>
      %dma_wait3A_278 = tpu.memref_squeeze %dma_wait3A_277 : memref<1x1x125xi32, #tpu.memory_space<vmem>> -> memref<125xi32, #tpu.memory_space<vmem>>
      %dma_wait3A_279 = arith.constant 0 : i32
      %dma_wait3A_280 = arith.constant 0 : i32
      %dma_wait3A_281 = tpu.memref_slice %arg15[%dma_wait3A_279, %dma_wait3A_280] : memref<10240x128xf32, #tpu.memory_space<vmem_shared>> -> memref<10240x128xf32, #tpu.memory_space<vmem_shared>>
      tpu.wait_indirect_dma semaphore(%arg13 : memref<!tpu.dma_semaphore, #tpu.memory_space<semaphore_mem>>) src(%arg9 : memref<125x128xf32, #tpu.memory_space<vmem>>) dst(%dma_wait3A_281 : memref<10240x128xf32, #tpu.memory_space<vmem_shared>>)
      %dma_start3A_282 = arith.constant 6 : i32
      %dma_start3A_283 = arith.constant 0 : i32
      %dma_start3A_284 = tpu.memref_slice %arg7[%rem3A_119, %dma_start3A_282, %dma_start3A_283] : memref<2x8x125xi32, #tpu.memory_space<vmem>> -> memref<1x1x125xi32, #tpu.memory_space<vmem>>
      %dma_start3A_285 = tpu.memref_squeeze %dma_start3A_284 : memref<1x1x125xi32, #tpu.memory_space<vmem>> -> memref<125xi32, #tpu.memory_space<vmem>>
      %dma_start3A_286 = arith.constant 0 : i32
      %dma_start3A_287 = arith.constant 0 : i32
      %dma_start3A_288 = tpu.memref_slice %arg2[%dma_start3A_286, %dma_start3A_287] : memref<10240x128xf32, #tpu.memory_space<hbm>> -> memref<10240x128xf32, #tpu.memory_space<hbm>>
      tpu.enqueue_indirect_dma source(%dma_start3A_288 : memref<10240x128xf32, #tpu.memory_space<hbm>>) target(%arg9 : memref<125x128xf32, #tpu.memory_space<vmem>>) offsets(%dma_start3A_285 : memref<125xi32, #tpu.memory_space<vmem>>) semaphore(%arg11 : memref<!tpu.dma_semaphore, #tpu.memory_space<semaphore_mem>>)
      %dma_wait3A_289 = arith.constant 0 : i32
      %dma_wait3A_290 = arith.constant 0 : i32
      %dma_wait3A_291 = arith.constant 0 : i32
      %dma_wait3A_292 = tpu.memref_slice %arg7[%dma_wait3A_289, %dma_wait3A_290, %dma_wait3A_291] : memref<2x8x125xi32, #tpu.memory_space<vmem>> -> memref<1x1x125xi32, #tpu.memory_space<vmem>>
      %dma_wait3A_293 = tpu.memref_squeeze %dma_wait3A_292 : memref<1x1x125xi32, #tpu.memory_space<vmem>> -> memref<125xi32, #tpu.memory_space<vmem>>
      %dma_wait3A_294 = arith.constant 0 : i32
      %dma_wait3A_295 = arith.constant 0 : i32
      %dma_wait3A_296 = tpu.memref_slice %arg2[%dma_wait3A_294, %dma_wait3A_295] : memref<10240x128xf32, #tpu.memory_space<hbm>> -> memref<10240x128xf32, #tpu.memory_space<hbm>>
      tpu.wait_indirect_dma semaphore(%arg12 : memref<!tpu.dma_semaphore, #tpu.memory_space<semaphore_mem>>) src(%dma_wait3A_296 : memref<10240x128xf32, #tpu.memory_space<hbm>>) dst(%arg10 : memref<125x128xf32, #tpu.memory_space<vmem>>)
      %dma_start3A_297 = arith.constant 5 : i32
      %dma_start3A_298 = arith.constant 0 : i32
      %dma_start3A_299 = tpu.memref_slice %arg8[%rem3A_119, %dma_start3A_297, %dma_start3A_298] : memref<2x8x125xi32, #tpu.memory_space<vmem>> -> memref<1x1x125xi32, #tpu.memory_space<vmem>>
      %dma_start3A_300 = tpu.memref_squeeze %dma_start3A_299 : memref<1x1x125xi32, #tpu.memory_space<vmem>> -> memref<125xi32, #tpu.memory_space<vmem>>
      %dma_start3A_301 = arith.constant 0 : i32
      %dma_start3A_302 = arith.constant 0 : i32
      %dma_start3A_303 = tpu.memref_slice %arg15[%dma_start3A_301, %dma_start3A_302] : memref<10240x128xf32, #tpu.memory_space<vmem_shared>> -> memref<10240x128xf32, #tpu.memory_space<vmem_shared>>
      tpu.enqueue_indirect_dma source(%arg10 : memref<125x128xf32, #tpu.memory_space<vmem>>) target(%dma_start3A_303 : memref<10240x128xf32, #tpu.memory_space<vmem_shared>>) offsets(%dma_start3A_300 : memref<125xi32, #tpu.memory_space<vmem>>) semaphore(%arg14 : memref<!tpu.dma_semaphore, #tpu.memory_space<semaphore_mem>>) {add = true}
      %dma_wait3A_304 = arith.constant 0 : i32
      %dma_wait3A_305 = arith.constant 0 : i32
      %dma_wait3A_306 = arith.constant 0 : i32
      %dma_wait3A_307 = tpu.memref_slice %arg8[%dma_wait3A_304, %dma_wait3A_305, %dma_wait3A_306] : memref<2x8x125xi32, #tpu.memory_space<vmem>> -> memref<1x1x125xi32, #tpu.memory_space<vmem>>
      %dma_wait3A_308 = tpu.memref_squeeze %dma_wait3A_307 : memref<1x1x125xi32, #tpu.memory_space<vmem>> -> memref<125xi32, #tpu.memory_space<vmem>>
      %dma_wait3A_309 = arith.constant 0 : i32
      %dma_wait3A_310 = arith.constant 0 : i32
      %dma_wait3A_311 = tpu.memref_slice %arg15[%dma_wait3A_309, %dma_wait3A_310] : memref<10240x128xf32, #tpu.memory_space<vmem_shared>> -> memref<10240x128xf32, #tpu.memory_space<vmem_shared>>
      tpu.wait_indirect_dma semaphore(%arg14 : memref<!tpu.dma_semaphore, #tpu.memory_space<semaphore_mem>>) src(%arg10 : memref<125x128xf32, #tpu.memory_space<vmem>>) dst(%dma_wait3A_311 : memref<10240x128xf32, #tpu.memory_space<vmem_shared>>)
      %dma_start3A_312 = arith.constant 7 : i32
      %dma_start3A_313 = arith.constant 0 : i32
      %dma_start3A_314 = tpu.memref_slice %arg7[%rem3A_119, %dma_start3A_312, %dma_start3A_313] : memref<2x8x125xi32, #tpu.memory_space<vmem>> -> memref<1x1x125xi32, #tpu.memory_space<vmem>>
      %dma_start3A_315 = tpu.memref_squeeze %dma_start3A_314 : memref<1x1x125xi32, #tpu.memory_space<vmem>> -> memref<125xi32, #tpu.memory_space<vmem>>
      %dma_start3A_316 = arith.constant 0 : i32
      %dma_start3A_317 = arith.constant 0 : i32
      %dma_start3A_318 = tpu.memref_slice %arg2[%dma_start3A_316, %dma_start3A_317] : memref<10240x128xf32, #tpu.memory_space<hbm>> -> memref<10240x128xf32, #tpu.memory_space<hbm>>
      tpu.enqueue_indirect_dma source(%dma_start3A_318 : memref<10240x128xf32, #tpu.memory_space<hbm>>) target(%arg10 : memref<125x128xf32, #tpu.memory_space<vmem>>) offsets(%dma_start3A_315 : memref<125xi32, #tpu.memory_space<vmem>>) semaphore(%arg12 : memref<!tpu.dma_semaphore, #tpu.memory_space<semaphore_mem>>)
      %dma_wait3A_319 = arith.constant 0 : i32
      %dma_wait3A_320 = arith.constant 0 : i32
      %dma_wait3A_321 = arith.constant 0 : i32
      %dma_wait3A_322 = tpu.memref_slice %arg7[%dma_wait3A_319, %dma_wait3A_320, %dma_wait3A_321] : memref<2x8x125xi32, #tpu.memory_space<vmem>> -> memref<1x1x125xi32, #tpu.memory_space<vmem>>
      %dma_wait3A_323 = tpu.memref_squeeze %dma_wait3A_322 : memref<1x1x125xi32, #tpu.memory_space<vmem>> -> memref<125xi32, #tpu.memory_space<vmem>>
      %dma_wait3A_324 = arith.constant 0 : i32
      %dma_wait3A_325 = arith.constant 0 : i32
      %dma_wait3A_326 = tpu.memref_slice %arg2[%dma_wait3A_324, %dma_wait3A_325] : memref<10240x128xf32, #tpu.memory_space<hbm>> -> memref<10240x128xf32, #tpu.memory_space<hbm>>
      tpu.wait_indirect_dma semaphore(%arg11 : memref<!tpu.dma_semaphore, #tpu.memory_space<semaphore_mem>>) src(%dma_wait3A_326 : memref<10240x128xf32, #tpu.memory_space<hbm>>) dst(%arg9 : memref<125x128xf32, #tpu.memory_space<vmem>>)
      %dma_start3A_327 = arith.constant 6 : i32
      %dma_start3A_328 = arith.constant 0 : i32
      %dma_start3A_329 = tpu.memref_slice %arg8[%rem3A_119, %dma_start3A_327, %dma_start3A_328] : memref<2x8x125xi32, #tpu.memory_space<vmem>> -> memref<1x1x125xi32, #tpu.memory_space<vmem>>
      %dma_start3A_330 = tpu.memref_squeeze %dma_start3A_329 : memref<1x1x125xi32, #tpu.memory_space<vmem>> -> memref<125xi32, #tpu.memory_space<vmem>>
      %dma_start3A_331 = arith.constant 0 : i32
      %dma_start3A_332 = arith.constant 0 : i32
      %dma_start3A_333 = tpu.memref_slice %arg15[%dma_start3A_331, %dma_start3A_332] : memref<10240x128xf32, #tpu.memory_space<vmem_shared>> -> memref<10240x128xf32, #tpu.memory_space<vmem_shared>>
      tpu.enqueue_indirect_dma source(%arg9 : memref<125x128xf32, #tpu.memory_space<vmem>>) target(%dma_start3A_333 : memref<10240x128xf32, #tpu.memory_space<vmem_shared>>) offsets(%dma_start3A_330 : memref<125xi32, #tpu.memory_space<vmem>>) semaphore(%arg13 : memref<!tpu.dma_semaphore, #tpu.memory_space<semaphore_mem>>) {add = true}
      %dma_wait3A_334 = arith.constant 0 : i32
      %dma_wait3A_335 = arith.constant 0 : i32
      %dma_wait3A_336 = arith.constant 0 : i32
      %dma_wait3A_337 = tpu.memref_slice %arg8[%dma_wait3A_334, %dma_wait3A_335, %dma_wait3A_336] : memref<2x8x125xi32, #tpu.memory_space<vmem>> -> memref<1x1x125xi32, #tpu.memory_space<vmem>>
      %dma_wait3A_338 = tpu.memref_squeeze %dma_wait3A_337 : memref<1x1x125xi32, #tpu.memory_space<vmem>> -> memref<125xi32, #tpu.memory_space<vmem>>
      %dma_wait3A_339 = arith.constant 0 : i32
      %dma_wait3A_340 = arith.constant 0 : i32
      %dma_wait3A_341 = tpu.memref_slice %arg15[%dma_wait3A_339, %dma_wait3A_340] : memref<10240x128xf32, #tpu.memory_space<vmem_shared>> -> memref<10240x128xf32, #tpu.memory_space<vmem_shared>>
      tpu.wait_indirect_dma semaphore(%arg13 : memref<!tpu.dma_semaphore, #tpu.memory_space<semaphore_mem>>) src(%arg9 : memref<125x128xf32, #tpu.memory_space<vmem>>) dst(%dma_wait3A_341 : memref<10240x128xf32, #tpu.memory_space<vmem_shared>>)
      %dma_start3A_342 = arith.constant 0 : i32
      %dma_start3A_343 = arith.constant 0 : i32
      %dma_start3A_344 = tpu.memref_slice %arg7[%rem3A_123, %dma_start3A_342, %dma_start3A_343] : memref<2x8x125xi32, #tpu.memory_space<vmem>> -> memref<1x1x125xi32, #tpu.memory_space<vmem>>
      %dma_start3A_345 = tpu.memref_squeeze %dma_start3A_344 : memref<1x1x125xi32, #tpu.memory_space<vmem>> -> memref<125xi32, #tpu.memory_space<vmem>>
      %dma_start3A_346 = arith.constant 0 : i32
      %dma_start3A_347 = arith.constant 0 : i32
      %dma_start3A_348 = tpu.memref_slice %arg2[%dma_start3A_346, %dma_start3A_347] : memref<10240x128xf32, #tpu.memory_space<hbm>> -> memref<10240x128xf32, #tpu.memory_space<hbm>>
      tpu.enqueue_indirect_dma source(%dma_start3A_348 : memref<10240x128xf32, #tpu.memory_space<hbm>>) target(%arg9 : memref<125x128xf32, #tpu.memory_space<vmem>>) offsets(%dma_start3A_345 : memref<125xi32, #tpu.memory_space<vmem>>) semaphore(%arg11 : memref<!tpu.dma_semaphore, #tpu.memory_space<semaphore_mem>>)
      %dma_wait3A_349 = arith.constant 0 : i32
      %dma_wait3A_350 = arith.constant 0 : i32
      %dma_wait3A_351 = arith.constant 0 : i32
      %dma_wait3A_352 = tpu.memref_slice %arg7[%dma_wait3A_349, %dma_wait3A_350, %dma_wait3A_351] : memref<2x8x125xi32, #tpu.memory_space<vmem>> -> memref<1x1x125xi32, #tpu.memory_space<vmem>>
      %dma_wait3A_353 = tpu.memref_squeeze %dma_wait3A_352 : memref<1x1x125xi32, #tpu.memory_space<vmem>> -> memref<125xi32, #tpu.memory_space<vmem>>
      %dma_wait3A_354 = arith.constant 0 : i32
      %dma_wait3A_355 = arith.constant 0 : i32
      %dma_wait3A_356 = tpu.memref_slice %arg2[%dma_wait3A_354, %dma_wait3A_355] : memref<10240x128xf32, #tpu.memory_space<hbm>> -> memref<10240x128xf32, #tpu.memory_space<hbm>>
      tpu.wait_indirect_dma semaphore(%arg12 : memref<!tpu.dma_semaphore, #tpu.memory_space<semaphore_mem>>) src(%dma_wait3A_356 : memref<10240x128xf32, #tpu.memory_space<hbm>>) dst(%arg10 : memref<125x128xf32, #tpu.memory_space<vmem>>)
      %dma_start3A_357 = arith.constant 7 : i32
      %dma_start3A_358 = arith.constant 0 : i32
      %dma_start3A_359 = tpu.memref_slice %arg8[%rem3A_119, %dma_start3A_357, %dma_start3A_358] : memref<2x8x125xi32, #tpu.memory_space<vmem>> -> memref<1x1x125xi32, #tpu.memory_space<vmem>>
      %dma_start3A_360 = tpu.memref_squeeze %dma_start3A_359 : memref<1x1x125xi32, #tpu.memory_space<vmem>> -> memref<125xi32, #tpu.memory_space<vmem>>
      %dma_start3A_361 = arith.constant 0 : i32
      %dma_start3A_362 = arith.constant 0 : i32
      %dma_start3A_363 = tpu.memref_slice %arg15[%dma_start3A_361, %dma_start3A_362] : memref<10240x128xf32, #tpu.memory_space<vmem_shared>> -> memref<10240x128xf32, #tpu.memory_space<vmem_shared>>
      tpu.enqueue_indirect_dma source(%arg10 : memref<125x128xf32, #tpu.memory_space<vmem>>) target(%dma_start3A_363 : memref<10240x128xf32, #tpu.memory_space<vmem_shared>>) offsets(%dma_start3A_360 : memref<125xi32, #tpu.memory_space<vmem>>) semaphore(%arg14 : memref<!tpu.dma_semaphore, #tpu.memory_space<semaphore_mem>>) {add = true}
      %add3A_364 = arith.constant 2 : i32
      %add3A_365 = arith.addi %scan3A_118, %add3A_364 : i32
      %lt3A_366 = arith.constant 10 : i32
      %lt3A_367 = arith.cmpi slt, %add3A_365, %lt3A_366 : i32
      %convert_element_type3A_368 = arith.extui %lt3A_367 : i1 to i32
      %cond3A_369 = arith.constant 0 : i32
      %cond3A_370 = arith.cmpi ne, %convert_element_type3A_368, %cond3A_369 : i32
      scf.if %cond3A_370 {
        %add3A_371 = arith.constant 2 : i32
        %add3A_372 = arith.addi %scan3A_118, %add3A_371 : i32
        %mul3A_373 = arith.constant 8 : i32
        %mul3A_374 = arith.muli %add3A_372, %mul3A_373 : i32
        %add3A_375 = arith.addi %multiple_of3A, %mul3A_374 : i32
        %multiple_of3A_376 = tpu.assume_multiple %add3A_375, 8 : i32
        %dma_start3A_377 = arith.constant 0 : i32
        %dma_start3A_378 = arith.constant 0 : i32
        %dma_start3A_379 = tpu.memref_slice %arg7[%rem3A_119, %dma_start3A_377, %dma_start3A_378] : memref<2x8x125xi32, #tpu.memory_space<vmem>> -> memref<1x8x125xi32, #tpu.memory_space<vmem>>
        %dma_start3A_380 = tpu.memref_squeeze %dma_start3A_379 : memref<1x8x125xi32, #tpu.memory_space<vmem>> -> memref<8x125xi32, #tpu.memory_space<vmem>>
        %dma_start3A_381 = arith.constant 0 : i32
        %dma_start3A_382 = tpu.memref_slice %arg3[%multiple_of3A_376, %dma_start3A_381] : memref<2560x125xi32, #tpu.memory_space<hbm>> -> memref<8x125xi32, #tpu.memory_space<hbm>>
        %dma_start3A_383 = arith.constant 0 : i32
        %dma_start3A_384 = arith.constant 0 : i32
        %dma_start3A_385 = tpu.memref_slice %arg7[%rem3A_119, %dma_start3A_383, %dma_start3A_384] : memref<2x8x125xi32, #tpu.memory_space<vmem>> -> memref<1x8x125xi32, #tpu.memory_space<vmem>>
        %dma_start3A_386 = tpu.memref_squeeze %dma_start3A_385 : memref<1x8x125xi32, #tpu.memory_space<vmem>> -> memref<8x125xi32, #tpu.memory_space<vmem>>
        %dma_start3A_387 = arith.constant 0 : i32
        %dma_start3A_388 = tpu.memref_slice %arg3[%multiple_of3A_376, %dma_start3A_387] : memref<2560x125xi32, #tpu.memory_space<hbm>> -> memref<8x125xi32, #tpu.memory_space<hbm>>
        tpu.enqueue_dma source(%dma_start3A_388 : memref<8x125xi32, #tpu.memory_space<hbm>>) target(%dma_start3A_386 : memref<8x125xi32, #tpu.memory_space<vmem>>) target_semaphore(%arg16 : memref<!tpu.dma_semaphore, #tpu.memory_space<semaphore_mem>>)
        %dma_start3A_389 = arith.constant 0 : i32
        %dma_start3A_390 = arith.constant 0 : i32
        %dma_start3A_391 = tpu.memref_slice %arg8[%rem3A_119, %dma_start3A_389, %dma_start3A_390] : memref<2x8x125xi32, #tpu.memory_space<vmem>> -> memref<1x8x125xi32, #tpu.memory_space<vmem>>
        %dma_start3A_392 = tpu.memref_squeeze %dma_start3A_391 : memref<1x8x125xi32, #tpu.memory_space<vmem>> -> memref<8x125xi32, #tpu.memory_space<vmem>>
        %dma_start3A_393 = arith.constant 0 : i32
        %dma_start3A_394 = tpu.memref_slice %arg4[%multiple_of3A_376, %dma_start3A_393] : memref<2560x125xi32, #tpu.memory_space<hbm>> -> memref<8x125xi32, #tpu.memory_space<hbm>>
        %dma_start3A_395 = arith.constant 0 : i32
        %dma_start3A_396 = arith.constant 0 : i32
        %dma_start3A_397 = tpu.memref_slice %arg8[%rem3A_119, %dma_start3A_395, %dma_start3A_396] : memref<2x8x125xi32, #tpu.memory_space<vmem>> -> memref<1x8x125xi32, #tpu.memory_space<vmem>>
        %dma_start3A_398 = tpu.memref_squeeze %dma_start3A_397 : memref<1x8x125xi32, #tpu.memory_space<vmem>> -> memref<8x125xi32, #tpu.memory_space<vmem>>
        %dma_start3A_399 = arith.constant 0 : i32
        %dma_start3A_400 = tpu.memref_slice %arg4[%multiple_of3A_376, %dma_start3A_399] : memref<2560x125xi32, #tpu.memory_space<hbm>> -> memref<8x125xi32, #tpu.memory_space<hbm>>
        tpu.enqueue_dma source(%dma_start3A_400 : memref<8x125xi32, #tpu.memory_space<hbm>>) target(%dma_start3A_398 : memref<8x125xi32, #tpu.memory_space<vmem>>) target_semaphore(%arg16 : memref<!tpu.dma_semaphore, #tpu.memory_space<semaphore_mem>>)
      } else {
      }
    }
    %scan3A_100 = arith.constant 10 : i32
    %dma_wait3A_101 = arith.constant 0 : i32
    %dma_wait3A_102 = arith.constant 0 : i32
    %dma_wait3A_103 = arith.constant 0 : i32
    %dma_wait3A_104 = tpu.memref_slice %arg8[%dma_wait3A_101, %dma_wait3A_102, %dma_wait3A_103] : memref<2x8x125xi32, #tpu.memory_space<vmem>> -> memref<1x1x125xi32, #tpu.memory_space<vmem>>
    %dma_wait3A_105 = tpu.memref_squeeze %dma_wait3A_104 : memref<1x1x125xi32, #tpu.memory_space<vmem>> -> memref<125xi32, #tpu.memory_space<vmem>>
    %dma_wait3A_106 = arith.constant 0 : i32
    %dma_wait3A_107 = arith.constant 0 : i32
    %dma_wait3A_108 = tpu.memref_slice %arg15[%dma_wait3A_106, %dma_wait3A_107] : memref<10240x128xf32, #tpu.memory_space<vmem_shared>> -> memref<10240x128xf32, #tpu.memory_space<vmem_shared>>
    tpu.wait_indirect_dma semaphore(%arg14 : memref<!tpu.dma_semaphore, #tpu.memory_space<semaphore_mem>>) src(%arg10 : memref<125x128xf32, #tpu.memory_space<vmem>>) dst(%dma_wait3A_108 : memref<10240x128xf32, #tpu.memory_space<vmem_shared>>)
    %dma_wait3A_109 = arith.constant 0 : i32
    %dma_wait3A_110 = arith.constant 0 : i32
    %dma_wait3A_111 = arith.constant 0 : i32
    %dma_wait3A_112 = tpu.memref_slice %arg7[%dma_wait3A_109, %dma_wait3A_110, %dma_wait3A_111] : memref<2x8x125xi32, #tpu.memory_space<vmem>> -> memref<1x1x125xi32, #tpu.memory_space<vmem>>
    %dma_wait3A_113 = tpu.memref_squeeze %dma_wait3A_112 : memref<1x1x125xi32, #tpu.memory_space<vmem>> -> memref<125xi32, #tpu.memory_space<vmem>>
    %dma_wait3A_114 = arith.constant 0 : i32
    %dma_wait3A_115 = arith.constant 0 : i32
    %dma_wait3A_116 = tpu.memref_slice %arg2[%dma_wait3A_114, %dma_wait3A_115] : memref<10240x128xf32, #tpu.memory_space<hbm>> -> memref<10240x128xf32, #tpu.memory_space<hbm>>
    tpu.wait_indirect_dma semaphore(%arg11 : memref<!tpu.dma_semaphore, #tpu.memory_space<semaphore_mem>>) src(%dma_wait3A_116 : memref<10240x128xf32, #tpu.memory_space<hbm>>) dst(%arg9 : memref<125x128xf32, #tpu.memory_space<vmem>>)
    %barrier3A_117 = arith.constant 0 : index
    tpu.barrier barrier_id(%barrier3A_117)
    "tpu.region"() ({
      %run_scoped3A = tpu.sem_alloc : memref<!tpu.dma_semaphore, #tpu.memory_space<semaphore_mem>>
      %dma_start3A_118 = arith.constant 0 : i32
      %dma_start3A_119 = tpu.memref_slice %arg6[%arg0, %multiple_of3A_5, %dma_start3A_118] : memref<2x10240x128xf32, #tpu.memory_space<hbm>> -> memref<1x640x128xf32, #tpu.memory_space<hbm>>
      %dma_start3A_120 = tpu.memref_squeeze %dma_start3A_119 : memref<1x640x128xf32, #tpu.memory_space<hbm>> -> memref<640x128xf32, #tpu.memory_space<hbm>>
      %dma_start3A_121 = arith.constant 0 : i32
      %dma_start3A_122 = tpu.memref_slice %arg15[%multiple_of3A_5, %dma_start3A_121] : memref<10240x128xf32, #tpu.memory_space<vmem_shared>> -> memref<640x128xf32, #tpu.memory_space<vmem_shared>>
      tpu.enqueue_dma source(%dma_start3A_122 : memref<640x128xf32, #tpu.memory_space<vmem_shared>>) target(%dma_start3A_120 : memref<640x128xf32, #tpu.memory_space<hbm>>) target_semaphore(%run_scoped3A : memref<!tpu.dma_semaphore, #tpu.memory_space<semaphore_mem>>)
      %dma_wait3A_123 = arith.constant 0 : i32
      %dma_wait3A_124 = tpu.memref_slice %arg6[%arg0, %multiple_of3A_5, %dma_wait3A_123] : memref<2x10240x128xf32, #tpu.memory_space<hbm>> -> memref<1x640x128xf32, #tpu.memory_space<hbm>>
      %dma_wait3A_125 = tpu.memref_squeeze %dma_wait3A_124 : memref<1x640x128xf32, #tpu.memory_space<hbm>> -> memref<640x128xf32, #tpu.memory_space<hbm>>
      %dma_wait3A_126 = arith.constant 0 : i32
      %dma_wait3A_127 = tpu.memref_slice %arg15[%multiple_of3A_5, %dma_wait3A_126] : memref<10240x128xf32, #tpu.memory_space<vmem_shared>> -> memref<640x128xf32, #tpu.memory_space<vmem_shared>>
      tpu.wait_dma2 semaphore(%run_scoped3A : memref<!tpu.dma_semaphore, #tpu.memory_space<semaphore_mem>>) src(%dma_wait3A_127 : memref<640x128xf32, #tpu.memory_space<vmem_shared>>) dst(%dma_wait3A_125 : memref<640x128xf32, #tpu.memory_space<hbm>>)
      tpu.yield
    }) : () -> ()
    return
  }
}

module attributes {stable_mosaic.version = 14 : i64} {
  func.func @_tc_proj_body(%arg0: i32, %arg1: memref<2x2048x1xf32, #tpu.memory_space<vmem>>, %arg2: memref<2048x128xf32, #tpu.memory_space<vmem>>, %arg3: memref<128x128xf32, #tpu.memory_space<vmem>>, %arg4: memref<1x128xf32, #tpu.memory_space<vmem>>, %arg5: memref<128x128xf32, #tpu.memory_space<vmem>>, %arg6: memref<2048x128xf32, #tpu.memory_space<vmem>>, %arg7: memref<2048x128xf32, #tpu.memory_space<vmem>>) attributes {dimension_semantics = [#tpu.dimension_semantics<arbitrary>], iteration_bounds = array<i64: 5>, scalar_prefetch = 0 : i64, scratch_operands = 0 : i64, tpu.core_type = #tpu.core_type<tc>, window_params = [{transform_indices = @transform_0, window_bounds = array<i64: 2, 2048, 1>}, {transform_indices = @transform_1, window_bounds = array<i64: 2048, 128>}, {pipeline_mode = #tpu.pipeline_mode<synchronous>, transform_indices = @transform_2, window_bounds = array<i64: 128, 128>}, {pipeline_mode = #tpu.pipeline_mode<synchronous>, transform_indices = @transform_3, window_bounds = array<i64: 1, 128>}, {pipeline_mode = #tpu.pipeline_mode<synchronous>, transform_indices = @transform_4, window_bounds = array<i64: 128, 128>}, {transform_indices = @transform_5, window_bounds = array<i64: 2048, 128>}, {transform_indices = @transform_6, window_bounds = array<i64: 2048, 128>}]} {
    %get3A = arith.constant 0 : index
    %get3A_0 = arith.constant 0 : index
    %get3A_1 = arith.constant 0 : index
    %get3A_2 = vector.load %arg1[%get3A, %get3A_0, %get3A_1] : memref<2x2048x1xf32, #tpu.memory_space<vmem>>, vector<2x2048x1xf32>
    %reduce_sum3A = arith.constant dense<0.000000e+00> : vector<2048x1xf32>
    %reduce_sum3A_3 = vector.multi_reduction <add>, %get3A_2, %reduce_sum3A [0] : vector<2x2048x1xf32> to vector<2048x1xf32>
    %add3A = arith.constant 1.000000e+00 : f32
    %add3A_4 = vector.broadcast %add3A : f32 to vector<2048x1xf32>
    %add3A_5 = arith.addf %reduce_sum3A_3, %add3A_4 : vector<2048x1xf32>
    %rsqrt3A = math.rsqrt %add3A_5 : vector<2048x1xf32>
    %get3A_6 = arith.constant 0 : index
    %get3A_7 = arith.constant 0 : index
    %get3A_8 = vector.load %arg2[%get3A_6, %get3A_7] : memref<2048x128xf32, #tpu.memory_space<vmem>>, vector<2048x128xf32>
    %get3A_9 = arith.constant 0 : index
    %get3A_10 = arith.constant 0 : index
    %get3A_11 = vector.load %arg3[%get3A_9, %get3A_10] : memref<128x128xf32, #tpu.memory_space<vmem>>, vector<128x128xf32>
    %dot_general3A = arith.constant dense<0.000000e+00> : vector<2048x128xf32>
    %dot_general3A_12 = tpu.matmul %get3A_8, %get3A_11, %dot_general3A {dimension_numbers = #tpu.dot_dimension_numbers<[1], [0], [0], [1], [0, 0, 1, 1], [], []>, precision = #tpu.contract_precision<fp32>, transpose_lhs_hint = false} : vector<2048x128xf32>, vector<128x128xf32>, vector<2048x128xf32> -> vector<2048x128xf32>
    %get3A_13 = arith.constant 0 : index
    %get3A_14 = arith.constant 0 : index
    %get3A_15 = vector.load %arg4[%get3A_13, %get3A_14] : memref<1x128xf32, #tpu.memory_space<vmem>>, vector<1x128xf32>
    %add3A_16 = vector.broadcast %get3A_15 : vector<1x128xf32> to vector<2048x128xf32>
    %add3A_17 = arith.addf %dot_general3A_12, %add3A_16 : vector<2048x128xf32>
    %mul3A = arith.constant 5.000000e-01 : f32
    %mul3A_18 = vector.broadcast %mul3A : f32 to vector<2048x128xf32>
    %mul3A_19 = arith.mulf %mul3A_18, %add3A_17 : vector<2048x128xf32>
    %mul3A_20 = arith.constant 0.707106769 : f32
    %mul3A_21 = vector.broadcast %mul3A_20 : f32 to vector<2048x128xf32>
    %mul3A_22 = arith.mulf %add3A_17, %mul3A_21 : vector<2048x128xf32>
    %erf3A = math.erf %mul3A_22 : vector<2048x128xf32>
    %add3A_23 = arith.constant 1.000000e+00 : f32
    %add3A_24 = vector.broadcast %add3A_23 : f32 to vector<2048x128xf32>
    %add3A_25 = arith.addf %add3A_24, %erf3A : vector<2048x128xf32>
    %mul3A_26 = arith.mulf %mul3A_19, %add3A_25 : vector<2048x128xf32>
    %get3A_27 = arith.constant 0 : index
    %get3A_28 = arith.constant 0 : index
    %get3A_29 = vector.load %arg5[%get3A_27, %get3A_28] : memref<128x128xf32, #tpu.memory_space<vmem>>, vector<128x128xf32>
    %dot_general3A_30 = arith.constant dense<0.000000e+00> : vector<2048x128xf32>
    %dot_general3A_31 = tpu.matmul %mul3A_26, %get3A_29, %dot_general3A_30 {dimension_numbers = #tpu.dot_dimension_numbers<[1], [0], [0], [1], [0, 0, 1, 1], [], []>, precision = #tpu.contract_precision<fp32>, transpose_lhs_hint = false} : vector<2048x128xf32>, vector<128x128xf32>, vector<2048x128xf32> -> vector<2048x128xf32>
    %mul3A_32 = vector.broadcast %rsqrt3A : vector<2048x1xf32> to vector<2048x128xf32>
    %mul3A_33 = arith.mulf %dot_general3A_31, %mul3A_32 : vector<2048x128xf32>
    %swap3A = arith.constant 0 : index
    %swap3A_34 = arith.constant 0 : index
    %swap3A_35 = vector.load %arg6[%swap3A, %swap3A_34] : memref<2048x128xf32, #tpu.memory_space<vmem>>, vector<2048x128xf32>
    tpu.vector_store %arg6[%swap3A, %swap3A_34], %mul3A_33 {strides = array<i32>} : memref<2048x128xf32, #tpu.memory_space<vmem>>, vector<2048x128xf32>,
    %broadcast_in_dim3A = vector.shape_cast %rsqrt3A : vector<2048x1xf32> to vector<2048x1xf32>
    %broadcast_in_dim3A_36 = vector.broadcast %broadcast_in_dim3A : vector<2048x1xf32> to vector<2048x128xf32>
    %swap3A_37 = arith.constant 0 : index
    %swap3A_38 = arith.constant 0 : index
    %swap3A_39 = vector.load %arg7[%swap3A_37, %swap3A_38] : memref<2048x128xf32, #tpu.memory_space<vmem>>, vector<2048x128xf32>
    tpu.vector_store %arg7[%swap3A_37, %swap3A_38], %broadcast_in_dim3A_36 {strides = array<i32>} : memref<2048x128xf32, #tpu.memory_space<vmem>>, vector<2048x128xf32>,
    return
  }
  func.func @transform_0(%arg0: i32) -> (i32, i32, i32) {
    %c0_i32 = arith.constant 0 : i32
    %c0_i32_0 = arith.constant 0 : i32
    %c0_i32_1 = arith.constant 0 : i32
    return %c0_i32, %arg0, %c0_i32_0 : i32, i32, i32
  }
  func.func @transform_1(%arg0: i32) -> (i32, i32) {
    %c0_i32 = arith.constant 0 : i32
    %c0_i32_0 = arith.constant 0 : i32
    return %arg0, %c0_i32 : i32, i32
  }
  func.func @transform_2(%arg0: i32) -> (i32, i32) {
    %c0_i32 = arith.constant 0 : i32
    %c0_i32_0 = arith.constant 0 : i32
    %c0_i32_1 = arith.constant 0 : i32
    return %c0_i32, %c0_i32_0 : i32, i32
  }
  func.func @transform_3(%arg0: i32) -> (i32, i32) {
    %c0_i32 = arith.constant 0 : i32
    %c0_i32_0 = arith.constant 0 : i32
    %c0_i32_1 = arith.constant 0 : i32
    return %c0_i32, %c0_i32_0 : i32, i32
  }
  func.func @transform_4(%arg0: i32) -> (i32, i32) {
    %c0_i32 = arith.constant 0 : i32
    %c0_i32_0 = arith.constant 0 : i32
    %c0_i32_1 = arith.constant 0 : i32
    return %c0_i32, %c0_i32_0 : i32, i32
  }
  func.func @transform_5(%arg0: i32) -> (i32, i32) {
    %c0_i32 = arith.constant 0 : i32
    %c0_i32_0 = arith.constant 0 : i32
    return %arg0, %c0_i32 : i32, i32
  }
  func.func @transform_6(%arg0: i32) -> (i32, i32) {
    %c0_i32 = arith.constant 0 : i32
    %c0_i32_0 = arith.constant 0 : i32
    return %arg0, %c0_i32 : i32, i32
  }
}

module attributes {stable_mosaic.version = 14 : i64} {
  func.func @_tc_combine_body(%arg0: i32, %arg1: memref<2x2048x128xf32, #tpu.memory_space<vmem>>, %arg2: memref<2048x128xf32, #tpu.memory_space<vmem>>, %arg3: memref<2048x128xf32, #tpu.memory_space<vmem>>, %arg4: memref<1x128xf32, #tpu.memory_space<vmem>>, %arg5: memref<128x128xf32, #tpu.memory_space<vmem>>, %arg6: memref<2048x128xf32, #tpu.memory_space<vmem>>) attributes {dimension_semantics = [#tpu.dimension_semantics<arbitrary>], iteration_bounds = array<i64: 5>, scalar_prefetch = 0 : i64, scratch_operands = 0 : i64, tpu.core_type = #tpu.core_type<tc>, window_params = [{transform_indices = @transform_0, window_bounds = array<i64: 2, 2048, 128>}, {transform_indices = @transform_1, window_bounds = array<i64: 2048, 128>}, {transform_indices = @transform_2, window_bounds = array<i64: 2048, 128>}, {pipeline_mode = #tpu.pipeline_mode<synchronous>, transform_indices = @transform_3, window_bounds = array<i64: 1, 128>}, {pipeline_mode = #tpu.pipeline_mode<synchronous>, transform_indices = @transform_4, window_bounds = array<i64: 128, 128>}, {transform_indices = @transform_5, window_bounds = array<i64: 2048, 128>}]} {
    %get3A = arith.constant 0 : index
    %get3A_0 = arith.constant 0 : index
    %get3A_1 = vector.load %arg3[%get3A, %get3A_0] : memref<2048x128xf32, #tpu.memory_space<vmem>>, vector<2048x128xf32>
    %get3A_2 = arith.constant 0 : index
    %get3A_3 = arith.constant 0 : index
    %get3A_4 = arith.constant 0 : index
    %get3A_5 = vector.load %arg1[%get3A_2, %get3A_3, %get3A_4] : memref<2x2048x128xf32, #tpu.memory_space<vmem>>, vector<1x2048x128xf32>
    %get3A_6 = vector.shape_cast %get3A_5 : vector<1x2048x128xf32> to vector<2048x128xf32>
    %get3A_7 = arith.constant 1 : index
    %get3A_8 = arith.constant 0 : index
    %get3A_9 = arith.constant 0 : index
    %get3A_10 = vector.load %arg1[%get3A_7, %get3A_8, %get3A_9] : memref<2x2048x128xf32, #tpu.memory_space<vmem>>, vector<1x2048x128xf32>
    %get3A_11 = vector.shape_cast %get3A_10 : vector<1x2048x128xf32> to vector<2048x128xf32>
    %add3A = arith.addf %get3A_6, %get3A_11 : vector<2048x128xf32>
    %get3A_12 = arith.constant 0 : index
    %get3A_13 = arith.constant 0 : index
    %get3A_14 = vector.load %arg2[%get3A_12, %get3A_13] : memref<2048x128xf32, #tpu.memory_space<vmem>>, vector<2048x128xf32>
    %add3A_15 = arith.addf %add3A, %get3A_14 : vector<2048x128xf32>
    %mul3A = arith.mulf %get3A_1, %add3A_15 : vector<2048x128xf32>
    %get3A_16 = arith.constant 0 : index
    %get3A_17 = arith.constant 0 : index
    %get3A_18 = vector.load %arg4[%get3A_16, %get3A_17] : memref<1x128xf32, #tpu.memory_space<vmem>>, vector<1x128xf32>
    %add3A_19 = vector.broadcast %get3A_18 : vector<1x128xf32> to vector<2048x128xf32>
    %add3A_20 = arith.addf %mul3A, %add3A_19 : vector<2048x128xf32>
    %get3A_21 = arith.constant 0 : index
    %get3A_22 = arith.constant 0 : index
    %get3A_23 = vector.load %arg5[%get3A_21, %get3A_22] : memref<128x128xf32, #tpu.memory_space<vmem>>, vector<128x128xf32>
    %dot_general3A = arith.constant dense<0.000000e+00> : vector<2048x128xf32>
    %dot_general3A_24 = tpu.matmul %add3A_20, %get3A_23, %dot_general3A {dimension_numbers = #tpu.dot_dimension_numbers<[1], [0], [0], [1], [0, 0, 1, 1], [], []>, precision = #tpu.contract_precision<fp32>, transpose_lhs_hint = false} : vector<2048x128xf32>, vector<128x128xf32>, vector<2048x128xf32> -> vector<2048x128xf32>
    %get3A_25 = arith.constant 0 : index
    %get3A_26 = arith.constant 0 : index
    %get3A_27 = vector.load %arg3[%get3A_25, %get3A_26] : memref<2048x128xf32, #tpu.memory_space<vmem>>, vector<2048x128xf32>
    %mul3A_28 = arith.mulf %dot_general3A_24, %get3A_27 : vector<2048x128xf32>
    %swap3A = arith.constant 0 : index
    %swap3A_29 = arith.constant 0 : index
    %swap3A_30 = vector.load %arg6[%swap3A, %swap3A_29] : memref<2048x128xf32, #tpu.memory_space<vmem>>, vector<2048x128xf32>
    tpu.vector_store %arg6[%swap3A, %swap3A_29], %mul3A_28 {strides = array<i32>} : memref<2048x128xf32, #tpu.memory_space<vmem>>, vector<2048x128xf32>,
    return
  }
  func.func @transform_0(%arg0: i32) -> (i32, i32, i32) {
    %c0_i32 = arith.constant 0 : i32
    %c0_i32_0 = arith.constant 0 : i32
    %c0_i32_1 = arith.constant 0 : i32
    return %c0_i32, %arg0, %c0_i32_0 : i32, i32, i32
  }
  func.func @transform_1(%arg0: i32) -> (i32, i32) {
    %c0_i32 = arith.constant 0 : i32
    %c0_i32_0 = arith.constant 0 : i32
    return %arg0, %c0_i32 : i32, i32
  }
  func.func @transform_2(%arg0: i32) -> (i32, i32) {
    %c0_i32 = arith.constant 0 : i32
    %c0_i32_0 = arith.constant 0 : i32
    return %arg0, %c0_i32 : i32, i32
  }
  func.func @transform_3(%arg0: i32) -> (i32, i32) {
    %c0_i32 = arith.constant 0 : i32
    %c0_i32_0 = arith.constant 0 : i32
    %c0_i32_1 = arith.constant 0 : i32
    return %c0_i32, %c0_i32_0 : i32, i32
  }
  func.func @transform_4(%arg0: i32) -> (i32, i32) {
    %c0_i32 = arith.constant 0 : i32
    %c0_i32_0 = arith.constant 0 : i32
    %c0_i32_1 = arith.constant 0 : i32
    return %c0_i32, %c0_i32_0 : i32, i32
  }
  func.func @transform_5(%arg0: i32) -> (i32, i32) {
    %c0_i32 = arith.constant 0 : i32
    %c0_i32_0 = arith.constant 0 : i32
    return %arg0, %c0_i32 : i32, i32
  }
}

module attributes {stable_mosaic.version = 14 : i64} {
  func.func @_tc_final_body(%arg0: i32, %arg1: memref<2x2048x128xf32, #tpu.memory_space<vmem>>, %arg2: memref<2048x128xf32, #tpu.memory_space<vmem>>, %arg3: memref<2048x128xf32, #tpu.memory_space<vmem>>, %arg4: memref<1x128xf32, #tpu.memory_space<vmem>>, %arg5: memref<2048x128xf32, #tpu.memory_space<vmem>>) attributes {dimension_semantics = [#tpu.dimension_semantics<arbitrary>], iteration_bounds = array<i64: 5>, scalar_prefetch = 0 : i64, scratch_operands = 0 : i64, tpu.core_type = #tpu.core_type<tc>, window_params = [{transform_indices = @transform_0, window_bounds = array<i64: 2, 2048, 128>}, {transform_indices = @transform_1, window_bounds = array<i64: 2048, 128>}, {transform_indices = @transform_2, window_bounds = array<i64: 2048, 128>}, {pipeline_mode = #tpu.pipeline_mode<synchronous>, transform_indices = @transform_3, window_bounds = array<i64: 1, 128>}, {transform_indices = @transform_4, window_bounds = array<i64: 2048, 128>}]} {
    %get3A = arith.constant 0 : index
    %get3A_0 = arith.constant 0 : index
    %get3A_1 = vector.load %arg3[%get3A, %get3A_0] : memref<2048x128xf32, #tpu.memory_space<vmem>>, vector<2048x128xf32>
    %get3A_2 = arith.constant 0 : index
    %get3A_3 = arith.constant 0 : index
    %get3A_4 = arith.constant 0 : index
    %get3A_5 = vector.load %arg1[%get3A_2, %get3A_3, %get3A_4] : memref<2x2048x128xf32, #tpu.memory_space<vmem>>, vector<1x2048x128xf32>
    %get3A_6 = vector.shape_cast %get3A_5 : vector<1x2048x128xf32> to vector<2048x128xf32>
    %get3A_7 = arith.constant 1 : index
    %get3A_8 = arith.constant 0 : index
    %get3A_9 = arith.constant 0 : index
    %get3A_10 = vector.load %arg1[%get3A_7, %get3A_8, %get3A_9] : memref<2x2048x128xf32, #tpu.memory_space<vmem>>, vector<1x2048x128xf32>
    %get3A_11 = vector.shape_cast %get3A_10 : vector<1x2048x128xf32> to vector<2048x128xf32>
    %add3A = arith.addf %get3A_6, %get3A_11 : vector<2048x128xf32>
    %get3A_12 = arith.constant 0 : index
    %get3A_13 = arith.constant 0 : index
    %get3A_14 = vector.load %arg2[%get3A_12, %get3A_13] : memref<2048x128xf32, #tpu.memory_space<vmem>>, vector<2048x128xf32>
    %add3A_15 = arith.addf %add3A, %get3A_14 : vector<2048x128xf32>
    %mul3A = arith.mulf %get3A_1, %add3A_15 : vector<2048x128xf32>
    %get3A_16 = arith.constant 0 : index
    %get3A_17 = arith.constant 0 : index
    %get3A_18 = vector.load %arg4[%get3A_16, %get3A_17] : memref<1x128xf32, #tpu.memory_space<vmem>>, vector<1x128xf32>
    %add3A_19 = vector.broadcast %get3A_18 : vector<1x128xf32> to vector<2048x128xf32>
    %add3A_20 = arith.addf %mul3A, %add3A_19 : vector<2048x128xf32>
    %swap3A = arith.constant 0 : index
    %swap3A_21 = arith.constant 0 : index
    %swap3A_22 = vector.load %arg5[%swap3A, %swap3A_21] : memref<2048x128xf32, #tpu.memory_space<vmem>>, vector<2048x128xf32>
    tpu.vector_store %arg5[%swap3A, %swap3A_21], %add3A_20 {strides = array<i32>} : memref<2048x128xf32, #tpu.memory_space<vmem>>, vector<2048x128xf32>,
    return
  }
  func.func @transform_0(%arg0: i32) -> (i32, i32, i32) {
    %c0_i32 = arith.constant 0 : i32
    %c0_i32_0 = arith.constant 0 : i32
    %c0_i32_1 = arith.constant 0 : i32
    return %c0_i32, %arg0, %c0_i32_0 : i32, i32, i32
  }
  func.func @transform_1(%arg0: i32) -> (i32, i32) {
    %c0_i32 = arith.constant 0 : i32
    %c0_i32_0 = arith.constant 0 : i32
    return %arg0, %c0_i32 : i32, i32
  }
  func.func @transform_2(%arg0: i32) -> (i32, i32) {
    %c0_i32 = arith.constant 0 : i32
    %c0_i32_0 = arith.constant 0 : i32
    return %arg0, %c0_i32 : i32, i32
  }
  func.func @transform_3(%arg0: i32) -> (i32, i32) {
    %c0_i32 = arith.constant 0 : i32
    %c0_i32_0 = arith.constant 0 : i32
    %c0_i32_1 = arith.constant 0 : i32
    return %c0_i32, %c0_i32_0 : i32, i32
  }
  func.func @transform_4(%arg0: i32) -> (i32, i32) {
    %c0_i32 = arith.constant 0 : i32
    %c0_i32_0 = arith.constant 0 : i32
    return %arg0, %c0_i32 : i32, i32
  }
}

</mosaic_0001>

<sc_bundles>
// kernel: kernel.10.cloned.1.call-start
scs
__scs_entry_jumppad:
0x0: {  	(pc) =	sbr.rel $0x88, $3  }
0x1: {  	(tag) =	ssettag $0x0;
	lr =	simm.s32 $0x1  }
0x2: {  	[smem:$0x3F97] =	sst lr;
	_ =	strace $0xD0000000  }
0x3: {  	_ = 	snop  }
0x4: {  	_ = 	snop  }
0x5: {  	_ = 	snop  }
0x6: {  	_ = 	snop  }
0x7: {  	_ = 	snop  }
__scs_overlays_trampoline_lowered:
0x8: {  	[smem:$0x3FA6] =	sst s0  }
0x9: {  	[smem:$0x3FA7] =	sst s1  }
0xa: {  	[smem:$0x3FA8] =	sst s2  }
0xb: {  	[smem:$0x3FA9] =	sst s3  }
0xc: {  	[smem:$0x3FAA] =	sst s4  }
0xd: {  	[smem:$0x3FAB] =	sst s5  }
0xe: {  	[smem:$0x3FAC] =	sst s6  }
0xf: {  	[smem:$0x3FAD] =	sst s7  }
0x10: {  	[smem:$0x3FAE] =	sst s8  }
0x11: {  	[smem:$0x3FAF] =	sst s9;
	s0 =	simm.s32 @!p0 $0x0  }
0x12: {  	s1 =	sld [smem:$0x3F95];
	s0 =	simm.s32 @p0 $0x1  }
0x13: {  	[smem:$0x3FB0] =	sst s0;
	s0 =	simm.s32 @!p1 $0x0  }
0x14: {  	s2 =	sld [smem:$0x3F94];
	s0 =	simm.s32 @p1 $0x1  }
0x15: {  	[smem:$0x3FB1] =	sst s0;
	s0 =	simm.s32 @!p2 $0x0  }
0x16: {  	s3 =	sld [smem:$0x3FDB];
	s0 =	simm.s32 @p2 $0x1  }
0x17: {  	s4 =	simm.s32 $0x1BF5;
	[smem:$0x3FB3] =	sst s0  }
0x18: {  	s0 =	sld [smem:$0x3F96];
	_ =	swait.ge [sflag:s4], $0x0  }
0x19: {  	s7 =	sld [smem:$0x3F97]  }
0x1a: {  	s8 =	sadd.s32 $0xFFFFE003, lr  }
0x1b: {  	s9 =	sadd.s32 $0xFFFFFEF7, lr;
	s5 =	simm.s32 $0xFFFFFFFF;
	p2 =	slt.u32 s8, $0xFFFFF086  }
0x1c: {  	p1 =	slt.u32 s9, $0xF7A;
	s5 =	simm.s32 @!p2 $0x0  }
0x1d: {  	s5 =	simm.s32 @p1 $0x1;
	p0 =	seq.s32 s7, s2  }
0x1e: {  	s7 =	smul.u32 @!p0 $0xF7A, s2;
	p2 =	seq.s32 @!p0 s5, $0x0  }
0x1f: {  	s9 =	smul.u32 $0xF7A, s1;
	s8 =	simm.s32 @!p0 $0x1BF5;
	p2 =	por !p2, p0  }
0x20: {  	[sflag:s8] =	ssyncset.s32 @!p0 $0xFFFFF086;
	s6 =	sadd.s32 @!p0 s3, s7;
	s7 =	simm.s32 @!p0 $0x108  }
0x21: {  	s3 =	sadd.s32 s3, s9;
	s6 =	sadd.s32 @!p0 $0x88, s6;
	s7 =	simm.s32 @p2 $0x1082  }
0x22: {  	[simem:s7], [sflag:s8] =	dma.local @!p0 [hbm:s6], $0xF7A  }
0x23: {  	s9 =	sor.u32 $0xD0000000, s2;
	s6 =	simm.s32 $0x108;
	_ =	swait.ge @!p0 [sflag:s8], $0x0  }
0x24: {  	s3 =	sadd.s32 $0x88, s3;
	s6 =	simm.s32 @!p1 $0x1082;
	[sflag:s4] =	ssyncset.s32 $0xFFFFF086  }
0x25: {  	[simem:s6], [sflag:s4] =	dma.local [hbm:s3], $0xF7A  }
0x26: {  	[smem:$0x3F97] =	sst s1;
	(tag) =	ssettag s2;
	_ =	strace s9  }
0x27: {  	s1 =	sld [smem:$0x3FA7]  }
0x28: {  	s2 =	sld [smem:$0x3FA8]  }
0x29: {  	s4 =	sld [smem:$0x3FAA]  }
0x2a: {  	p0 =	seq.s32 s5, $0x0;
	s5 =	sld [smem:$0x3FAB]  }
0x2b: {  	s6 =	sld [smem:$0x3FAC]  }
0x2c: {  	s7 =	sld [smem:$0x3FAD]  }
0x2d: {  	s3 =	simm.s32 $0x108;
	s8 =	sld [smem:$0x3FAE]  }
0x2e: {  	s3 =	simm.s32 @!p0 $0x1082;
	s9 =	sld [smem:$0x3FAF]  }
0x2f: {  	lr =	sadd.s32 s0, s3;
	s0 =	sld [smem:$0x3FA6]  }
0x30: {  	s3 =	sld [smem:$0x3FA9]  }
0x31: {  	[smem:$0x3FB2] =	sst s10  }
0x32: {  	s10 =	sld [smem:$0x3FB0];
	_ =	sdelay $0x3  }
0x33: {  	p0 =	seq.s32 s10, $0x1;
	s10 =	sld [smem:$0x3FB2];
	_ =	sdelay $0x3  }
0x34: {  	[smem:$0x3FB2] =	sst s10  }
0x35: {  	s10 =	sld [smem:$0x3FB1];
	_ =	sdelay $0x3  }
0x36: {  	p1 =	seq.s32 s10, $0x1;
	s10 =	sld [smem:$0x3FB2];
	_ =	sdelay $0x3  }
0x37: {  	[smem:$0x3FB2] =	sst s10  }
0x38: {  	s10 =	sld [smem:$0x3FB3]  }
0x39: {  	_ = 	snop;
	(pc) =	sbr.ind lr, $3  }
0x3a: {  	_ = 	snop  }
0x3b: {  	_ = 	snop  }
0x3c: {  	p2 =	seq.s32 s10, $0x1;
	s10 =	sld [smem:$0x3FB2]  }
0x3d: {  	_ =	shalt  }
0x3e: {  	_ =	shalt  }
0x3f: {  	_ =	shalt  }
0x40: {  	_ =	shalt  }
0x41: {  	_ =	shalt  }
0x42: {  	_ =	shalt  }
0x43: {  	_ =	shalt  }
0x44: {  	_ =	shalt  }
0x45: {  	_ =	shalt  }
0x46: {  	_ =	shalt  }
0x47: {  	_ =	shalt  }
0x48: {  	_ =	shalt  }
0x49: {  	_ =	shalt  }
0x4a: {  	_ =	shalt  }
0x4b: {  	_ =	shalt  }
0x4c: {  	_ =	shalt  }
0x4d: {  	_ =	shalt  }
0x4e: {  	_ =	shalt  }
0x4f: {  	_ =	shalt  }
0x50: {  	_ =	shalt  }
0x51: {  	_ =	shalt  }
0x52: {  	_ =	shalt  }
0x53: {  	_ =	shalt  }
0x54: {  	_ =	shalt  }
0x55: {  	_ =	shalt  }
0x56: {  	_ =	shalt  }
0x57: {  	_ =	shalt  }
0x58: {  	_ =	shalt  }
0x59: {  	_ =	shalt  }
0x5a: {  	_ =	shalt  }
0x5b: {  	_ =	shalt  }
0x5c: {  	_ =	shalt  }
0x5d: {  	_ =	shalt  }
0x5e: {  	_ =	shalt  }
0x5f: {  	_ =	shalt  }
0x60: {  	_ =	shalt  }
0x61: {  	_ =	shalt  }
0x62: {  	_ =	shalt  }
0x63: {  	_ =	shalt  }
0x64: {  	_ =	shalt  }
0x65: {  	_ =	shalt  }
0x66: {  	_ =	shalt  }
0x67: {  	_ =	shalt  }
0x68: {  	_ =	shalt  }
0x69: {  	_ =	shalt  }
0x6a: {  	_ =	shalt  }
0x6b: {  	_ =	shalt  }
0x6c: {  	_ =	shalt  }
0x6d: {  	_ =	shalt  }
0x6e: {  	_ =	shalt  }
0x6f: {  	_ =	shalt  }
0x70: {  	_ =	shalt  }
0x71: {  	_ =	shalt  }
0x72: {  	_ =	shalt  }
0x73: {  	_ =	shalt  }
0x74: {  	_ =	shalt  }
0x75: {  	_ =	shalt  }
0x76: {  	_ =	shalt  }
0x77: {  	_ =	shalt  }
0x78: {  	_ =	shalt  }
0x79: {  	_ =	shalt  }
0x7a: {  	_ =	shalt  }
0x7b: {  	_ =	shalt  }
0x7c: {  	_ =	shalt  }
0x7d: {  	_ =	shalt  }
0x7e: {  	_ =	shalt  }
0x7f: {  	_ =	shalt  }
0x80: {  	_ =	shalt  }
0x81: {  	_ =	shalt  }
0x82: {  	_ =	shalt  }
0x83: {  	_ =	shalt  }
0x84: {  	_ =	shalt  }
0x85: {  	_ =	shalt  }
0x86: {  	_ =	shalt  }
0x87: {  	_ =	shalt  }
.Lfunc_end0:
.L_simem_size_0:
called_computation_lowered:
.L_overlay_start_0:
0x88: {  	s2 =	sld [smem:$0x3FD9]  }
0x89: {  	s3 =	sld [smem:$0x3FFE];
	_ =	sdelay $0x1  }
0x8a: {  	s1 =	srdreg.scid  }
0x8b: {  	s0 =	sand.u32 $0x1, s1  }
0x8c: {  	s16 =	sshll.u32 s0, $0xA;
	s2 =	sadd.s32 s3, s2  }
0x8d: {  	s2 =	sadd.s32 s2, s16  }
0x8e: {  	[smem:$0x3FBE] =	sst s2  }
0x8f: {  	_ = 	snop  }
0x90: {  	(tm) =	ssettm $0x1  }
0x91: {  	s17 =	sld [smem:$0x3FFB];
	_ =	sdelay $0x3  }
0x92: {  	_ =	strace s17  }
0x93: {  	s2 =	sld [smem:$0x3FFC];
	_ =	sdelay $0x3  }
0x94: {  	_ =	strace s2  }
0x95: {  	s2 =	sld [smem:$0x3FFD];
	_ =	sdelay $0x3  }
0x96: {  	_ =	strace s2  }
0x97: {  	_ =	strace $0x8FFFFFFF  }
0x98: {  	s18 =	sld [smem:$0x3FDB];
	_ =	sdelay $0x1  }
0x99: {  	s19 =	simm.s32 $_scs_section_size  }
0x9a: {  	s4 =	simm.s32 $_size__tile_overlayer_lowered;
	s5 =	simm.s32 $_tile_overlayer_lowered  }
0x9b: {  	s22 =	simm.s32 $0x1BFF;
	s21 =	sshll.u32 s5, $0x1;
	s2 =	sadd.s32 s19, s18  }
0x9c: {  	s6 =	simm.s32 $0x0;
	s20 =	sshll.u32 s4, $0x1;
	s4 =	sadd.s32 s21, s2  }
0x9d: {  	[timem:s6], [sflag:s22] =	dma.local [hbm:s4], s20  }
0x9e: {  	_ =	swait.ge [sflag:s22], s20  }
0x9f: {  	s3 =	ssub.s32 $0x0, s20;
	[sflag:s22] =	ssyncset.done $0x0  }
0xa0: {  	[sflag:s22] =	ssyncadd.s32 s3;
	_ =	sdelay $0x1  }
0xa1: {  	s23 =	simm.s32 $0x1B8B  }
0xa2: {  	_ =	swait.ge [sflag:s23], $0x1  }
0xa3: {  	[sflag:s23] =	ssyncset.done $0x0  }
0xa4: {  	s25 =	simm.s32 $0x1B8E;
	s24 =	sld [smem:$0x3FFE];
	[sflag:s23] =	ssyncadd.s32 $0xFFFFFFFF  }
0xa5: {  	s26 =	simm.s32 $execute0_lowered;
	[smem:$0x3FD2] =	sst s25  }
0xa6: {  	s4 =	sshll.u32 s26, $0x1;
	_ =	strace $0x80000046;
	[dreg:$0x1] =	wrdreg $0xFFFFFFFF  }
0xa7: {  	s28 =	simm.s32 $_size_execute0_lowered;
	s2 =	sadd.s32 s2, s4;
	[dreg:$0x0] =	wrdreg $0x0  }
0xa8: {  	s4 =	sshll.u32 s28, $0x1;
	[dreg:$0x2] =	wrdreg s2  }
0xa9: {  	[dreg:$0x3] =	wrdreg s4  }
0xaa: {  	[dreg:$0x4] =	wrdreg $0xC0  }
0xab: {  	_ =	task [dreg:s6], $0x5FFFF  }
0xac: {  	[dreg:$0x1] =	wrdreg $0xFFFFFFFF  }
0xad: {  	[dreg:$0x0] =	wrdreg $0x60  }
0xae: {  	[dreg:$0x2] =	wrdreg s24  }
0xaf: {  	[dreg:$0x3] =	wrdreg $0x50000  }
0xb0: {  	[dreg:$0x4] =	wrdreg $0x9  }
0xb1: {  	_ =	task.clear_ibuf [dreg:s6], $0x5FFFF;
	_ =	strace $0x90000046  }
0xb2: {  	s29 =	simm.s32 $0x9;
	_ =	strace $0x80000048  }
0xb3: {  	_ =	swait.ge [sflag:s29], $0x1  }
0xb4: {  	[sflag:s29] =	ssyncadd.s32 $0xFFFFFFFF  }
0xb5: {  	_ =	strace $0x90000048  }
0xb6: {  	_ =	sfence  }
0xb7: {  	s30 =	sld [smem:$0x0];
	_ =	sdelay $0x2  }
0xb8: {  	s31 =	sshll.u32 s1, $0xD;
	s1 =	sshrl.u32 s1, $0x2  }
0xb9: {  	s3 =	sand.u32 $0x4000, s31;
	s1 =	sadd.s32 s1, s30  }
0xba: {  	s0 =	sor.u32 s3, s0;
	s1 =	sshll.u32 s1, $0x11  }
0xbb: {  	s0 =	sor.u32 s1, s0  }
0xbc: {  	s0 =	sadd.s32 $0x8F2B, s0  }
0xbd: {  	[sflag:s0] =	ssyncadd.remote.s32 $0x1  }
0xbe: {  	_ =	sfence.sel $0xFFFF  }
0xbf: {  	[dreg:$0x0] =	wrdreg $0xFFFFFFFF;
	(pc) =	sbr.abs _section_cstart, $3  }
0xc0: {  	[dreg:$0x1] =	wrdreg $0xFFFFFFFF  }
0xc1: {  	_ =	task.clear_ibuf [dreg:s6], $0x2FFFF;
	_ =	strace $0x9FFFFFFF  }
0xc2: {  	(tm) =	ssettm $0x7FFFFFFF  }
0xc3: {  	_ =	shalt  }
tec
execute0_lowered:
.L_overlay_start_1:
0x0: {  	(tag) =	ssettag $0x1  }
0x1: {  	s0 =	srdreg.scid;
	s5 =	rddreg [dreg:$0x0]  }
0x2: {  	s9 =	stileid.u32;
	s1 =	rddreg [dreg:$0x1];
	s2 =	simm.s32 $0x0  }
0x3: {  	s11 =	simm.s32 $0x4F80;
	s13 =	simm.s32 $0x50;
	s14 =	simm.s32 $0x0  }
0x4: {  	s4 =	sand.u32 $0x1, s0;
	s30 =	sshll.u32 s9, $0x1;
	s0 =	rddreg [dreg:$0x2]  }
0x5: {  	[smem:$0x7FF] =	sst s2;
	s10 =	smul.u32 $0x2800, s9;
	p0 =	sne.s32 s9, $0x0  }
0x6: {  	s9 =	simm.s32 $0x1;
	s3 =	sor.u32 s4, s30;
	s7 =	smul.u32 $0x500, s4  }
0x7: {  	_ =	strace $0x80000047;
	s8 =	ssub.s32 $0x2, s4;
	s3 =	smul.u32 $0x4E2, s3  }
0x8: {  	s4 =	sadd.s32 $0xD000, s5;
	s12 =	sshrl.u32 @!p0 s1, $0x3;
	s31 =	sshrl.u32 s8, $0x1  }
0x9: {  	s7 =	sadd.s32 s7, s5;
	s8 =	ssub.s32 s8, s31;
	s6 =	sadd.s32 s3, s5  }
0xa: {  	s3 =	sadd.s32 $0xCE00, s5;
	s7 =	sadd.s32 $0x35000, s7;
	s8 =	smax.u32 s8, $0x1  }
0xb: {  	s5 =	sadd.s32 $0x3000, s6;
	s6 =	sadd.s32 s4, s10;
	s10 =	simm.s32 $0x2780  }
.LBB2_1:
0xc: {  	[tilespmem:s2], [sflag:$0x1] =	stream.linear.gather [hbm4b:s5+s2], $0x2710, $0x38;
	[tilespmem:$0x5280] =	vst v63  }
0xd: {  	_ =	swait.ge [sflag:s9], $0x2710  }
0xe: {  	[sflag:s9] =	ssyncset.done $0x0  }
0xf: {  	[sflag:s9] =	ssyncadd.s32 $0xFFFFD8F0  }
0x10: {  	[tilespmem:s10], [sflag:$0x1] =	stream.linear.gather [hbm4b:s6+s2], $0x2800, $0x38;
	[tilespmem:$0x5280] =	vst v63  }
0x11: {  	_ =	swait.ge [sflag:s9], $0x2800  }
0x12: {  	[sflag:s9] =	ssyncset.done $0x0  }
0x13: {  	[sflag:s9] =	ssyncadd.s32 $0xFFFFD800  }
0x14: {  	[tilespmem:s11], [sflag:$0x1] =	stream.linear.gather [hbm4b:s3+s2], $0x80, $0x38;
	[tilespmem:$0x5280] =	vst v63  }
0x15: {  	_ =	swait.ge [sflag:s9], $0x80  }
0x16: {  	[sflag:s9] =	ssyncset.done $0x0  }
0x17: {  	s15 =	simm.s32 @!p0 $0x1C01;
	[sflag:s9] =	ssyncadd.s32 $0xFFFFFF80  }
0x18: {  	[spmem:s12], [sflag:s15] =	dma.local @!p0 [hbm:s4], $0x500  }
0x19: {  	s15 =	simm.s32 @!p0 $0x1  }
0x1a: {  	_ =	swait.ge @!p0 [sflag:s15], $0x500  }
0x1b: {  	[sflag:s15] =	ssyncset.done @!p0 $0x0  }
0x1c: {  	s16 =	simm.s32 $0x0;
	[sflag:s15] =	ssyncadd.s32 @!p0 $0xFFFFFB00;
	s15 =	simm.s32 $0x40  }
.LBB2_2:
0x1d: {  	p1 =	sne.s32 s15, $0x9C00;
	v0 =	vld [tilespmem:s16+$0x0];
	_ =	sdelay $0x4  }
0x1e: {  	(xrf1) =	vunique.msk.u32 $0xffff, v0;
	_ =	sdelay $0xd  }
0x1f: {  	_, v1, vm0 =	vpop (xrf1);
	_ =	sdelay $0x1  }
.Ltmp0:
0x20: {  	(pc) =	sbr.rel @p1 .LBB2_2-.Ltmp0, $3  }
0x21: {  	_ = 	snop  }
0x22: {  	v1 =	vcvt.s32.f32 v1;
	_ =	sdelay $0x1  }
0x23: {  	s16 =	sshra.s32 s15, $0x2;
	s15 =	sadd.s32 $0x40, s15;
	[tilespmem:v0+s10+$0x0] =	vst.idx.add.f32.msk vm0, v1  }
0x24: {  	v0 =	vld [tilespmem:s16+$0x0];
	_ =	sdelay $0x4  }
0x25: {  	(xrf1) =	vunique.msk.u32 $0xffff, v0;
	_ =	sdelay $0xd  }
0x26: {  	_, v1, vm0 =	vpop (xrf1);
	_ =	sdelay $0x3  }
0x27: {  	v1 =	vcvt.s32.f32 v1;
	_ =	sdelay $0x1  }
0x28: {  	[tilespmem:v0+s10+$0x0] =	vst.idx.add.f32.msk vm0, v1  }
0x29: {  	[bflag:$0x0] =	sbarrier.arrive $0xFFFF  }
0x2a: {  	[spmem:s1] =	stream.indirect.scatter.add.f32 [tilespmem:s10], [sflag:$0x1], $0x80, s11, s13, $0xb8;
	[tilespmem:$0x5280] =	vst v63  }
0x2b: {  	_ =	swait.ge [sflag:s9], $0x2800  }
0x2c: {  	[sflag:s9] =	ssyncset.done $0x0  }
0x2d: {  	s14 =	sadd.s32 $0x1, s14;
	[sflag:s9] =	ssyncadd.s32 $0xFFFFD800  }
0x2e: {  	s15 =	simm.s32 @!p0 $0x1C01;
	p1 =	sne.s32 s14, s8;
	[bflag:$0x0] =	sbarrier.arrive $0xFFFF  }
0x2f: {  	[hbm:s7], [sflag:s15] =	dma.local @!p0 [spmem:s12], $0x500  }
.Ltmp1:
0x30: {  	_ = 	snop;
	(pc) =	sbr.rel @p1 .LBB2_1-.Ltmp1, $4  }
0x31: {  	s15 =	simm.s32 @!p0 $0x1  }
0x32: {  	_ =	swait.ge @!p0 [sflag:s15], $0x500  }
0x33: {  	[sflag:s15] =	ssyncset.done @!p0 $0x0  }
0x34: {  	[sflag:s15] =	ssyncadd.s32 @!p0 $0xFFFFFB00  }
0x35: {  	_ =	sfence.sel $0x180000  }
0x36: {  	[bflag:$0x0] =	sbarrier.arrive $0xFFFF  }
0x37: {  	_ =	strace $0x90000047  }
0x38: {  	s0 =	sadd.s32 @!p0 $0x100000, s0;
	[bflag:$0x2] =	sbarrier.arrive $0xFFFF  }
0x39: {  	[sflag:s0] =	ssyncadd.tile.s32 @!p0 $0x1;
	_ =	shalt  }
.Lfunc_end2:
_tile_overlayer_lowered:
.L_overlay_start_2:
0x3a: {  	(tag) =	ssettag $0x2  }
0x3b: {  	s0 =	rddreg [dreg:$0x0];
	s2 =	stileid.u32  }
0x3c: {  	s1 =	rddreg [dreg:$0x1];
	p0 =	sne.s32 s2, $0x0  }
0x3d: {  	s3 =	rddreg [dreg:$0x2];
	[bflag:$0x3] =	sbarrier.arrive $0xFFFF;
	s2 =	simm.s32 @!p0 $0x1C01  }
0x3e: {  	[timem:s3], [sflag:s2] =	dma.local @!p0 [hbm:s0], s1  }
0x3f: {  	s0 =	simm.s32 @!p0 $0x1  }
0x40: {  	_ =	swait.ge @!p0 [sflag:s0], s1  }
0x41: {  	s1 =	ssub.s32 @!p0 $0x0, s1;
	[sflag:s0] =	ssyncset.done @!p0 $0x0  }
0x42: {  	[sflag:s0] =	ssyncadd.s32 @!p0 s1  }
0x43: {  	[bflag:$0x3] =	sbarrier.arrive $0xFFFF  }
0x44: {  	_ =	shalt  }

// kernel: kernel.13.cloned.1.call-start
scs
__scs_entry_jumppad:
0x0: {  	(pc) =	sbr.rel $0x88, $3  }
0x1: {  	(tag) =	ssettag $0x0;
	lr =	simm.s32 $0x1  }
0x2: {  	[smem:$0x3F97] =	sst lr;
	_ =	strace $0xD0000000  }
0x3: {  	_ = 	snop  }
0x4: {  	_ = 	snop  }
0x5: {  	_ = 	snop  }
0x6: {  	_ = 	snop  }
0x7: {  	_ = 	snop  }
__scs_overlays_trampoline_lowered:
0x8: {  	[smem:$0x3FA6] =	sst s0  }
0x9: {  	[smem:$0x3FA7] =	sst s1  }
0xa: {  	[smem:$0x3FA8] =	sst s2  }
0xb: {  	[smem:$0x3FA9] =	sst s3  }
0xc: {  	[smem:$0x3FAA] =	sst s4  }
0xd: {  	[smem:$0x3FAB] =	sst s5  }
0xe: {  	[smem:$0x3FAC] =	sst s6  }
0xf: {  	[smem:$0x3FAD] =	sst s7  }
0x10: {  	[smem:$0x3FAE] =	sst s8  }
0x11: {  	[smem:$0x3FAF] =	sst s9;
	s0 =	simm.s32 @!p0 $0x0  }
0x12: {  	s1 =	sld [smem:$0x3F95];
	s0 =	simm.s32 @p0 $0x1  }
0x13: {  	[smem:$0x3FB0] =	sst s0;
	s0 =	simm.s32 @!p1 $0x0  }
0x14: {  	s2 =	sld [smem:$0x3F94];
	s0 =	simm.s32 @p1 $0x1  }
0x15: {  	[smem:$0x3FB1] =	sst s0;
	s0 =	simm.s32 @!p2 $0x0  }
0x16: {  	s3 =	sld [smem:$0x3FDB];
	s0 =	simm.s32 @p2 $0x1  }
0x17: {  	s4 =	simm.s32 $0x1BF5;
	[smem:$0x3FB3] =	sst s0  }
0x18: {  	s0 =	sld [smem:$0x3F96];
	_ =	swait.ge [sflag:s4], $0x0  }
0x19: {  	s7 =	sld [smem:$0x3F97]  }
0x1a: {  	s8 =	sadd.s32 $0xFFFFE003, lr  }
0x1b: {  	s9 =	sadd.s32 $0xFFFFFEF7, lr;
	s5 =	simm.s32 $0xFFFFFFFF;
	p2 =	slt.u32 s8, $0xFFFFF086  }
0x1c: {  	p1 =	slt.u32 s9, $0xF7A;
	s5 =	simm.s32 @!p2 $0x0  }
0x1d: {  	s5 =	simm.s32 @p1 $0x1;
	p0 =	seq.s32 s7, s2  }
0x1e: {  	s7 =	smul.u32 @!p0 $0xF7A, s2;
	p2 =	seq.s32 @!p0 s5, $0x0  }
0x1f: {  	s9 =	smul.u32 $0xF7A, s1;
	s8 =	simm.s32 @!p0 $0x1BF5;
	p2 =	por !p2, p0  }
0x20: {  	[sflag:s8] =	ssyncset.s32 @!p0 $0xFFFFF086;
	s6 =	sadd.s32 @!p0 s3, s7;
	s7 =	simm.s32 @!p0 $0x108  }
0x21: {  	s3 =	sadd.s32 s3, s9;
	s6 =	sadd.s32 @!p0 $0x88, s6;
	s7 =	simm.s32 @p2 $0x1082  }
0x22: {  	[simem:s7], [sflag:s8] =	dma.local @!p0 [hbm:s6], $0xF7A  }
0x23: {  	s9 =	sor.u32 $0xD0000000, s2;
	s6 =	simm.s32 $0x108;
	_ =	swait.ge @!p0 [sflag:s8], $0x0  }
0x24: {  	s3 =	sadd.s32 $0x88, s3;
	s6 =	simm.s32 @!p1 $0x1082;
	[sflag:s4] =	ssyncset.s32 $0xFFFFF086  }
0x25: {  	[simem:s6], [sflag:s4] =	dma.local [hbm:s3], $0xF7A  }
0x26: {  	[smem:$0x3F97] =	sst s1;
	(tag) =	ssettag s2;
	_ =	strace s9  }
0x27: {  	s1 =	sld [smem:$0x3FA7]  }
0x28: {  	s2 =	sld [smem:$0x3FA8]  }
0x29: {  	s4 =	sld [smem:$0x3FAA]  }
0x2a: {  	p0 =	seq.s32 s5, $0x0;
	s5 =	sld [smem:$0x3FAB]  }
0x2b: {  	s6 =	sld [smem:$0x3FAC]  }
0x2c: {  	s7 =	sld [smem:$0x3FAD]  }
0x2d: {  	s3 =	simm.s32 $0x108;
	s8 =	sld [smem:$0x3FAE]  }
0x2e: {  	s3 =	simm.s32 @!p0 $0x1082;
	s9 =	sld [smem:$0x3FAF]  }
0x2f: {  	lr =	sadd.s32 s0, s3;
	s0 =	sld [smem:$0x3FA6]  }
0x30: {  	s3 =	sld [smem:$0x3FA9]  }
0x31: {  	[smem:$0x3FB2] =	sst s10  }
0x32: {  	s10 =	sld [smem:$0x3FB0];
	_ =	sdelay $0x3  }
0x33: {  	p0 =	seq.s32 s10, $0x1;
	s10 =	sld [smem:$0x3FB2];
	_ =	sdelay $0x3  }
0x34: {  	[smem:$0x3FB2] =	sst s10  }
0x35: {  	s10 =	sld [smem:$0x3FB1];
	_ =	sdelay $0x3  }
0x36: {  	p1 =	seq.s32 s10, $0x1;
	s10 =	sld [smem:$0x3FB2];
	_ =	sdelay $0x3  }
0x37: {  	[smem:$0x3FB2] =	sst s10  }
0x38: {  	s10 =	sld [smem:$0x3FB3]  }
0x39: {  	_ = 	snop;
	(pc) =	sbr.ind lr, $3  }
0x3a: {  	_ = 	snop  }
0x3b: {  	_ = 	snop  }
0x3c: {  	p2 =	seq.s32 s10, $0x1;
	s10 =	sld [smem:$0x3FB2]  }
0x3d: {  	_ =	shalt  }
0x3e: {  	_ =	shalt  }
0x3f: {  	_ =	shalt  }
0x40: {  	_ =	shalt  }
0x41: {  	_ =	shalt  }
0x42: {  	_ =	shalt  }
0x43: {  	_ =	shalt  }
0x44: {  	_ =	shalt  }
0x45: {  	_ =	shalt  }
0x46: {  	_ =	shalt  }
0x47: {  	_ =	shalt  }
0x48: {  	_ =	shalt  }
0x49: {  	_ =	shalt  }
0x4a: {  	_ =	shalt  }
0x4b: {  	_ =	shalt  }
0x4c: {  	_ =	shalt  }
0x4d: {  	_ =	shalt  }
0x4e: {  	_ =	shalt  }
0x4f: {  	_ =	shalt  }
0x50: {  	_ =	shalt  }
0x51: {  	_ =	shalt  }
0x52: {  	_ =	shalt  }
0x53: {  	_ =	shalt  }
0x54: {  	_ =	shalt  }
0x55: {  	_ =	shalt  }
0x56: {  	_ =	shalt  }
0x57: {  	_ =	shalt  }
0x58: {  	_ =	shalt  }
0x59: {  	_ =	shalt  }
0x5a: {  	_ =	shalt  }
0x5b: {  	_ =	shalt  }
0x5c: {  	_ =	shalt  }
0x5d: {  	_ =	shalt  }
0x5e: {  	_ =	shalt  }
0x5f: {  	_ =	shalt  }
0x60: {  	_ =	shalt  }
0x61: {  	_ =	shalt  }
0x62: {  	_ =	shalt  }
0x63: {  	_ =	shalt  }
0x64: {  	_ =	shalt  }
0x65: {  	_ =	shalt  }
0x66: {  	_ =	shalt  }
0x67: {  	_ =	shalt  }
0x68: {  	_ =	shalt  }
0x69: {  	_ =	shalt  }
0x6a: {  	_ =	shalt  }
0x6b: {  	_ =	shalt  }
0x6c: {  	_ =	shalt  }
0x6d: {  	_ =	shalt  }
0x6e: {  	_ =	shalt  }
0x6f: {  	_ =	shalt  }
0x70: {  	_ =	shalt  }
0x71: {  	_ =	shalt  }
0x72: {  	_ =	shalt  }
0x73: {  	_ =	shalt  }
0x74: {  	_ =	shalt  }
0x75: {  	_ =	shalt  }
0x76: {  	_ =	shalt  }
0x77: {  	_ =	shalt  }
0x78: {  	_ =	shalt  }
0x79: {  	_ =	shalt  }
0x7a: {  	_ =	shalt  }
0x7b: {  	_ =	shalt  }
0x7c: {  	_ =	shalt  }
0x7d: {  	_ =	shalt  }
0x7e: {  	_ =	shalt  }
0x7f: {  	_ =	shalt  }
0x80: {  	_ =	shalt  }
0x81: {  	_ =	shalt  }
0x82: {  	_ =	shalt  }
0x83: {  	_ =	shalt  }
0x84: {  	_ =	shalt  }
0x85: {  	_ =	shalt  }
0x86: {  	_ =	shalt  }
0x87: {  	_ =	shalt  }
.Lfunc_end0:
.L_simem_size_0:
called_computation.1_lowered:
.L_overlay_start_0:
0x88: {  	s2 =	sld [smem:$0x3FD9]  }
0x89: {  	s3 =	sld [smem:$0x3FFE];
	_ =	sdelay $0x1  }
0x8a: {  	s1 =	srdreg.scid  }
0x8b: {  	s0 =	sand.u32 $0x1, s1  }
0x8c: {  	s17 =	sshll.u32 s0, $0xA;
	s2 =	sadd.s32 s3, s2  }
0x8d: {  	s2 =	sadd.s32 s2, s17  }
0x8e: {  	[smem:$0x3FBE] =	sst s2  }
0x8f: {  	_ = 	snop  }
0x90: {  	s2 =	sld [smem:$0x3FD0];
	(tm) =	ssettm $0x1  }
0x91: {  	s18 =	sld [smem:$0x3FFB];
	_ =	sdelay $0x3  }
0x92: {  	_ =	strace s18  }
0x93: {  	s3 =	sld [smem:$0x3FFC];
	_ =	sdelay $0x3  }
0x94: {  	_ =	strace s3  }
0x95: {  	s3 =	sld [smem:$0x3FFD];
	_ =	sdelay $0x3  }
0x96: {  	_ =	strace s3  }
0x97: {  	_ =	strace $0x8FFFFFFF  }
0x98: {  	s19 =	sld [smem:$0x3FDB];
	_ =	sdelay $0x1  }
0x99: {  	s4 =	simm.s32 $_scs_section_size  }
0x9a: {  	s5 =	simm.s32 $_size__tile_overlayer_lowered;
	s6 =	simm.s32 $_tile_overlayer_lowered  }
0x9b: {  	s22 =	simm.s32 $0x1BFF;
	s21 =	sshll.u32 s6, $0x1;
	s3 =	sadd.s32 s4, s19  }
0x9c: {  	s7 =	simm.s32 $0x0;
	s20 =	sshll.u32 s5, $0x1;
	s5 =	sadd.s32 s21, s3  }
0x9d: {  	[timem:s7], [sflag:s22] =	dma.local [hbm:s5], s20  }
0x9e: {  	_ =	swait.ge [sflag:s22], s20  }
0x9f: {  	s4 =	ssub.s32 $0x0, s20;
	[sflag:s22] =	ssyncset.done $0x0  }
0xa0: {  	[sflag:s22] =	ssyncadd.s32 s4;
	_ =	sdelay $0x1  }
0xa1: {  	s23 =	simm.s32 $0x1B8B  }
0xa2: {  	_ =	swait.ge [sflag:s23], $0x1  }
0xa3: {  	[sflag:s23] =	ssyncset.done $0x0  }
0xa4: {  	s25 =	simm.s32 $0x1B8E;
	s24 =	sld [smem:$0x3FFE];
	[sflag:s23] =	ssyncadd.s32 $0xFFFFFFFF  }
0xa5: {  	s26 =	simm.s32 $execute0_lowered;
	[smem:$0x3FD2] =	sst s25  }
0xa6: {  	s5 =	sshll.u32 s26, $0x1;
	_ =	strace $0x80000049;
	[dreg:$0x1] =	wrdreg $0xFFFFFFFF  }
0xa7: {  	s28 =	simm.s32 $_size_execute0_lowered;
	s3 =	sadd.s32 s3, s5;
	[dreg:$0x0] =	wrdreg $0x0  }
0xa8: {  	s5 =	sshll.u32 s28, $0x1;
	[dreg:$0x2] =	wrdreg s3  }
0xa9: {  	[dreg:$0x3] =	wrdreg s5  }
0xaa: {  	[dreg:$0x4] =	wrdreg $0xC0  }
0xab: {  	_ =	task [dreg:s7], $0x5FFFF  }
0xac: {  	[dreg:$0x1] =	wrdreg $0xFFFFFFFF  }
0xad: {  	[dreg:$0x0] =	wrdreg $0x60  }
0xae: {  	[dreg:$0x2] =	wrdreg s24  }
0xaf: {  	[dreg:$0x3] =	wrdreg s2  }
0xb0: {  	[dreg:$0x4] =	wrdreg $0x90000  }
0xb1: {  	[dreg:$0x5] =	wrdreg $0x9  }
0xb2: {  	_ =	task.clear_ibuf [dreg:s7], $0x6FFFF;
	_ =	strace $0x90000049  }
0xb3: {  	s29 =	simm.s32 $0x9;
	_ =	strace $0x8000004B  }
0xb4: {  	_ =	swait.ge [sflag:s29], $0x1  }
0xb5: {  	[sflag:s29] =	ssyncadd.s32 $0xFFFFFFFF  }
0xb6: {  	_ =	strace $0x9000004B  }
0xb7: {  	_ =	sfence  }
0xb8: {  	s30 =	sld [smem:$0x0];
	_ =	sdelay $0x2  }
0xb9: {  	s31 =	sshll.u32 s1, $0xD;
	s1 =	sshrl.u32 s1, $0x2  }
0xba: {  	s3 =	sand.u32 $0x4000, s31;
	s1 =	sadd.s32 s1, s30  }
0xbb: {  	s0 =	sor.u32 s3, s0;
	s1 =	sshll.u32 s1, $0x11  }
0xbc: {  	s0 =	sor.u32 s1, s0  }
0xbd: {  	s0 =	sadd.s32 $0x8F2B, s0  }
0xbe: {  	[sflag:s0] =	ssyncadd.remote.s32 $0x1  }
0xbf: {  	_ =	sfence.sel $0xFFFF  }
0xc0: {  	[dreg:$0x0] =	wrdreg $0xFFFFFFFF;
	(pc) =	sbr.abs _section_cstart, $3  }
0xc1: {  	[dreg:$0x1] =	wrdreg $0xFFFFFFFF  }
0xc2: {  	_ =	task.clear_ibuf [dreg:s7], $0x2FFFF;
	_ =	strace $0x9FFFFFFF  }
0xc3: {  	(tm) =	ssettm $0x7FFFFFFF  }
tec
execute0_lowered:
.L_overlay_start_1:
0x0: {  	(tag) =	ssettag $0x1  }
0x1: {  	s0 =	rddreg [dreg:$0x0]  }
0x2: {  	s1 =	rddreg [dreg:$0x1]  }
0x3: {  	s2 =	rddreg [dreg:$0x2];
	s3 =	simm.s32 $0x0;
	s13 =	stileid.u32  }
0x4: {  	s4 =	srdreg.scid;
	s28 =	simm.s32 $0x4;
	s29 =	simm.s32 $0x0  }
0x5: {  	[smem:$0x7FF] =	sst s3;
	s5 =	smul.u32 $0x14000, s13;
	s6 =	sand.u32 $0x1, s4  }
0x6: {  	s4 =	sadd.s32 $0x3FA00, s0;
	s14 =	sadd.s32 $0x35A00, s0;
	s20 =	smul.u32 $0x50000, s13  }
0x7: {  	s9 =	sshll.u32 s13, $0x1;
	s22 =	smul.u32 $0x14, s13;
	s26 =	sshll.u32 s13, $0x6  }
0x8: {  	_ =	strace $0x8000004A;
	s8 =	smul.u32 $0x140000, s6;
	s19 =	sor.u32 s6, s9  }
0x9: {  	s10 =	ssub.s32 $0x2, s6;
	s24 =	smul.u32 $0xA, s6;
	s6 =	sor.u32 $0x1C06, s26  }
0xa: {  	s26 =	simm.s32 $0x2;
	s7 =	sshrl.u32 s5, $0x3;
	s11 =	smul.u32 $0x500, s19  }
0xb: {  	s21 =	sshrl.u32 s10, $0x1;
	s23 =	sshrl.u32 s20, $0x2;
	s20 =	simm.s32 $0x5  }
0xc: {  	s7 =	sadd.s32 s7, s0;
	s5 =	sadd.s32 s5, s8;
	s12 =	ssub.s32 s10, s21  }
0xd: {  	s15 =	sadd.s32 s23, s2;
	s9 =	sadd.s32 s24, s22;
	s21 =	simm.s32 $0x7D  }
0xe: {  	s22 =	simm.s32 $0x5000;
	s23 =	simm.s32 $0x1;
	s24 =	simm.s32 $0x1000  }
0xf: {  	s5 =	sshrl.u32 s5, $0x3;
	s25 =	sadd.s32 $0xD000, s7;
	s7 =	sadd.s32 s1, s11  }
0x10: {  	s8 =	sadd.s32 s14, s11;
	s30 =	sor.u32 $0x80, s11;
	s31 =	sshll.u32 s9, $0x7  }
0x11: {  	s12 =	smax.u32 s12, $0x1;
	s15 =	sshrl.u32 s15, $0x3;
	s0 =	sadd.s32 s5, s0  }
0x12: {  	[dreg:$0x4] =	wrdreg s25;
	s9 =	sadd.s32 s1, s30;
	s10 =	sadd.s32 s14, s30  }
0x13: {  	s16 =	sadd.s32 $0x100, s31;
	s25 =	simm.s32 $0x3;
	s11 =	sadd.s32 $0x67A00, s0  }
0x14: {  	s13 =	sadd.s32 s16, s1;
	s14 =	sadd.s32 s16, s14;
	s16 =	simm.s32 $0x6  }
.LBB2_1:
0x15: {  	s0 =	rddreg [dreg:$0x4]  }
0x16: {  	[spmem:s15], [sflag:s6] =	dma.local [hbm:s0], $0x2800  }
0x17: {  	_ =	swait.ge [sflag:s16], $0x2800  }
0x18: {  	[sflag:s16] =	ssyncset.done $0x0  }
0x19: {  	[sflag:s16] =	ssyncadd.s32 $0xFFFFD800  }
0x1a: {  	[tilespmem:s3], [sflag:$0x5] =	stream.linear.gather [hbm4b:s7+s3], $0x400, $0x38;
	[tilespmem:$0x1D000] =	vst v63  }
0x1b: {  	s17 =	simm.s32 $0x800  }
0x1c: {  	[tilespmem:s17], [sflag:$0x5] =	stream.linear.gather [hbm4b:s8+s3], $0x400, $0x38;
	[tilespmem:$0x1D000] =	vst v63  }
0x1d: {  	s18 =	simm.s32 $0x400  }
0x1e: {  	[tilespmem:s18], [sflag:$0x5] =	stream.linear.gather [hbm4b:s9+s3], $0x400, $0x38;
	[tilespmem:$0x1D000] =	vst v63  }
0x1f: {  	s19 =	simm.s32 $0xC00  }
0x20: {  	[tilespmem:s19], [sflag:$0x5] =	stream.linear.gather [hbm4b:s10+s3], $0x400, $0x38;
	[tilespmem:$0x1D000] =	vst v63  }
0x21: {  	[bflag:$0x0] =	sbarrier.arrive $0xFFFF  }
0x22: {  	_ =	swait.ge [sflag:s20], $0x400  }
0x23: {  	[sflag:s20] =	ssyncset.done $0x0  }
0x24: {  	[sflag:s20] =	ssyncadd.s32 $0xFFFFFC00  }
0x25: {  	_ =	swait.ge [sflag:s20], $0x400  }
0x26: {  	s30 =	simm.s32 $0x0;
	s31 =	simm.s32 $0x1000;
	[sflag:s20] =	ssyncset.done $0x0  }
0x27: {  	s1 =	simm.s32 $0x0;
	s0 =	simm.s32 $0x0;
	[sflag:s20] =	ssyncadd.s32 $0xFFFFFC00  }
0x28: {  	[tilespmem:s24], [sflag:$0x1] =	stream.indirect.gather [hbm4b:s4+s21], $0x80, s3, s21, $0xb8;
	[tilespmem:$0x1D000] =	vst v63  }
.LBB2_2:
0x29: {  	p0 =	seq.s32 s0, $0x480  }
0x2a: {  	s17 =	simm.s32 @!p0 $0x5  }
0x2b: {  	_ =	swait.ge @!p0 [sflag:s17], $0x400  }
0x2c: {  	[sflag:s17] =	ssyncset.done @!p0 $0x0  }
0x2d: {  	[sflag:s17] =	ssyncadd.s32 @!p0 $0xFFFFFC00  }
0x2e: {  	_ =	swait.ge @!p0 [sflag:s17], $0x400  }
0x2f: {  	p1 =	seq.s32 @!p0 s0, $0x0;
	[sflag:s17] =	ssyncset.done @!p0 $0x0  }
0x30: {  	p1 =	por p0, !p1;
	[sflag:s17] =	ssyncadd.s32 @!p0 $0xFFFFFC00  }
0x31: {  	_ =	swait.ge @p1 [sflag:s28], $0x3E80  }
0x32: {  	s17 =	sand.u32 $0x400, s30;
	[sflag:s28] =	ssyncset.done @p1 $0x0  }
0x33: {  	s18 =	sor.u32 $0x80, s17;
	[sflag:s28] =	ssyncadd.s32 @p1 $0xFFFFC180  }
0x34: {  	[tilespmem:s22], [sflag:$0x2] =	stream.indirect.gather [hbm4b:s4+s21], $0x80, s18, s21, $0xb8;
	[tilespmem:$0x1D000] =	vst v63  }
0x35: {  	_ =	swait.ge [sflag:s23], $0x3E80  }
0x36: {  	[sflag:s23] =	ssyncset.done $0x0  }
0x37: {  	s18 =	sor.u32 $0x800, s17;
	[sflag:s23] =	ssyncadd.s32 $0xFFFFC180  }
0x38: {  	[spmem:s2] =	stream.indirect.scatter.add.f32 [tilespmem:s24], [sflag:$0x3], $0x80, s18, s21, $0xb8;
	[tilespmem:$0x1D000] =	vst v63  }
0x39: {  	_ =	swait.ge [sflag:s25], $0x3E80  }
0x3a: {  	[sflag:s25] =	ssyncset.done $0x0  }
0x3b: {  	s19 =	sor.u32 $0x100, s17;
	[sflag:s25] =	ssyncadd.s32 $0xFFFFC180  }
0x3c: {  	[tilespmem:s24], [sflag:$0x1] =	stream.indirect.gather [hbm4b:s4+s21], $0x80, s19, s21, $0xb8;
	[tilespmem:$0x1D000] =	vst v63  }
0x3d: {  	_ =	swait.ge [sflag:s26], $0x3E80  }
0x3e: {  	[sflag:s26] =	ssyncset.done $0x0  }
0x3f: {  	s5 =	sor.u32 $0x880, s17;
	[sflag:s26] =	ssyncadd.s32 $0xFFFFC180  }
0x40: {  	[spmem:s2] =	stream.indirect.scatter.add.f32 [tilespmem:s22], [sflag:$0x4], $0x80, s5, s21, $0xb8;
	[tilespmem:$0x1D000] =	vst v63  }
0x41: {  	_ =	swait.ge [sflag:s28], $0x3E80  }
0x42: {  	[sflag:s28] =	ssyncset.done $0x0  }
0x43: {  	s5 =	sor.u32 $0x180, s17;
	[sflag:s28] =	ssyncadd.s32 $0xFFFFC180  }
0x44: {  	[tilespmem:s22], [sflag:$0x2] =	stream.indirect.gather [hbm4b:s4+s21], $0x80, s5, s21, $0xb8;
	[tilespmem:$0x1D000] =	vst v63  }
0x45: {  	_ =	swait.ge [sflag:s23], $0x3E80  }
0x46: {  	[sflag:s23] =	ssyncset.done $0x0  }
0x47: {  	s5 =	sor.u32 $0x900, s17;
	[sflag:s23] =	ssyncadd.s32 $0xFFFFC180  }
0x48: {  	[spmem:s2] =	stream.indirect.scatter.add.f32 [tilespmem:s24], [sflag:$0x3], $0x80, s5, s21, $0xb8;
	[tilespmem:$0x1D000] =	vst v63  }
0x49: {  	_ =	swait.ge [sflag:s25], $0x3E80  }
0x4a: {  	[sflag:s25] =	ssyncset.done $0x0  }
0x4b: {  	s5 =	sor.u32 $0x200, s17;
	[sflag:s25] =	ssyncadd.s32 $0xFFFFC180  }
0x4c: {  	[tilespmem:s24], [sflag:$0x1] =	stream.indirect.gather [hbm4b:s4+s21], $0x80, s5, s21, $0xb8;
	[tilespmem:$0x1D000] =	vst v63  }
0x4d: {  	_ =	swait.ge [sflag:s26], $0x3E80  }
0x4e: {  	[sflag:s26] =	ssyncset.done $0x0  }
0x4f: {  	s5 =	sor.u32 $0x980, s17;
	[sflag:s26] =	ssyncadd.s32 $0xFFFFC180  }
0x50: {  	[spmem:s2] =	stream.indirect.scatter.add.f32 [tilespmem:s22], [sflag:$0x4], $0x80, s5, s21, $0xb8;
	[tilespmem:$0x1D000] =	vst v63  }
0x51: {  	_ =	swait.ge [sflag:s28], $0x3E80  }
0x52: {  	[sflag:s28] =	ssyncset.done $0x0  }
0x53: {  	s5 =	sor.u32 $0x280, s17;
	[sflag:s28] =	ssyncadd.s32 $0xFFFFC180  }
0x54: {  	[tilespmem:s22], [sflag:$0x2] =	stream.indirect.gather [hbm4b:s4+s21], $0x80, s5, s21, $0xb8;
	[tilespmem:$0x1D000] =	vst v63  }
0x55: {  	_ =	swait.ge [sflag:s23], $0x3E80  }
0x56: {  	[sflag:s23] =	ssyncset.done $0x0  }
0x57: {  	s5 =	sor.u32 $0xA00, s17;
	[sflag:s23] =	ssyncadd.s32 $0xFFFFC180  }
0x58: {  	[spmem:s2] =	stream.indirect.scatter.add.f32 [tilespmem:s24], [sflag:$0x3], $0x80, s5, s21, $0xb8;
	[tilespmem:$0x1D000] =	vst v63  }
0x59: {  	_ =	swait.ge [sflag:s25], $0x3E80  }
0x5a: {  	[sflag:s25] =	ssyncset.done $0x0  }
0x5b: {  	s5 =	sor.u32 $0x300, s17;
	[sflag:s25] =	ssyncadd.s32 $0xFFFFC180  }
0x5c: {  	[tilespmem:s24], [sflag:$0x1] =	stream.indirect.gather [hbm4b:s4+s21], $0x80, s5, s21, $0xb8;
	[tilespmem:$0x1D000] =	vst v63  }
0x5d: {  	_ =	swait.ge [sflag:s26], $0x3E80  }
0x5e: {  	[sflag:s26] =	ssyncset.done $0x0  }
0x5f: {  	s5 =	sor.u32 $0xA80, s17;
	[sflag:s26] =	ssyncadd.s32 $0xFFFFC180  }
0x60: {  	[spmem:s2] =	stream.indirect.scatter.add.f32 [tilespmem:s22], [sflag:$0x4], $0x80, s5, s21, $0xb8;
	[tilespmem:$0x1D000] =	vst v63  }
0x61: {  	_ =	swait.ge [sflag:s28], $0x3E80  }
0x62: {  	[sflag:s28] =	ssyncset.done $0x0  }
0x63: {  	s5 =	sor.u32 $0x380, s17;
	[sflag:s28] =	ssyncadd.s32 $0xFFFFC180  }
0x64: {  	[tilespmem:s22], [sflag:$0x2] =	stream.indirect.gather [hbm4b:s4+s21], $0x80, s5, s21, $0xb8;
	[tilespmem:$0x1D000] =	vst v63  }
0x65: {  	_ =	swait.ge [sflag:s23], $0x3E80  }
0x66: {  	[sflag:s23] =	ssyncset.done $0x0  }
0x67: {  	s5 =	sor.u32 $0xB00, s17;
	[sflag:s23] =	ssyncadd.s32 $0xFFFFC180  }
0x68: {  	[spmem:s2] =	stream.indirect.scatter.add.f32 [tilespmem:s24], [sflag:$0x3], $0x80, s5, s21, $0xb8;
	[tilespmem:$0x1D000] =	vst v63  }
0x69: {  	_ =	swait.ge [sflag:s25], $0x3E80  }
0x6a: {  	s5 =	sand.u32 $0x1000, s31;
	[sflag:s25] =	ssyncset.done $0x0  }
0x6b: {  	s19 =	sshrl.u32 s5, $0x2;
	[sflag:s25] =	ssyncadd.s32 $0xFFFFC180  }
0x6c: {  	[tilespmem:s24], [sflag:$0x1] =	stream.indirect.gather [hbm4b:s4+s21], $0x80, s19, s21, $0xb8;
	[tilespmem:$0x1D000] =	vst v63  }
0x6d: {  	_ =	swait.ge [sflag:s26], $0x3E80  }
0x6e: {  	[sflag:s26] =	ssyncset.done $0x0  }
0x6f: {  	p0 =	sgt.u32 s1, $0x7;
	s5 =	sor.u32 $0xB80, s17;
	[sflag:s26] =	ssyncadd.s32 $0xFFFFC180  }
0x70: {  	[spmem:s2] =	stream.indirect.scatter.add.f32 [tilespmem:s22], [sflag:$0x4], $0x80, s5, s21, $0xb8;
	[tilespmem:$0x1D000] =	vst v63  }
0x71: {  	s19 =	sadd.s32 @!p0 s0, s13;
	s5 =	simm.s32 @!p0 $0x0  }
0x72: {  	[tilespmem:s17], [sflag:$0x5] =	stream.linear.gather @!p0 [hbm4b:s19+s5], $0x400, $0x38;
	[tilespmem:$0x1D000] =	vst v63  }
0x73: {  	s17 =	sadd.s32 @!p0 s0, s14;
	s0 =	sadd.s32 $0x80, s0  }
0x74: {  	[tilespmem:s18], [sflag:$0x5] =	stream.linear.gather @!p0 [hbm4b:s17+s5], $0x400, $0x38;
	[tilespmem:$0x1D000] =	vst v63  }
0x75: {  	p0 =	sne.s32 s0, $0x500  }
.Ltmp0:
0x76: {  	_ = 	snop;
	(pc) =	sbr.rel @p0 .LBB2_2-.Ltmp0, $2  }
0x77: {  	_ =	sdelay $0x2  }
0x78: {  	s30 =	sadd.s32 $0x400, s30;
	s1 =	sadd.s32 $0x1, s1;
	s31 =	sadd.s32 $0x1000, s31  }
0x79: {  	_ =	swait.ge [sflag:s28], $0x3E80  }
0x7a: {  	[sflag:s28] =	ssyncset.done $0x0  }
0x7b: {  	[sflag:s28] =	ssyncadd.s32 $0xFFFFC180  }
0x7c: {  	_ =	swait.ge [sflag:s23], $0x3E80  }
0x7d: {  	s29 =	sadd.s32 $0x1, s29;
	[sflag:s23] =	ssyncset.done $0x0  }
0x7e: {  	p0 =	sne.s32 s29, s12;
	[sflag:s23] =	ssyncadd.s32 $0xFFFFC180  }
.Ltmp1:
0x7f: {  	[bflag:$0x0] =	sbarrier.arrive $0xFFFF;
	(pc) =	sbr.rel @p0 .LBB2_1-.Ltmp1, $4  }
0x80: {  	[hbm:s11], [sflag:s6] =	dma.local [spmem:s15], $0x2800  }
0x81: {  	_ =	swait.ge [sflag:s16], $0x2800  }
0x82: {  	[sflag:s16] =	ssyncset.done $0x0  }
0x83: {  	[sflag:s16] =	ssyncadd.s32 $0xFFFFD800  }
0x84: {  	_ =	sfence.sel $0x180000  }
0x85: {  	[bflag:$0x0] =	sbarrier.arrive $0xFFFF  }
0x86: {  	_ =	strace $0x9000004A  }
0x87: {  	s0 =	stileid.u32;
	[bflag:$0x2] =	sbarrier.arrive $0xFFFF  }
0x88: {  	p0 =	sne.s32 s0, $0x0;
	s0 =	rddreg [dreg:$0x3]  }
0x89: {  	s0 =	sadd.s32 @!p0 $0x100000, s0  }
0x8a: {  	[sflag:s0] =	ssyncadd.tile.s32 @!p0 $0x1;
	_ =	shalt  }
.Lfunc_end2:
_tile_overlayer_lowered:
.L_overlay_start_2:
0x8b: {  	(tag) =	ssettag $0x2  }
0x8c: {  	s0 =	rddreg [dreg:$0x0];
	s2 =	stileid.u32  }
0x8d: {  	s1 =	rddreg [dreg:$0x1];
	p0 =	sne.s32 s2, $0x0  }
0x8e: {  	s3 =	rddreg [dreg:$0x2];
	[bflag:$0x3] =	sbarrier.arrive $0xFFFF;
	s2 =	simm.s32 @!p0 $0x1C06  }
0x8f: {  	[timem:s3], [sflag:s2] =	dma.local @!p0 [hbm:s0], s1  }
0x90: {  	s0 =	simm.s32 @!p0 $0x6  }
0x91: {  	_ =	swait.ge @!p0 [sflag:s0], s1  }
0x92: {  	s1 =	ssub.s32 @!p0 $0x0, s1;
	[sflag:s0] =	ssyncset.done @!p0 $0x0  }
0x93: {  	[sflag:s0] =	ssyncadd.s32 @!p0 s1  }
0x94: {  	[bflag:$0x3] =	sbarrier.arrive $0xFFFF  }
0x95: {  	_ =	shalt  }

// kernel: kernel.16.cloned.1.call-start
scs
__scs_entry_jumppad:
0x0: {  	(pc) =	sbr.rel $0x88, $3  }
0x1: {  	(tag) =	ssettag $0x0;
	lr =	simm.s32 $0x1  }
0x2: {  	[smem:$0x3F97] =	sst lr;
	_ =	strace $0xD0000000  }
0x3: {  	_ = 	snop  }
0x4: {  	_ = 	snop  }
0x5: {  	_ = 	snop  }
0x6: {  	_ = 	snop  }
0x7: {  	_ = 	snop  }
__scs_overlays_trampoline_lowered:
0x8: {  	[smem:$0x3FA6] =	sst s0  }
0x9: {  	[smem:$0x3FA7] =	sst s1  }
0xa: {  	[smem:$0x3FA8] =	sst s2  }
0xb: {  	[smem:$0x3FA9] =	sst s3  }
0xc: {  	[smem:$0x3FAA] =	sst s4  }
0xd: {  	[smem:$0x3FAB] =	sst s5  }
0xe: {  	[smem:$0x3FAC] =	sst s6  }
0xf: {  	[smem:$0x3FAD] =	sst s7  }
0x10: {  	[smem:$0x3FAE] =	sst s8  }
0x11: {  	[smem:$0x3FAF] =	sst s9;
	s0 =	simm.s32 @!p0 $0x0  }
0x12: {  	s1 =	sld [smem:$0x3F95];
	s0 =	simm.s32 @p0 $0x1  }
0x13: {  	[smem:$0x3FB0] =	sst s0;
	s0 =	simm.s32 @!p1 $0x0  }
0x14: {  	s2 =	sld [smem:$0x3F94];
	s0 =	simm.s32 @p1 $0x1  }
0x15: {  	[smem:$0x3FB1] =	sst s0;
	s0 =	simm.s32 @!p2 $0x0  }
0x16: {  	s3 =	sld [smem:$0x3FDB];
	s0 =	simm.s32 @p2 $0x1  }
0x17: {  	s4 =	simm.s32 $0x1BF5;
	[smem:$0x3FB3] =	sst s0  }
0x18: {  	s0 =	sld [smem:$0x3F96];
	_ =	swait.ge [sflag:s4], $0x0  }
0x19: {  	s7 =	sld [smem:$0x3F97]  }
0x1a: {  	s8 =	sadd.s32 $0xFFFFE003, lr  }
0x1b: {  	s9 =	sadd.s32 $0xFFFFFEF7, lr;
	s5 =	simm.s32 $0xFFFFFFFF;
	p2 =	slt.u32 s8, $0xFFFFF086  }
0x1c: {  	p1 =	slt.u32 s9, $0xF7A;
	s5 =	simm.s32 @!p2 $0x0  }
0x1d: {  	s5 =	simm.s32 @p1 $0x1;
	p0 =	seq.s32 s7, s2  }
0x1e: {  	s7 =	smul.u32 @!p0 $0xF7A, s2;
	p2 =	seq.s32 @!p0 s5, $0x0  }
0x1f: {  	s9 =	smul.u32 $0xF7A, s1;
	s8 =	simm.s32 @!p0 $0x1BF5;
	p2 =	por !p2, p0  }
0x20: {  	[sflag:s8] =	ssyncset.s32 @!p0 $0xFFFFF086;
	s6 =	sadd.s32 @!p0 s3, s7;
	s7 =	simm.s32 @!p0 $0x108  }
0x21: {  	s3 =	sadd.s32 s3, s9;
	s6 =	sadd.s32 @!p0 $0x88, s6;
	s7 =	simm.s32 @p2 $0x1082  }
0x22: {  	[simem:s7], [sflag:s8] =	dma.local @!p0 [hbm:s6], $0xF7A  }
0x23: {  	s9 =	sor.u32 $0xD0000000, s2;
	s6 =	simm.s32 $0x108;
	_ =	swait.ge @!p0 [sflag:s8], $0x0  }
0x24: {  	s3 =	sadd.s32 $0x88, s3;
	s6 =	simm.s32 @!p1 $0x1082;
	[sflag:s4] =	ssyncset.s32 $0xFFFFF086  }
0x25: {  	[simem:s6], [sflag:s4] =	dma.local [hbm:s3], $0xF7A  }
0x26: {  	[smem:$0x3F97] =	sst s1;
	(tag) =	ssettag s2;
	_ =	strace s9  }
0x27: {  	s1 =	sld [smem:$0x3FA7]  }
0x28: {  	s2 =	sld [smem:$0x3FA8]  }
0x29: {  	s4 =	sld [smem:$0x3FAA]  }
0x2a: {  	p0 =	seq.s32 s5, $0x0;
	s5 =	sld [smem:$0x3FAB]  }
0x2b: {  	s6 =	sld [smem:$0x3FAC]  }
0x2c: {  	s7 =	sld [smem:$0x3FAD]  }
0x2d: {  	s3 =	simm.s32 $0x108;
	s8 =	sld [smem:$0x3FAE]  }
0x2e: {  	s3 =	simm.s32 @!p0 $0x1082;
	s9 =	sld [smem:$0x3FAF]  }
0x2f: {  	lr =	sadd.s32 s0, s3;
	s0 =	sld [smem:$0x3FA6]  }
0x30: {  	s3 =	sld [smem:$0x3FA9]  }
0x31: {  	[smem:$0x3FB2] =	sst s10  }
0x32: {  	s10 =	sld [smem:$0x3FB0];
	_ =	sdelay $0x3  }
0x33: {  	p0 =	seq.s32 s10, $0x1;
	s10 =	sld [smem:$0x3FB2];
	_ =	sdelay $0x3  }
0x34: {  	[smem:$0x3FB2] =	sst s10  }
0x35: {  	s10 =	sld [smem:$0x3FB1];
	_ =	sdelay $0x3  }
0x36: {  	p1 =	seq.s32 s10, $0x1;
	s10 =	sld [smem:$0x3FB2];
	_ =	sdelay $0x3  }
0x37: {  	[smem:$0x3FB2] =	sst s10  }
0x38: {  	s10 =	sld [smem:$0x3FB3]  }
0x39: {  	_ = 	snop;
	(pc) =	sbr.ind lr, $3  }
0x3a: {  	_ = 	snop  }
0x3b: {  	_ = 	snop  }
0x3c: {  	p2 =	seq.s32 s10, $0x1;
	s10 =	sld [smem:$0x3FB2]  }
0x3d: {  	_ =	shalt  }
0x3e: {  	_ =	shalt  }
0x3f: {  	_ =	shalt  }
0x40: {  	_ =	shalt  }
0x41: {  	_ =	shalt  }
0x42: {  	_ =	shalt  }
0x43: {  	_ =	shalt  }
0x44: {  	_ =	shalt  }
0x45: {  	_ =	shalt  }
0x46: {  	_ =	shalt  }
0x47: {  	_ =	shalt  }
0x48: {  	_ =	shalt  }
0x49: {  	_ =	shalt  }
0x4a: {  	_ =	shalt  }
0x4b: {  	_ =	shalt  }
0x4c: {  	_ =	shalt  }
0x4d: {  	_ =	shalt  }
0x4e: {  	_ =	shalt  }
0x4f: {  	_ =	shalt  }
0x50: {  	_ =	shalt  }
0x51: {  	_ =	shalt  }
0x52: {  	_ =	shalt  }
0x53: {  	_ =	shalt  }
0x54: {  	_ =	shalt  }
0x55: {  	_ =	shalt  }
0x56: {  	_ =	shalt  }
0x57: {  	_ =	shalt  }
0x58: {  	_ =	shalt  }
0x59: {  	_ =	shalt  }
0x5a: {  	_ =	shalt  }
0x5b: {  	_ =	shalt  }
0x5c: {  	_ =	shalt  }
0x5d: {  	_ =	shalt  }
0x5e: {  	_ =	shalt  }
0x5f: {  	_ =	shalt  }
0x60: {  	_ =	shalt  }
0x61: {  	_ =	shalt  }
0x62: {  	_ =	shalt  }
0x63: {  	_ =	shalt  }
0x64: {  	_ =	shalt  }
0x65: {  	_ =	shalt  }
0x66: {  	_ =	shalt  }
0x67: {  	_ =	shalt  }
0x68: {  	_ =	shalt  }
0x69: {  	_ =	shalt  }
0x6a: {  	_ =	shalt  }
0x6b: {  	_ =	shalt  }
0x6c: {  	_ =	shalt  }
0x6d: {  	_ =	shalt  }
0x6e: {  	_ =	shalt  }
0x6f: {  	_ =	shalt  }
0x70: {  	_ =	shalt  }
0x71: {  	_ =	shalt  }
0x72: {  	_ =	shalt  }
0x73: {  	_ =	shalt  }
0x74: {  	_ =	shalt  }
0x75: {  	_ =	shalt  }
0x76: {  	_ =	shalt  }
0x77: {  	_ =	shalt  }
0x78: {  	_ =	shalt  }
0x79: {  	_ =	shalt  }
0x7a: {  	_ =	shalt  }
0x7b: {  	_ =	shalt  }
0x7c: {  	_ =	shalt  }
0x7d: {  	_ =	shalt  }
0x7e: {  	_ =	shalt  }
0x7f: {  	_ =	shalt  }
0x80: {  	_ =	shalt  }
0x81: {  	_ =	shalt  }
0x82: {  	_ =	shalt  }
0x83: {  	_ =	shalt  }
0x84: {  	_ =	shalt  }
0x85: {  	_ =	shalt  }
0x86: {  	_ =	shalt  }
0x87: {  	_ =	shalt  }
.Lfunc_end0:
.L_simem_size_0:
called_computation.2_lowered:
.L_overlay_start_0:
0x88: {  	s2 =	sld [smem:$0x3FD9]  }
0x89: {  	s3 =	sld [smem:$0x3FFE];
	_ =	sdelay $0x1  }
0x8a: {  	s1 =	srdreg.scid  }
0x8b: {  	s0 =	sand.u32 $0x1, s1  }
0x8c: {  	s17 =	sshll.u32 s0, $0xA;
	s2 =	sadd.s32 s3, s2  }
0x8d: {  	s2 =	sadd.s32 s2, s17  }
0x8e: {  	[smem:$0x3FBE] =	sst s2  }
0x8f: {  	_ = 	snop  }
0x90: {  	s2 =	sld [smem:$0x3FD0];
	(tm) =	ssettm $0x1  }
0x91: {  	s18 =	sld [smem:$0x3FFB];
	_ =	sdelay $0x3  }
0x92: {  	_ =	strace s18  }
0x93: {  	s3 =	sld [smem:$0x3FFC];
	_ =	sdelay $0x3  }
0x94: {  	_ =	strace s3  }
0x95: {  	s3 =	sld [smem:$0x3FFD];
	_ =	sdelay $0x3  }
0x96: {  	_ =	strace s3  }
0x97: {  	_ =	strace $0x8FFFFFFF  }
0x98: {  	s19 =	sld [smem:$0x3FDB];
	_ =	sdelay $0x1  }
0x99: {  	s4 =	simm.s32 $_scs_section_size  }
0x9a: {  	s5 =	simm.s32 $_size__tile_overlayer_lowered;
	s6 =	simm.s32 $_tile_overlayer_lowered  }
0x9b: {  	s22 =	simm.s32 $0x1BFF;
	s21 =	sshll.u32 s6, $0x1;
	s3 =	sadd.s32 s4, s19  }
0x9c: {  	s7 =	simm.s32 $0x0;
	s20 =	sshll.u32 s5, $0x1;
	s5 =	sadd.s32 s21, s3  }
0x9d: {  	[timem:s7], [sflag:s22] =	dma.local [hbm:s5], s20  }
0x9e: {  	_ =	swait.ge [sflag:s22], s20  }
0x9f: {  	s4 =	ssub.s32 $0x0, s20;
	[sflag:s22] =	ssyncset.done $0x0  }
0xa0: {  	[sflag:s22] =	ssyncadd.s32 s4;
	_ =	sdelay $0x1  }
0xa1: {  	s23 =	simm.s32 $0x1B8B  }
0xa2: {  	_ =	swait.ge [sflag:s23], $0x1  }
0xa3: {  	[sflag:s23] =	ssyncset.done $0x0  }
0xa4: {  	s25 =	simm.s32 $0x1B8E;
	s24 =	sld [smem:$0x3FFE];
	[sflag:s23] =	ssyncadd.s32 $0xFFFFFFFF  }
0xa5: {  	s26 =	simm.s32 $execute0_lowered;
	[smem:$0x3FD2] =	sst s25  }
0xa6: {  	s5 =	sshll.u32 s26, $0x1;
	_ =	strace $0x8000004C;
	[dreg:$0x1] =	wrdreg $0xFFFFFFFF  }
0xa7: {  	s28 =	simm.s32 $_size_execute0_lowered;
	s3 =	sadd.s32 s3, s5;
	[dreg:$0x0] =	wrdreg $0x0  }
0xa8: {  	s5 =	sshll.u32 s28, $0x1;
	[dreg:$0x2] =	wrdreg s3  }
0xa9: {  	[dreg:$0x3] =	wrdreg s5  }
0xaa: {  	[dreg:$0x4] =	wrdreg $0xC0  }
0xab: {  	_ =	task [dreg:s7], $0x5FFFF  }
0xac: {  	[dreg:$0x1] =	wrdreg $0xFFFFFFFF  }
0xad: {  	[dreg:$0x0] =	wrdreg $0x60  }
0xae: {  	[dreg:$0x2] =	wrdreg s24  }
0xaf: {  	[dreg:$0x3] =	wrdreg s2  }
0xb0: {  	[dreg:$0x4] =	wrdreg $0x90000  }
0xb1: {  	[dreg:$0x5] =	wrdreg $0x9  }
0xb2: {  	_ =	task.clear_ibuf [dreg:s7], $0x6FFFF;
	_ =	strace $0x9000004C  }
0xb3: {  	s29 =	simm.s32 $0x9;
	_ =	strace $0x8000004E  }
0xb4: {  	_ =	swait.ge [sflag:s29], $0x1  }
0xb5: {  	[sflag:s29] =	ssyncadd.s32 $0xFFFFFFFF  }
0xb6: {  	_ =	strace $0x9000004E  }
0xb7: {  	_ =	sfence  }
0xb8: {  	s30 =	sld [smem:$0x0];
	_ =	sdelay $0x2  }
0xb9: {  	s31 =	sshll.u32 s1, $0xD;
	s1 =	sshrl.u32 s1, $0x2  }
0xba: {  	s3 =	sand.u32 $0x4000, s31;
	s1 =	sadd.s32 s1, s30  }
0xbb: {  	s0 =	sor.u32 s3, s0;
	s1 =	sshll.u32 s1, $0x11  }
0xbc: {  	s0 =	sor.u32 s1, s0  }
0xbd: {  	s0 =	sadd.s32 $0x8F2B, s0  }
0xbe: {  	[sflag:s0] =	ssyncadd.remote.s32 $0x1  }
0xbf: {  	_ =	sfence.sel $0xFFFF  }
0xc0: {  	[dreg:$0x0] =	wrdreg $0xFFFFFFFF;
	(pc) =	sbr.abs _section_cstart, $3  }
0xc1: {  	[dreg:$0x1] =	wrdreg $0xFFFFFFFF  }
0xc2: {  	_ =	task.clear_ibuf [dreg:s7], $0x2FFFF;
	_ =	strace $0x9FFFFFFF  }
0xc3: {  	(tm) =	ssettm $0x7FFFFFFF  }
tec
execute0_lowered:
.L_overlay_start_1:
0x0: {  	(tag) =	ssettag $0x1  }
0x1: {  	s0 =	rddreg [dreg:$0x0]  }
0x2: {  	s1 =	rddreg [dreg:$0x1]  }
0x3: {  	s2 =	rddreg [dreg:$0x2];
	s3 =	simm.s32 $0x0;
	s13 =	stileid.u32  }
0x4: {  	s4 =	srdreg.scid;
	s28 =	simm.s32 $0x4;
	s29 =	simm.s32 $0x0  }
0x5: {  	[smem:$0x7FF] =	sst s3;
	s5 =	smul.u32 $0x14000, s13;
	s6 =	sand.u32 $0x1, s4  }
0x6: {  	s4 =	sadd.s32 $0x3FA00, s0;
	s14 =	sadd.s32 $0x35A00, s0;
	s20 =	smul.u32 $0x50000, s13  }
0x7: {  	s9 =	sshll.u32 s13, $0x1;
	s22 =	smul.u32 $0x14, s13;
	s26 =	sshll.u32 s13, $0x6  }
0x8: {  	_ =	strace $0x8000004D;
	s8 =	smul.u32 $0x140000, s6;
	s19 =	sor.u32 s6, s9  }
0x9: {  	s10 =	ssub.s32 $0x2, s6;
	s24 =	smul.u32 $0xA, s6;
	s6 =	sor.u32 $0x1C06, s26  }
0xa: {  	s26 =	simm.s32 $0x2;
	s7 =	sshrl.u32 s5, $0x3;
	s11 =	smul.u32 $0x500, s19  }
0xb: {  	s21 =	sshrl.u32 s10, $0x1;
	s23 =	sshrl.u32 s20, $0x2;
	s20 =	simm.s32 $0x5  }
0xc: {  	s7 =	sadd.s32 s7, s0;
	s5 =	sadd.s32 s5, s8;
	s12 =	ssub.s32 s10, s21  }
0xd: {  	s15 =	sadd.s32 s23, s2;
	s9 =	sadd.s32 s24, s22;
	s21 =	simm.s32 $0x7D  }
0xe: {  	s22 =	simm.s32 $0x5000;
	s23 =	simm.s32 $0x1;
	s24 =	simm.s32 $0x1000  }
0xf: {  	s5 =	sshrl.u32 s5, $0x3;
	s25 =	sadd.s32 $0xD000, s7;
	s7 =	sadd.s32 s1, s11  }
0x10: {  	s8 =	sadd.s32 s14, s11;
	s30 =	sor.u32 $0x80, s11;
	s31 =	sshll.u32 s9, $0x7  }
0x11: {  	s12 =	smax.u32 s12, $0x1;
	s15 =	sshrl.u32 s15, $0x3;
	s0 =	sadd.s32 s5, s0  }
0x12: {  	[dreg:$0x4] =	wrdreg s25;
	s9 =	sadd.s32 s1, s30;
	s10 =	sadd.s32 s14, s30  }
0x13: {  	s16 =	sadd.s32 $0x100, s31;
	s25 =	simm.s32 $0x3;
	s11 =	sadd.s32 $0x67A00, s0  }
0x14: {  	s13 =	sadd.s32 s16, s1;
	s14 =	sadd.s32 s16, s14;
	s16 =	simm.s32 $0x6  }
.LBB2_1:
0x15: {  	s0 =	rddreg [dreg:$0x4]  }
0x16: {  	[spmem:s15], [sflag:s6] =	dma.local [hbm:s0], $0x2800  }
0x17: {  	_ =	swait.ge [sflag:s16], $0x2800  }
0x18: {  	[sflag:s16] =	ssyncset.done $0x0  }
0x19: {  	[sflag:s16] =	ssyncadd.s32 $0xFFFFD800  }
0x1a: {  	[tilespmem:s3], [sflag:$0x5] =	stream.linear.gather [hbm4b:s7+s3], $0x400, $0x38;
	[tilespmem:$0x1D000] =	vst v63  }
0x1b: {  	s17 =	simm.s32 $0x800  }
0x1c: {  	[tilespmem:s17], [sflag:$0x5] =	stream.linear.gather [hbm4b:s8+s3], $0x400, $0x38;
	[tilespmem:$0x1D000] =	vst v63  }
0x1d: {  	s18 =	simm.s32 $0x400  }
0x1e: {  	[tilespmem:s18], [sflag:$0x5] =	stream.linear.gather [hbm4b:s9+s3], $0x400, $0x38;
	[tilespmem:$0x1D000] =	vst v63  }
0x1f: {  	s19 =	simm.s32 $0xC00  }
0x20: {  	[tilespmem:s19], [sflag:$0x5] =	stream.linear.gather [hbm4b:s10+s3], $0x400, $0x38;
	[tilespmem:$0x1D000] =	vst v63  }
0x21: {  	[bflag:$0x0] =	sbarrier.arrive $0xFFFF  }
0x22: {  	_ =	swait.ge [sflag:s20], $0x400  }
0x23: {  	[sflag:s20] =	ssyncset.done $0x0  }
0x24: {  	[sflag:s20] =	ssyncadd.s32 $0xFFFFFC00  }
0x25: {  	_ =	swait.ge [sflag:s20], $0x400  }
0x26: {  	s30 =	simm.s32 $0x0;
	s31 =	simm.s32 $0x1000;
	[sflag:s20] =	ssyncset.done $0x0  }
0x27: {  	s1 =	simm.s32 $0x0;
	s0 =	simm.s32 $0x0;
	[sflag:s20] =	ssyncadd.s32 $0xFFFFFC00  }
0x28: {  	[tilespmem:s24], [sflag:$0x1] =	stream.indirect.gather [hbm4b:s4+s21], $0x80, s3, s21, $0xb8;
	[tilespmem:$0x1D000] =	vst v63  }
.LBB2_2:
0x29: {  	p0 =	seq.s32 s0, $0x480  }
0x2a: {  	s17 =	simm.s32 @!p0 $0x5  }
0x2b: {  	_ =	swait.ge @!p0 [sflag:s17], $0x400  }
0x2c: {  	[sflag:s17] =	ssyncset.done @!p0 $0x0  }
0x2d: {  	[sflag:s17] =	ssyncadd.s32 @!p0 $0xFFFFFC00  }
0x2e: {  	_ =	swait.ge @!p0 [sflag:s17], $0x400  }
0x2f: {  	p1 =	seq.s32 @!p0 s0, $0x0;
	[sflag:s17] =	ssyncset.done @!p0 $0x0  }
0x30: {  	p1 =	por p0, !p1;
	[sflag:s17] =	ssyncadd.s32 @!p0 $0xFFFFFC00  }
0x31: {  	_ =	swait.ge @p1 [sflag:s28], $0x3E80  }
0x32: {  	s17 =	sand.u32 $0x400, s30;
	[sflag:s28] =	ssyncset.done @p1 $0x0  }
0x33: {  	s18 =	sor.u32 $0x80, s17;
	[sflag:s28] =	ssyncadd.s32 @p1 $0xFFFFC180  }
0x34: {  	[tilespmem:s22], [sflag:$0x2] =	stream.indirect.gather [hbm4b:s4+s21], $0x80, s18, s21, $0xb8;
	[tilespmem:$0x1D000] =	vst v63  }
0x35: {  	_ =	swait.ge [sflag:s23], $0x3E80  }
0x36: {  	[sflag:s23] =	ssyncset.done $0x0  }
0x37: {  	s18 =	sor.u32 $0x800, s17;
	[sflag:s23] =	ssyncadd.s32 $0xFFFFC180  }
0x38: {  	[spmem:s2] =	stream.indirect.scatter.add.f32 [tilespmem:s24], [sflag:$0x3], $0x80, s18, s21, $0xb8;
	[tilespmem:$0x1D000] =	vst v63  }
0x39: {  	_ =	swait.ge [sflag:s25], $0x3E80  }
0x3a: {  	[sflag:s25] =	ssyncset.done $0x0  }
0x3b: {  	s19 =	sor.u32 $0x100, s17;
	[sflag:s25] =	ssyncadd.s32 $0xFFFFC180  }
0x3c: {  	[tilespmem:s24], [sflag:$0x1] =	stream.indirect.gather [hbm4b:s4+s21], $0x80, s19, s21, $0xb8;
	[tilespmem:$0x1D000] =	vst v63  }
0x3d: {  	_ =	swait.ge [sflag:s26], $0x3E80  }
0x3e: {  	[sflag:s26] =	ssyncset.done $0x0  }
0x3f: {  	s5 =	sor.u32 $0x880, s17;
	[sflag:s26] =	ssyncadd.s32 $0xFFFFC180  }
0x40: {  	[spmem:s2] =	stream.indirect.scatter.add.f32 [tilespmem:s22], [sflag:$0x4], $0x80, s5, s21, $0xb8;
	[tilespmem:$0x1D000] =	vst v63  }
0x41: {  	_ =	swait.ge [sflag:s28], $0x3E80  }
0x42: {  	[sflag:s28] =	ssyncset.done $0x0  }
0x43: {  	s5 =	sor.u32 $0x180, s17;
	[sflag:s28] =	ssyncadd.s32 $0xFFFFC180  }
0x44: {  	[tilespmem:s22], [sflag:$0x2] =	stream.indirect.gather [hbm4b:s4+s21], $0x80, s5, s21, $0xb8;
	[tilespmem:$0x1D000] =	vst v63  }
0x45: {  	_ =	swait.ge [sflag:s23], $0x3E80  }
0x46: {  	[sflag:s23] =	ssyncset.done $0x0  }
0x47: {  	s5 =	sor.u32 $0x900, s17;
	[sflag:s23] =	ssyncadd.s32 $0xFFFFC180  }
0x48: {  	[spmem:s2] =	stream.indirect.scatter.add.f32 [tilespmem:s24], [sflag:$0x3], $0x80, s5, s21, $0xb8;
	[tilespmem:$0x1D000] =	vst v63  }
0x49: {  	_ =	swait.ge [sflag:s25], $0x3E80  }
0x4a: {  	[sflag:s25] =	ssyncset.done $0x0  }
0x4b: {  	s5 =	sor.u32 $0x200, s17;
	[sflag:s25] =	ssyncadd.s32 $0xFFFFC180  }
0x4c: {  	[tilespmem:s24], [sflag:$0x1] =	stream.indirect.gather [hbm4b:s4+s21], $0x80, s5, s21, $0xb8;
	[tilespmem:$0x1D000] =	vst v63  }
0x4d: {  	_ =	swait.ge [sflag:s26], $0x3E80  }
0x4e: {  	[sflag:s26] =	ssyncset.done $0x0  }
0x4f: {  	s5 =	sor.u32 $0x980, s17;
	[sflag:s26] =	ssyncadd.s32 $0xFFFFC180  }
0x50: {  	[spmem:s2] =	stream.indirect.scatter.add.f32 [tilespmem:s22], [sflag:$0x4], $0x80, s5, s21, $0xb8;
	[tilespmem:$0x1D000] =	vst v63  }
0x51: {  	_ =	swait.ge [sflag:s28], $0x3E80  }
0x52: {  	[sflag:s28] =	ssyncset.done $0x0  }
0x53: {  	s5 =	sor.u32 $0x280, s17;
	[sflag:s28] =	ssyncadd.s32 $0xFFFFC180  }
0x54: {  	[tilespmem:s22], [sflag:$0x2] =	stream.indirect.gather [hbm4b:s4+s21], $0x80, s5, s21, $0xb8;
	[tilespmem:$0x1D000] =	vst v63  }
0x55: {  	_ =	swait.ge [sflag:s23], $0x3E80  }
0x56: {  	[sflag:s23] =	ssyncset.done $0x0  }
0x57: {  	s5 =	sor.u32 $0xA00, s17;
	[sflag:s23] =	ssyncadd.s32 $0xFFFFC180  }
0x58: {  	[spmem:s2] =	stream.indirect.scatter.add.f32 [tilespmem:s24], [sflag:$0x3], $0x80, s5, s21, $0xb8;
	[tilespmem:$0x1D000] =	vst v63  }
0x59: {  	_ =	swait.ge [sflag:s25], $0x3E80  }
0x5a: {  	[sflag:s25] =	ssyncset.done $0x0  }
0x5b: {  	s5 =	sor.u32 $0x300, s17;
	[sflag:s25] =	ssyncadd.s32 $0xFFFFC180  }
0x5c: {  	[tilespmem:s24], [sflag:$0x1] =	stream.indirect.gather [hbm4b:s4+s21], $0x80, s5, s21, $0xb8;
	[tilespmem:$0x1D000] =	vst v63  }
0x5d: {  	_ =	swait.ge [sflag:s26], $0x3E80  }
0x5e: {  	[sflag:s26] =	ssyncset.done $0x0  }
0x5f: {  	s5 =	sor.u32 $0xA80, s17;
	[sflag:s26] =	ssyncadd.s32 $0xFFFFC180  }
0x60: {  	[spmem:s2] =	stream.indirect.scatter.add.f32 [tilespmem:s22], [sflag:$0x4], $0x80, s5, s21, $0xb8;
	[tilespmem:$0x1D000] =	vst v63  }
0x61: {  	_ =	swait.ge [sflag:s28], $0x3E80  }
0x62: {  	[sflag:s28] =	ssyncset.done $0x0  }
0x63: {  	s5 =	sor.u32 $0x380, s17;
	[sflag:s28] =	ssyncadd.s32 $0xFFFFC180  }
0x64: {  	[tilespmem:s22], [sflag:$0x2] =	stream.indirect.gather [hbm4b:s4+s21], $0x80, s5, s21, $0xb8;
	[tilespmem:$0x1D000] =	vst v63  }
0x65: {  	_ =	swait.ge [sflag:s23], $0x3E80  }
0x66: {  	[sflag:s23] =	ssyncset.done $0x0  }
0x67: {  	s5 =	sor.u32 $0xB00, s17;
	[sflag:s23] =	ssyncadd.s32 $0xFFFFC180  }
0x68: {  	[spmem:s2] =	stream.indirect.scatter.add.f32 [tilespmem:s24], [sflag:$0x3], $0x80, s5, s21, $0xb8;
	[tilespmem:$0x1D000] =	vst v63  }
0x69: {  	_ =	swait.ge [sflag:s25], $0x3E80  }
0x6a: {  	s5 =	sand.u32 $0x1000, s31;
	[sflag:s25] =	ssyncset.done $0x0  }
0x6b: {  	s19 =	sshrl.u32 s5, $0x2;
	[sflag:s25] =	ssyncadd.s32 $0xFFFFC180  }
0x6c: {  	[tilespmem:s24], [sflag:$0x1] =	stream.indirect.gather [hbm4b:s4+s21], $0x80, s19, s21, $0xb8;
	[tilespmem:$0x1D000] =	vst v63  }
0x6d: {  	_ =	swait.ge [sflag:s26], $0x3E80  }
0x6e: {  	[sflag:s26] =	ssyncset.done $0x0  }
0x6f: {  	p0 =	sgt.u32 s1, $0x7;
	s5 =	sor.u32 $0xB80, s17;
	[sflag:s26] =	ssyncadd.s32 $0xFFFFC180  }
0x70: {  	[spmem:s2] =	stream.indirect.scatter.add.f32 [tilespmem:s22], [sflag:$0x4], $0x80, s5, s21, $0xb8;
	[tilespmem:$0x1D000] =	vst v63  }
0x71: {  	s19 =	sadd.s32 @!p0 s0, s13;
	s5 =	simm.s32 @!p0 $0x0  }
0x72: {  	[tilespmem:s17], [sflag:$0x5] =	stream.linear.gather @!p0 [hbm4b:s19+s5], $0x400, $0x38;
	[tilespmem:$0x1D000] =	vst v63  }
0x73: {  	s17 =	sadd.s32 @!p0 s0, s14;
	s0 =	sadd.s32 $0x80, s0  }
0x74: {  	[tilespmem:s18], [sflag:$0x5] =	stream.linear.gather @!p0 [hbm4b:s17+s5], $0x400, $0x38;
	[tilespmem:$0x1D000] =	vst v63  }
0x75: {  	p0 =	sne.s32 s0, $0x500  }
.Ltmp0:
0x76: {  	_ = 	snop;
	(pc) =	sbr.rel @p0 .LBB2_2-.Ltmp0, $2  }
0x77: {  	_ =	sdelay $0x2  }
0x78: {  	s30 =	sadd.s32 $0x400, s30;
	s1 =	sadd.s32 $0x1, s1;
	s31 =	sadd.s32 $0x1000, s31  }
0x79: {  	_ =	swait.ge [sflag:s28], $0x3E80  }
0x7a: {  	[sflag:s28] =	ssyncset.done $0x0  }
0x7b: {  	[sflag:s28] =	ssyncadd.s32 $0xFFFFC180  }
0x7c: {  	_ =	swait.ge [sflag:s23], $0x3E80  }
0x7d: {  	s29 =	sadd.s32 $0x1, s29;
	[sflag:s23] =	ssyncset.done $0x0  }
0x7e: {  	p0 =	sne.s32 s29, s12;
	[sflag:s23] =	ssyncadd.s32 $0xFFFFC180  }
.Ltmp1:
0x7f: {  	[bflag:$0x0] =	sbarrier.arrive $0xFFFF;
	(pc) =	sbr.rel @p0 .LBB2_1-.Ltmp1, $4  }
0x80: {  	[hbm:s11], [sflag:s6] =	dma.local [spmem:s15], $0x2800  }
0x81: {  	_ =	swait.ge [sflag:s16], $0x2800  }
0x82: {  	[sflag:s16] =	ssyncset.done $0x0  }
0x83: {  	[sflag:s16] =	ssyncadd.s32 $0xFFFFD800  }
0x84: {  	_ =	sfence.sel $0x180000  }
0x85: {  	[bflag:$0x0] =	sbarrier.arrive $0xFFFF  }
0x86: {  	_ =	strace $0x9000004D  }
0x87: {  	s0 =	stileid.u32;
	[bflag:$0x2] =	sbarrier.arrive $0xFFFF  }
0x88: {  	p0 =	sne.s32 s0, $0x0;
	s0 =	rddreg [dreg:$0x3]  }
0x89: {  	s0 =	sadd.s32 @!p0 $0x100000, s0  }
0x8a: {  	[sflag:s0] =	ssyncadd.tile.s32 @!p0 $0x1;
	_ =	shalt  }
.Lfunc_end2:
_tile_overlayer_lowered:
.L_overlay_start_2:
0x8b: {  	(tag) =	ssettag $0x2  }
0x8c: {  	s0 =	rddreg [dreg:$0x0];
	s2 =	stileid.u32  }
0x8d: {  	s1 =	rddreg [dreg:$0x1];
	p0 =	sne.s32 s2, $0x0  }
0x8e: {  	s3 =	rddreg [dreg:$0x2];
	[bflag:$0x3] =	sbarrier.arrive $0xFFFF;
	s2 =	simm.s32 @!p0 $0x1C06  }
0x8f: {  	[timem:s3], [sflag:s2] =	dma.local @!p0 [hbm:s0], s1  }
0x90: {  	s0 =	simm.s32 @!p0 $0x6  }
0x91: {  	_ =	swait.ge @!p0 [sflag:s0], s1  }
0x92: {  	s1 =	ssub.s32 @!p0 $0x0, s1;
	[sflag:s0] =	ssyncset.done @!p0 $0x0  }
0x93: {  	[sflag:s0] =	ssyncadd.s32 @!p0 s1  }
0x94: {  	[bflag:$0x3] =	sbarrier.arrive $0xFFFF  }
0x95: {  	_ =	shalt  }

// kernel: kernel.19.cloned.1.call-start
scs
__scs_entry_jumppad:
0x0: {  	(pc) =	sbr.rel $0x88, $3  }
0x1: {  	(tag) =	ssettag $0x0;
	lr =	simm.s32 $0x1  }
0x2: {  	[smem:$0x3F97] =	sst lr;
	_ =	strace $0xD0000000  }
0x3: {  	_ = 	snop  }
0x4: {  	_ = 	snop  }
0x5: {  	_ = 	snop  }
0x6: {  	_ = 	snop  }
0x7: {  	_ = 	snop  }
__scs_overlays_trampoline_lowered:
0x8: {  	[smem:$0x3FA6] =	sst s0  }
0x9: {  	[smem:$0x3FA7] =	sst s1  }
0xa: {  	[smem:$0x3FA8] =	sst s2  }
0xb: {  	[smem:$0x3FA9] =	sst s3  }
0xc: {  	[smem:$0x3FAA] =	sst s4  }
0xd: {  	[smem:$0x3FAB] =	sst s5  }
0xe: {  	[smem:$0x3FAC] =	sst s6  }
0xf: {  	[smem:$0x3FAD] =	sst s7  }
0x10: {  	[smem:$0x3FAE] =	sst s8  }
0x11: {  	[smem:$0x3FAF] =	sst s9;
	s0 =	simm.s32 @!p0 $0x0  }
0x12: {  	s1 =	sld [smem:$0x3F95];
	s0 =	simm.s32 @p0 $0x1  }
0x13: {  	[smem:$0x3FB0] =	sst s0;
	s0 =	simm.s32 @!p1 $0x0  }
0x14: {  	s2 =	sld [smem:$0x3F94];
	s0 =	simm.s32 @p1 $0x1  }
0x15: {  	[smem:$0x3FB1] =	sst s0;
	s0 =	simm.s32 @!p2 $0x0  }
0x16: {  	s3 =	sld [smem:$0x3FDB];
	s0 =	simm.s32 @p2 $0x1  }
0x17: {  	s4 =	simm.s32 $0x1BF5;
	[smem:$0x3FB3] =	sst s0  }
0x18: {  	s0 =	sld [smem:$0x3F96];
	_ =	swait.ge [sflag:s4], $0x0  }
0x19: {  	s7 =	sld [smem:$0x3F97]  }
0x1a: {  	s8 =	sadd.s32 $0xFFFFE003, lr  }
0x1b: {  	s9 =	sadd.s32 $0xFFFFFEF7, lr;
	s5 =	simm.s32 $0xFFFFFFFF;
	p2 =	slt.u32 s8, $0xFFFFF086  }
0x1c: {  	p1 =	slt.u32 s9, $0xF7A;
	s5 =	simm.s32 @!p2 $0x0  }
0x1d: {  	s5 =	simm.s32 @p1 $0x1;
	p0 =	seq.s32 s7, s2  }
0x1e: {  	s7 =	smul.u32 @!p0 $0xF7A, s2;
	p2 =	seq.s32 @!p0 s5, $0x0  }
0x1f: {  	s9 =	smul.u32 $0xF7A, s1;
	s8 =	simm.s32 @!p0 $0x1BF5;
	p2 =	por !p2, p0  }
0x20: {  	[sflag:s8] =	ssyncset.s32 @!p0 $0xFFFFF086;
	s6 =	sadd.s32 @!p0 s3, s7;
	s7 =	simm.s32 @!p0 $0x108  }
0x21: {  	s3 =	sadd.s32 s3, s9;
	s6 =	sadd.s32 @!p0 $0x88, s6;
	s7 =	simm.s32 @p2 $0x1082  }
0x22: {  	[simem:s7], [sflag:s8] =	dma.local @!p0 [hbm:s6], $0xF7A  }
0x23: {  	s9 =	sor.u32 $0xD0000000, s2;
	s6 =	simm.s32 $0x108;
	_ =	swait.ge @!p0 [sflag:s8], $0x0  }
0x24: {  	s3 =	sadd.s32 $0x88, s3;
	s6 =	simm.s32 @!p1 $0x1082;
	[sflag:s4] =	ssyncset.s32 $0xFFFFF086  }
0x25: {  	[simem:s6], [sflag:s4] =	dma.local [hbm:s3], $0xF7A  }
0x26: {  	[smem:$0x3F97] =	sst s1;
	(tag) =	ssettag s2;
	_ =	strace s9  }
0x27: {  	s1 =	sld [smem:$0x3FA7]  }
0x28: {  	s2 =	sld [smem:$0x3FA8]  }
0x29: {  	s4 =	sld [smem:$0x3FAA]  }
0x2a: {  	p0 =	seq.s32 s5, $0x0;
	s5 =	sld [smem:$0x3FAB]  }
0x2b: {  	s6 =	sld [smem:$0x3FAC]  }
0x2c: {  	s7 =	sld [smem:$0x3FAD]  }
0x2d: {  	s3 =	simm.s32 $0x108;
	s8 =	sld [smem:$0x3FAE]  }
0x2e: {  	s3 =	simm.s32 @!p0 $0x1082;
	s9 =	sld [smem:$0x3FAF]  }
0x2f: {  	lr =	sadd.s32 s0, s3;
	s0 =	sld [smem:$0x3FA6]  }
0x30: {  	s3 =	sld [smem:$0x3FA9]  }
0x31: {  	[smem:$0x3FB2] =	sst s10  }
0x32: {  	s10 =	sld [smem:$0x3FB0];
	_ =	sdelay $0x3  }
0x33: {  	p0 =	seq.s32 s10, $0x1;
	s10 =	sld [smem:$0x3FB2];
	_ =	sdelay $0x3  }
0x34: {  	[smem:$0x3FB2] =	sst s10  }
0x35: {  	s10 =	sld [smem:$0x3FB1];
	_ =	sdelay $0x3  }
0x36: {  	p1 =	seq.s32 s10, $0x1;
	s10 =	sld [smem:$0x3FB2];
	_ =	sdelay $0x3  }
0x37: {  	[smem:$0x3FB2] =	sst s10  }
0x38: {  	s10 =	sld [smem:$0x3FB3]  }
0x39: {  	_ = 	snop;
	(pc) =	sbr.ind lr, $3  }
0x3a: {  	_ = 	snop  }
0x3b: {  	_ = 	snop  }
0x3c: {  	p2 =	seq.s32 s10, $0x1;
	s10 =	sld [smem:$0x3FB2]  }
0x3d: {  	_ =	shalt  }
0x3e: {  	_ =	shalt  }
0x3f: {  	_ =	shalt  }
0x40: {  	_ =	shalt  }
0x41: {  	_ =	shalt  }
0x42: {  	_ =	shalt  }
0x43: {  	_ =	shalt  }
0x44: {  	_ =	shalt  }
0x45: {  	_ =	shalt  }
0x46: {  	_ =	shalt  }
0x47: {  	_ =	shalt  }
0x48: {  	_ =	shalt  }
0x49: {  	_ =	shalt  }
0x4a: {  	_ =	shalt  }
0x4b: {  	_ =	shalt  }
0x4c: {  	_ =	shalt  }
0x4d: {  	_ =	shalt  }
0x4e: {  	_ =	shalt  }
0x4f: {  	_ =	shalt  }
0x50: {  	_ =	shalt  }
0x51: {  	_ =	shalt  }
0x52: {  	_ =	shalt  }
0x53: {  	_ =	shalt  }
0x54: {  	_ =	shalt  }
0x55: {  	_ =	shalt  }
0x56: {  	_ =	shalt  }
0x57: {  	_ =	shalt  }
0x58: {  	_ =	shalt  }
0x59: {  	_ =	shalt  }
0x5a: {  	_ =	shalt  }
0x5b: {  	_ =	shalt  }
0x5c: {  	_ =	shalt  }
0x5d: {  	_ =	shalt  }
0x5e: {  	_ =	shalt  }
0x5f: {  	_ =	shalt  }
0x60: {  	_ =	shalt  }
0x61: {  	_ =	shalt  }
0x62: {  	_ =	shalt  }
0x63: {  	_ =	shalt  }
0x64: {  	_ =	shalt  }
0x65: {  	_ =	shalt  }
0x66: {  	_ =	shalt  }
0x67: {  	_ =	shalt  }
0x68: {  	_ =	shalt  }
0x69: {  	_ =	shalt  }
0x6a: {  	_ =	shalt  }
0x6b: {  	_ =	shalt  }
0x6c: {  	_ =	shalt  }
0x6d: {  	_ =	shalt  }
0x6e: {  	_ =	shalt  }
0x6f: {  	_ =	shalt  }
0x70: {  	_ =	shalt  }
0x71: {  	_ =	shalt  }
0x72: {  	_ =	shalt  }
0x73: {  	_ =	shalt  }
0x74: {  	_ =	shalt  }
0x75: {  	_ =	shalt  }
0x76: {  	_ =	shalt  }
0x77: {  	_ =	shalt  }
0x78: {  	_ =	shalt  }
0x79: {  	_ =	shalt  }
0x7a: {  	_ =	shalt  }
0x7b: {  	_ =	shalt  }
0x7c: {  	_ =	shalt  }
0x7d: {  	_ =	shalt  }
0x7e: {  	_ =	shalt  }
0x7f: {  	_ =	shalt  }
0x80: {  	_ =	shalt  }
0x81: {  	_ =	shalt  }
0x82: {  	_ =	shalt  }
0x83: {  	_ =	shalt  }
0x84: {  	_ =	shalt  }
0x85: {  	_ =	shalt  }
0x86: {  	_ =	shalt  }
0x87: {  	_ =	shalt  }
.Lfunc_end0:
.L_simem_size_0:
called_computation.3_lowered:
.L_overlay_start_0:
0x88: {  	s2 =	sld [smem:$0x3FD9]  }
0x89: {  	s3 =	sld [smem:$0x3FFE];
	_ =	sdelay $0x1  }
0x8a: {  	s1 =	srdreg.scid  }
0x8b: {  	s0 =	sand.u32 $0x1, s1  }
0x8c: {  	s17 =	sshll.u32 s0, $0xA;
	s2 =	sadd.s32 s3, s2  }
0x8d: {  	s2 =	sadd.s32 s2, s17  }
0x8e: {  	[smem:$0x3FBE] =	sst s2  }
0x8f: {  	_ = 	snop  }
0x90: {  	s2 =	sld [smem:$0x3FD0];
	(tm) =	ssettm $0x1  }
0x91: {  	s18 =	sld [smem:$0x3FFB];
	_ =	sdelay $0x3  }
0x92: {  	_ =	strace s18  }
0x93: {  	s3 =	sld [smem:$0x3FFC];
	_ =	sdelay $0x3  }
0x94: {  	_ =	strace s3  }
0x95: {  	s3 =	sld [smem:$0x3FFD];
	_ =	sdelay $0x3  }
0x96: {  	_ =	strace s3  }
0x97: {  	_ =	strace $0x8FFFFFFF  }
0x98: {  	s19 =	sld [smem:$0x3FDB];
	_ =	sdelay $0x1  }
0x99: {  	s4 =	simm.s32 $_scs_section_size  }
0x9a: {  	s5 =	simm.s32 $_size__tile_overlayer_lowered;
	s6 =	simm.s32 $_tile_overlayer_lowered  }
0x9b: {  	s22 =	simm.s32 $0x1BFF;
	s21 =	sshll.u32 s6, $0x1;
	s3 =	sadd.s32 s4, s19  }
0x9c: {  	s7 =	simm.s32 $0x0;
	s20 =	sshll.u32 s5, $0x1;
	s5 =	sadd.s32 s21, s3  }
0x9d: {  	[timem:s7], [sflag:s22] =	dma.local [hbm:s5], s20  }
0x9e: {  	_ =	swait.ge [sflag:s22], s20  }
0x9f: {  	s4 =	ssub.s32 $0x0, s20;
	[sflag:s22] =	ssyncset.done $0x0  }
0xa0: {  	[sflag:s22] =	ssyncadd.s32 s4;
	_ =	sdelay $0x1  }
0xa1: {  	s23 =	simm.s32 $0x1B8B  }
0xa2: {  	_ =	swait.ge [sflag:s23], $0x1  }
0xa3: {  	[sflag:s23] =	ssyncset.done $0x0  }
0xa4: {  	s25 =	simm.s32 $0x1B8E;
	s24 =	sld [smem:$0x3FFE];
	[sflag:s23] =	ssyncadd.s32 $0xFFFFFFFF  }
0xa5: {  	s26 =	simm.s32 $execute0_lowered;
	[smem:$0x3FD2] =	sst s25  }
0xa6: {  	s5 =	sshll.u32 s26, $0x1;
	_ =	strace $0x8000004F;
	[dreg:$0x1] =	wrdreg $0xFFFFFFFF  }
0xa7: {  	s28 =	simm.s32 $_size_execute0_lowered;
	s3 =	sadd.s32 s3, s5;
	[dreg:$0x0] =	wrdreg $0x0  }
0xa8: {  	s5 =	sshll.u32 s28, $0x1;
	[dreg:$0x2] =	wrdreg s3  }
0xa9: {  	[dreg:$0x3] =	wrdreg s5  }
0xaa: {  	[dreg:$0x4] =	wrdreg $0xC0  }
0xab: {  	_ =	task [dreg:s7], $0x5FFFF  }
0xac: {  	[dreg:$0x1] =	wrdreg $0xFFFFFFFF  }
0xad: {  	[dreg:$0x0] =	wrdreg $0x60  }
0xae: {  	[dreg:$0x2] =	wrdreg s24  }
0xaf: {  	[dreg:$0x3] =	wrdreg s2  }
0xb0: {  	[dreg:$0x4] =	wrdreg $0x90000  }
0xb1: {  	[dreg:$0x5] =	wrdreg $0x9  }
0xb2: {  	_ =	task.clear_ibuf [dreg:s7], $0x6FFFF;
	_ =	strace $0x9000004F  }
0xb3: {  	s29 =	simm.s32 $0x9;
	_ =	strace $0x80000051  }
0xb4: {  	_ =	swait.ge [sflag:s29], $0x1  }
0xb5: {  	[sflag:s29] =	ssyncadd.s32 $0xFFFFFFFF  }
0xb6: {  	_ =	strace $0x90000051  }
0xb7: {  	_ =	sfence  }
0xb8: {  	s30 =	sld [smem:$0x0];
	_ =	sdelay $0x2  }
0xb9: {  	s31 =	sshll.u32 s1, $0xD;
	s1 =	sshrl.u32 s1, $0x2  }
0xba: {  	s3 =	sand.u32 $0x4000, s31;
	s1 =	sadd.s32 s1, s30  }
0xbb: {  	s0 =	sor.u32 s3, s0;
	s1 =	sshll.u32 s1, $0x11  }
0xbc: {  	s0 =	sor.u32 s1, s0  }
0xbd: {  	s0 =	sadd.s32 $0x8F2B, s0  }
0xbe: {  	[sflag:s0] =	ssyncadd.remote.s32 $0x1  }
0xbf: {  	_ =	sfence.sel $0xFFFF  }
0xc0: {  	[dreg:$0x0] =	wrdreg $0xFFFFFFFF;
	(pc) =	sbr.abs _section_cstart, $3  }
0xc1: {  	[dreg:$0x1] =	wrdreg $0xFFFFFFFF  }
0xc2: {  	_ =	task.clear_ibuf [dreg:s7], $0x2FFFF;
	_ =	strace $0x9FFFFFFF  }
0xc3: {  	(tm) =	ssettm $0x7FFFFFFF  }
tec
execute0_lowered:
.L_overlay_start_1:
0x0: {  	(tag) =	ssettag $0x1  }
0x1: {  	s0 =	rddreg [dreg:$0x0]  }
0x2: {  	s1 =	rddreg [dreg:$0x1]  }
0x3: {  	s2 =	rddreg [dreg:$0x2];
	s3 =	simm.s32 $0x0;
	s13 =	stileid.u32  }
0x4: {  	s4 =	srdreg.scid;
	s28 =	simm.s32 $0x4;
	s29 =	simm.s32 $0x0  }
0x5: {  	[smem:$0x7FF] =	sst s3;
	s5 =	smul.u32 $0x14000, s13;
	s6 =	sand.u32 $0x1, s4  }
0x6: {  	s4 =	sadd.s32 $0x3FA00, s0;
	s14 =	sadd.s32 $0x35A00, s0;
	s20 =	smul.u32 $0x50000, s13  }
0x7: {  	s9 =	sshll.u32 s13, $0x1;
	s22 =	smul.u32 $0x14, s13;
	s26 =	sshll.u32 s13, $0x6  }
0x8: {  	_ =	strace $0x80000050;
	s8 =	smul.u32 $0x140000, s6;
	s19 =	sor.u32 s6, s9  }
0x9: {  	s10 =	ssub.s32 $0x2, s6;
	s24 =	smul.u32 $0xA, s6;
	s6 =	sor.u32 $0x1C06, s26  }
0xa: {  	s26 =	simm.s32 $0x2;
	s7 =	sshrl.u32 s5, $0x3;
	s11 =	smul.u32 $0x500, s19  }
0xb: {  	s21 =	sshrl.u32 s10, $0x1;
	s23 =	sshrl.u32 s20, $0x2;
	s20 =	simm.s32 $0x5  }
0xc: {  	s7 =	sadd.s32 s7, s0;
	s5 =	sadd.s32 s5, s8;
	s12 =	ssub.s32 s10, s21  }
0xd: {  	s15 =	sadd.s32 s23, s2;
	s9 =	sadd.s32 s24, s22;
	s21 =	simm.s32 $0x7D  }
0xe: {  	s22 =	simm.s32 $0x5000;
	s23 =	simm.s32 $0x1;
	s24 =	simm.s32 $0x1000  }
0xf: {  	s5 =	sshrl.u32 s5, $0x3;
	s25 =	sadd.s32 $0xD000, s7;
	s7 =	sadd.s32 s1, s11  }
0x10: {  	s8 =	sadd.s32 s14, s11;
	s30 =	sor.u32 $0x80, s11;
	s31 =	sshll.u32 s9, $0x7  }
0x11: {  	s12 =	smax.u32 s12, $0x1;
	s15 =	sshrl.u32 s15, $0x3;
	s0 =	sadd.s32 s5, s0  }
0x12: {  	[dreg:$0x4] =	wrdreg s25;
	s9 =	sadd.s32 s1, s30;
	s10 =	sadd.s32 s14, s30  }
0x13: {  	s16 =	sadd.s32 $0x100, s31;
	s25 =	simm.s32 $0x3;
	s11 =	sadd.s32 $0x67A00, s0  }
0x14: {  	s13 =	sadd.s32 s16, s1;
	s14 =	sadd.s32 s16, s14;
	s16 =	simm.s32 $0x6  }
.LBB2_1:
0x15: {  	s0 =	rddreg [dreg:$0x4]  }
0x16: {  	[spmem:s15], [sflag:s6] =	dma.local [hbm:s0], $0x2800  }
0x17: {  	_ =	swait.ge [sflag:s16], $0x2800  }
0x18: {  	[sflag:s16] =	ssyncset.done $0x0  }
0x19: {  	[sflag:s16] =	ssyncadd.s32 $0xFFFFD800  }
0x1a: {  	[tilespmem:s3], [sflag:$0x5] =	stream.linear.gather [hbm4b:s7+s3], $0x400, $0x38;
	[tilespmem:$0x1D000] =	vst v63  }
0x1b: {  	s17 =	simm.s32 $0x800  }
0x1c: {  	[tilespmem:s17], [sflag:$0x5] =	stream.linear.gather [hbm4b:s8+s3], $0x400, $0x38;
	[tilespmem:$0x1D000] =	vst v63  }
0x1d: {  	s18 =	simm.s32 $0x400  }
0x1e: {  	[tilespmem:s18], [sflag:$0x5] =	stream.linear.gather [hbm4b:s9+s3], $0x400, $0x38;
	[tilespmem:$0x1D000] =	vst v63  }
0x1f: {  	s19 =	simm.s32 $0xC00  }
0x20: {  	[tilespmem:s19], [sflag:$0x5] =	stream.linear.gather [hbm4b:s10+s3], $0x400, $0x38;
	[tilespmem:$0x1D000] =	vst v63  }
0x21: {  	[bflag:$0x0] =	sbarrier.arrive $0xFFFF  }
0x22: {  	_ =	swait.ge [sflag:s20], $0x400  }
0x23: {  	[sflag:s20] =	ssyncset.done $0x0  }
0x24: {  	[sflag:s20] =	ssyncadd.s32 $0xFFFFFC00  }
0x25: {  	_ =	swait.ge [sflag:s20], $0x400  }
0x26: {  	s30 =	simm.s32 $0x0;
	s31 =	simm.s32 $0x1000;
	[sflag:s20] =	ssyncset.done $0x0  }
0x27: {  	s1 =	simm.s32 $0x0;
	s0 =	simm.s32 $0x0;
	[sflag:s20] =	ssyncadd.s32 $0xFFFFFC00  }
0x28: {  	[tilespmem:s24], [sflag:$0x1] =	stream.indirect.gather [hbm4b:s4+s21], $0x80, s3, s21, $0xb8;
	[tilespmem:$0x1D000] =	vst v63  }
.LBB2_2:
0x29: {  	p0 =	seq.s32 s0, $0x480  }
0x2a: {  	s17 =	simm.s32 @!p0 $0x5  }
0x2b: {  	_ =	swait.ge @!p0 [sflag:s17], $0x400  }
0x2c: {  	[sflag:s17] =	ssyncset.done @!p0 $0x0  }
0x2d: {  	[sflag:s17] =	ssyncadd.s32 @!p0 $0xFFFFFC00  }
0x2e: {  	_ =	swait.ge @!p0 [sflag:s17], $0x400  }
0x2f: {  	p1 =	seq.s32 @!p0 s0, $0x0;
	[sflag:s17] =	ssyncset.done @!p0 $0x0  }
0x30: {  	p1 =	por p0, !p1;
	[sflag:s17] =	ssyncadd.s32 @!p0 $0xFFFFFC00  }
0x31: {  	_ =	swait.ge @p1 [sflag:s28], $0x3E80  }
0x32: {  	s17 =	sand.u32 $0x400, s30;
	[sflag:s28] =	ssyncset.done @p1 $0x0  }
0x33: {  	s18 =	sor.u32 $0x80, s17;
	[sflag:s28] =	ssyncadd.s32 @p1 $0xFFFFC180  }
0x34: {  	[tilespmem:s22], [sflag:$0x2] =	stream.indirect.gather [hbm4b:s4+s21], $0x80, s18, s21, $0xb8;
	[tilespmem:$0x1D000] =	vst v63  }
0x35: {  	_ =	swait.ge [sflag:s23], $0x3E80  }
0x36: {  	[sflag:s23] =	ssyncset.done $0x0  }
0x37: {  	s18 =	sor.u32 $0x800, s17;
	[sflag:s23] =	ssyncadd.s32 $0xFFFFC180  }
0x38: {  	[spmem:s2] =	stream.indirect.scatter.add.f32 [tilespmem:s24], [sflag:$0x3], $0x80, s18, s21, $0xb8;
	[tilespmem:$0x1D000] =	vst v63  }
0x39: {  	_ =	swait.ge [sflag:s25], $0x3E80  }
0x3a: {  	[sflag:s25] =	ssyncset.done $0x0  }
0x3b: {  	s19 =	sor.u32 $0x100, s17;
	[sflag:s25] =	ssyncadd.s32 $0xFFFFC180  }
0x3c: {  	[tilespmem:s24], [sflag:$0x1] =	stream.indirect.gather [hbm4b:s4+s21], $0x80, s19, s21, $0xb8;
	[tilespmem:$0x1D000] =	vst v63  }
0x3d: {  	_ =	swait.ge [sflag:s26], $0x3E80  }
0x3e: {  	[sflag:s26] =	ssyncset.done $0x0  }
0x3f: {  	s5 =	sor.u32 $0x880, s17;
	[sflag:s26] =	ssyncadd.s32 $0xFFFFC180  }
0x40: {  	[spmem:s2] =	stream.indirect.scatter.add.f32 [tilespmem:s22], [sflag:$0x4], $0x80, s5, s21, $0xb8;
	[tilespmem:$0x1D000] =	vst v63  }
0x41: {  	_ =	swait.ge [sflag:s28], $0x3E80  }
0x42: {  	[sflag:s28] =	ssyncset.done $0x0  }
0x43: {  	s5 =	sor.u32 $0x180, s17;
	[sflag:s28] =	ssyncadd.s32 $0xFFFFC180  }
0x44: {  	[tilespmem:s22], [sflag:$0x2] =	stream.indirect.gather [hbm4b:s4+s21], $0x80, s5, s21, $0xb8;
	[tilespmem:$0x1D000] =	vst v63  }
0x45: {  	_ =	swait.ge [sflag:s23], $0x3E80  }
0x46: {  	[sflag:s23] =	ssyncset.done $0x0  }
0x47: {  	s5 =	sor.u32 $0x900, s17;
	[sflag:s23] =	ssyncadd.s32 $0xFFFFC180  }
0x48: {  	[spmem:s2] =	stream.indirect.scatter.add.f32 [tilespmem:s24], [sflag:$0x3], $0x80, s5, s21, $0xb8;
	[tilespmem:$0x1D000] =	vst v63  }
0x49: {  	_ =	swait.ge [sflag:s25], $0x3E80  }
0x4a: {  	[sflag:s25] =	ssyncset.done $0x0  }
0x4b: {  	s5 =	sor.u32 $0x200, s17;
	[sflag:s25] =	ssyncadd.s32 $0xFFFFC180  }
0x4c: {  	[tilespmem:s24], [sflag:$0x1] =	stream.indirect.gather [hbm4b:s4+s21], $0x80, s5, s21, $0xb8;
	[tilespmem:$0x1D000] =	vst v63  }
0x4d: {  	_ =	swait.ge [sflag:s26], $0x3E80  }
0x4e: {  	[sflag:s26] =	ssyncset.done $0x0  }
0x4f: {  	s5 =	sor.u32 $0x980, s17;
	[sflag:s26] =	ssyncadd.s32 $0xFFFFC180  }
0x50: {  	[spmem:s2] =	stream.indirect.scatter.add.f32 [tilespmem:s22], [sflag:$0x4], $0x80, s5, s21, $0xb8;
	[tilespmem:$0x1D000] =	vst v63  }
0x51: {  	_ =	swait.ge [sflag:s28], $0x3E80  }
0x52: {  	[sflag:s28] =	ssyncset.done $0x0  }
0x53: {  	s5 =	sor.u32 $0x280, s17;
	[sflag:s28] =	ssyncadd.s32 $0xFFFFC180  }
0x54: {  	[tilespmem:s22], [sflag:$0x2] =	stream.indirect.gather [hbm4b:s4+s21], $0x80, s5, s21, $0xb8;
	[tilespmem:$0x1D000] =	vst v63  }
0x55: {  	_ =	swait.ge [sflag:s23], $0x3E80  }
0x56: {  	[sflag:s23] =	ssyncset.done $0x0  }
0x57: {  	s5 =	sor.u32 $0xA00, s17;
	[sflag:s23] =	ssyncadd.s32 $0xFFFFC180  }
0x58: {  	[spmem:s2] =	stream.indirect.scatter.add.f32 [tilespmem:s24], [sflag:$0x3], $0x80, s5, s21, $0xb8;
	[tilespmem:$0x1D000] =	vst v63  }
0x59: {  	_ =	swait.ge [sflag:s25], $0x3E80  }
0x5a: {  	[sflag:s25] =	ssyncset.done $0x0  }
0x5b: {  	s5 =	sor.u32 $0x300, s17;
	[sflag:s25] =	ssyncadd.s32 $0xFFFFC180  }
0x5c: {  	[tilespmem:s24], [sflag:$0x1] =	stream.indirect.gather [hbm4b:s4+s21], $0x80, s5, s21, $0xb8;
	[tilespmem:$0x1D000] =	vst v63  }
0x5d: {  	_ =	swait.ge [sflag:s26], $0x3E80  }
0x5e: {  	[sflag:s26] =	ssyncset.done $0x0  }
0x5f: {  	s5 =	sor.u32 $0xA80, s17;
	[sflag:s26] =	ssyncadd.s32 $0xFFFFC180  }
0x60: {  	[spmem:s2] =	stream.indirect.scatter.add.f32 [tilespmem:s22], [sflag:$0x4], $0x80, s5, s21, $0xb8;
	[tilespmem:$0x1D000] =	vst v63  }
0x61: {  	_ =	swait.ge [sflag:s28], $0x3E80  }
0x62: {  	[sflag:s28] =	ssyncset.done $0x0  }
0x63: {  	s5 =	sor.u32 $0x380, s17;
	[sflag:s28] =	ssyncadd.s32 $0xFFFFC180  }
0x64: {  	[tilespmem:s22], [sflag:$0x2] =	stream.indirect.gather [hbm4b:s4+s21], $0x80, s5, s21, $0xb8;
	[tilespmem:$0x1D000] =	vst v63  }
0x65: {  	_ =	swait.ge [sflag:s23], $0x3E80  }
0x66: {  	[sflag:s23] =	ssyncset.done $0x0  }
0x67: {  	s5 =	sor.u32 $0xB00, s17;
	[sflag:s23] =	ssyncadd.s32 $0xFFFFC180  }
0x68: {  	[spmem:s2] =	stream.indirect.scatter.add.f32 [tilespmem:s24], [sflag:$0x3], $0x80, s5, s21, $0xb8;
	[tilespmem:$0x1D000] =	vst v63  }
0x69: {  	_ =	swait.ge [sflag:s25], $0x3E80  }
0x6a: {  	s5 =	sand.u32 $0x1000, s31;
	[sflag:s25] =	ssyncset.done $0x0  }
0x6b: {  	s19 =	sshrl.u32 s5, $0x2;
	[sflag:s25] =	ssyncadd.s32 $0xFFFFC180  }
0x6c: {  	[tilespmem:s24], [sflag:$0x1] =	stream.indirect.gather [hbm4b:s4+s21], $0x80, s19, s21, $0xb8;
	[tilespmem:$0x1D000] =	vst v63  }
0x6d: {  	_ =	swait.ge [sflag:s26], $0x3E80  }
0x6e: {  	[sflag:s26] =	ssyncset.done $0x0  }
0x6f: {  	p0 =	sgt.u32 s1, $0x7;
	s5 =	sor.u32 $0xB80, s17;
	[sflag:s26] =	ssyncadd.s32 $0xFFFFC180  }
0x70: {  	[spmem:s2] =	stream.indirect.scatter.add.f32 [tilespmem:s22], [sflag:$0x4], $0x80, s5, s21, $0xb8;
	[tilespmem:$0x1D000] =	vst v63  }
0x71: {  	s19 =	sadd.s32 @!p0 s0, s13;
	s5 =	simm.s32 @!p0 $0x0  }
0x72: {  	[tilespmem:s17], [sflag:$0x5] =	stream.linear.gather @!p0 [hbm4b:s19+s5], $0x400, $0x38;
	[tilespmem:$0x1D000] =	vst v63  }
0x73: {  	s17 =	sadd.s32 @!p0 s0, s14;
	s0 =	sadd.s32 $0x80, s0  }
0x74: {  	[tilespmem:s18], [sflag:$0x5] =	stream.linear.gather @!p0 [hbm4b:s17+s5], $0x400, $0x38;
	[tilespmem:$0x1D000] =	vst v63  }
0x75: {  	p0 =	sne.s32 s0, $0x500  }
.Ltmp0:
0x76: {  	_ = 	snop;
	(pc) =	sbr.rel @p0 .LBB2_2-.Ltmp0, $2  }
0x77: {  	_ =	sdelay $0x2  }
0x78: {  	s30 =	sadd.s32 $0x400, s30;
	s1 =	sadd.s32 $0x1, s1;
	s31 =	sadd.s32 $0x1000, s31  }
0x79: {  	_ =	swait.ge [sflag:s28], $0x3E80  }
0x7a: {  	[sflag:s28] =	ssyncset.done $0x0  }
0x7b: {  	[sflag:s28] =	ssyncadd.s32 $0xFFFFC180  }
0x7c: {  	_ =	swait.ge [sflag:s23], $0x3E80  }
0x7d: {  	s29 =	sadd.s32 $0x1, s29;
	[sflag:s23] =	ssyncset.done $0x0  }
0x7e: {  	p0 =	sne.s32 s29, s12;
	[sflag:s23] =	ssyncadd.s32 $0xFFFFC180  }
.Ltmp1:
0x7f: {  	[bflag:$0x0] =	sbarrier.arrive $0xFFFF;
	(pc) =	sbr.rel @p0 .LBB2_1-.Ltmp1, $4  }
0x80: {  	[hbm:s11], [sflag:s6] =	dma.local [spmem:s15], $0x2800  }
0x81: {  	_ =	swait.ge [sflag:s16], $0x2800  }
0x82: {  	[sflag:s16] =	ssyncset.done $0x0  }
0x83: {  	[sflag:s16] =	ssyncadd.s32 $0xFFFFD800  }
0x84: {  	_ =	sfence.sel $0x180000  }
0x85: {  	[bflag:$0x0] =	sbarrier.arrive $0xFFFF  }
0x86: {  	_ =	strace $0x90000050  }
0x87: {  	s0 =	stileid.u32;
	[bflag:$0x2] =	sbarrier.arrive $0xFFFF  }
0x88: {  	p0 =	sne.s32 s0, $0x0;
	s0 =	rddreg [dreg:$0x3]  }
0x89: {  	s0 =	sadd.s32 @!p0 $0x100000, s0  }
0x8a: {  	[sflag:s0] =	ssyncadd.tile.s32 @!p0 $0x1;
	_ =	shalt  }
.Lfunc_end2:
_tile_overlayer_lowered:
.L_overlay_start_2:
0x8b: {  	(tag) =	ssettag $0x2  }
0x8c: {  	s0 =	rddreg [dreg:$0x0];
	s2 =	stileid.u32  }
0x8d: {  	s1 =	rddreg [dreg:$0x1];
	p0 =	sne.s32 s2, $0x0  }
0x8e: {  	s3 =	rddreg [dreg:$0x2];
	[bflag:$0x3] =	sbarrier.arrive $0xFFFF;
	s2 =	simm.s32 @!p0 $0x1C06  }
0x8f: {  	[timem:s3], [sflag:s2] =	dma.local @!p0 [hbm:s0], s1  }
0x90: {  	s0 =	simm.s32 @!p0 $0x6  }
0x91: {  	_ =	swait.ge @!p0 [sflag:s0], s1  }
0x92: {  	s1 =	ssub.s32 @!p0 $0x0, s1;
	[sflag:s0] =	ssyncset.done @!p0 $0x0  }
0x93: {  	[sflag:s0] =	ssyncadd.s32 @!p0 s1  }
0x94: {  	[bflag:$0x3] =	sbarrier.arrive $0xFFFF  }
0x95: {  	_ =	shalt  }

</sc_bundles>
